<compile_context>
chip_gen: v7x
topology: tpu7x:2x2x1
jax: 0.10.2.dev20260603
libtpu: 0.0.44.dev20260713+nightly
codegen_flags: <defaults>
</compile_context>

<pallas_src>
import functools

import jax
import jax.numpy as jnp
from jax import lax
from jax.experimental import pallas as pl
from jax.experimental.pallas import tpu as pltpu
from jax.experimental.pallas import tpu_sc as plsc

N = 10000
E = 320000
D = 128
DA = 160

NC = 2
NS = 16
NW = NC * NS
EP = 327680
EPAD = EP - E
EW = EP // NW
NP = 10240
RPS = NP // NS

CH_D, SB_D = 128, 10
CH_A, SB_A = 128, 10


def _fill_2d(ref, rows, width, value):
    def row(i, _):
        def col(j, _):
            ref[i, pl.ds(j * 32, 32)] = jnp.full((32,), value, jnp.bfloat16)
            return 0
        lax.fori_loop(0, width // 32, col, 0)
        return 0
    lax.fori_loop(0, rows, row, 0)


def _sc_agg_body(w, ch, sb, y_hbm, src_hbm, dst_hbm, out_hbm, src_v, dst_v,
                 rows_a, rows_b, acc, sem_ga, sem_gb, sem_sa, sem_sb):
    pairs = sb // 2
    nsb = (EW // ch) // sb
    c = lax.axis_index("c")
    s = lax.axis_index("s")
    wid = c * NS + s

    _fill_2d(rows_a, ch, w, 0.0)
    for k in range(RPS // ch):
        pltpu.sync_copy(rows_a, acc.at[pl.ds(s * RPS + k * ch, ch)])
    plsc.subcore_barrier()

    def gather(buf, sem, j):
        pltpu.async_copy(y_hbm.at[src_v.at[j]], buf, sem)

    def gather_wait(buf, sem, j):
        pltpu.make_async_copy(y_hbm.at[src_v.at[j]], buf, sem).wait()

    def scat(buf, sem, j):
        pltpu.async_copy(buf, acc.at[dst_v.at[j]], sem, add=True)

    def scat_wait(buf, sem, j):
        pltpu.make_async_copy(buf, acc.at[dst_v.at[j]], sem).wait()

    def superchunk(g, _):
        pltpu.sync_copy(src_hbm.at[wid, g], src_v)
        pltpu.sync_copy(dst_hbm.at[wid, g], dst_v)
        gather(rows_a, sem_ga, 0)
        gather(rows_b, sem_gb, 1)

        def pair(p, _):
            j0 = 2 * p
            j1 = j0 + 1
            gather_wait(rows_a, sem_ga, j0)
            scat(rows_a, sem_sa, j0)
            gather_wait(rows_b, sem_gb, j1)
            scat(rows_b, sem_sb, j1)

            @pl.when(p < pairs - 1)
            def _():
                scat_wait(rows_a, sem_sa, j0)
                gather(rows_a, sem_ga, j0 + 2)
                scat_wait(rows_b, sem_sb, j1)
                gather(rows_b, sem_gb, j1 + 2)
            return 0
        lax.fori_loop(0, pairs, pair, 0)
        scat_wait(rows_a, sem_sa, sb - 2)
        scat_wait(rows_b, sem_sb, sb - 1)
        return 0
    lax.fori_loop(0, nsb, superchunk, 0)

    plsc.subcore_barrier()
    pltpu.sync_copy(acc.at[pl.ds(s * RPS, RPS)],
                    out_hbm.at[c, pl.ds(s * RPS, RPS)])


@functools.lru_cache(maxsize=None)
def _make_sc_agg(w, ch, sb):
    mesh = plsc.VectorSubcoreMesh(core_axis_name="c", subcore_axis_name="s",
                                  num_cores=NC, num_subcores=NS)
    return pl.kernel(
        functools.partial(_sc_agg_body, w, ch, sb),
        out_type=[jax.ShapeDtypeStruct((NC, NP, w), jnp.bfloat16)],
        mesh=mesh,
        compiler_params=pltpu.CompilerParams(use_tc_tiling_on_sc=False),
        scratch_types=[
            pltpu.VMEM((sb, ch), jnp.int32),
            pltpu.VMEM((sb, ch), jnp.int32),
            pltpu.VMEM((ch, w), jnp.bfloat16),
            pltpu.VMEM((ch, w), jnp.bfloat16),
            pltpu.VMEM_SHARED((NP, w), jnp.bfloat16),
            pltpu.SemaphoreType.DMA,
            pltpu.SemaphoreType.DMA,
            pltpu.SemaphoreType.DMA,
            pltpu.SemaphoreType.DMA,
        ],
    )


def _combine_math(relu, padded, rb, a, cnt, h_ref, wl_ref, b_ref, wr_ref):
    inv = 1.0 / jnp.maximum(cnt, 1.0)
    m = a * inv
    out = (jnp.dot(m, wl_ref[...], preferred_element_type=jnp.float32)
           + b_ref[...]
           + jnp.dot(h_ref[...], wr_ref[...],
                     preferred_element_type=jnp.float32))
    if relu:
        out = jnp.maximum(out, 0.0)
    if padded:
        rid = (jax.lax.broadcasted_iota(jnp.int32, (rb, 1), 0)
               + pl.program_id(0) * rb)
        out = jnp.where(rid < N, out, 0.0)
    return out


def _tc_combine0_body(rb, acc_ref, h_ref, wl_ref, b_ref, wr_ref, out_ref,
                      outb_ref, cnt_out_ref):
    aug = (acc_ref[0].astype(jnp.float32)
           + acc_ref[1].astype(jnp.float32))
    cnt = aug[:, D:D + 1]
    cnt_out_ref[...] = cnt
    out = _combine_math(True, True, rb, aug[:, :D], cnt, h_ref, wl_ref,
                        b_ref, wr_ref)
    out_ref[...] = out
    outb_ref[...] = out.astype(jnp.bfloat16)


def _tc_combine_body(relu, padded, rb, acc_ref, cnt_ref, h_ref, wl_ref,
                     b_ref, wr_ref, out_ref, outb_ref):
    a = (acc_ref[0].astype(jnp.float32)
         + acc_ref[1].astype(jnp.float32))
    out = _combine_math(relu, padded, rb, a, cnt_ref[...], h_ref, wl_ref,
                        b_ref, wr_ref)
    out_ref[...] = out
    if outb_ref is not None:
        outb_ref[...] = out.astype(jnp.bfloat16)


@functools.lru_cache(maxsize=None)
def _make_combine0():
    rb = 1024
    return pl.pallas_call(
        functools.partial(_tc_combine0_body, rb),
        grid=(NP // rb,),
        in_specs=[
            pl.BlockSpec((NC, rb, DA), lambda i: (0, i, 0)),
            pl.BlockSpec((rb, D), lambda i: (i, 0)),
            pl.BlockSpec((D, D), lambda i: (0, 0)),
            pl.BlockSpec((1, D), lambda i: (0, 0)),
            pl.BlockSpec((D, D), lambda i: (0, 0)),
        ],
        out_specs=[
            pl.BlockSpec((rb, D), lambda i: (i, 0)),
            pl.BlockSpec((rb, D), lambda i: (i, 0)),
            pl.BlockSpec((rb, 1), lambda i: (i, 0)),
        ],
        out_shape=[
            jax.ShapeDtypeStruct((NP, D), jnp.float32),
            jax.ShapeDtypeStruct((NP, D), jnp.bfloat16),
            jax.ShapeDtypeStruct((NP, 1), jnp.float32),
        ],
    )


@functools.lru_cache(maxsize=None)
def _make_combine(relu, padded):
    rb = 1024 if padded else 1000
    n_out = NP if padded else N
    out_specs = [pl.BlockSpec((rb, D), lambda i: (i, 0))]
    out_shape = [jax.ShapeDtypeStruct((n_out, D), jnp.float32)]
    if padded:
        out_specs.append(pl.BlockSpec((rb, D), lambda i: (i, 0)))
        out_shape.append(jax.ShapeDtypeStruct((n_out, D), jnp.bfloat16))
        body = functools.partial(_tc_combine_body, relu, padded, rb)
    else:
        def body(*refs):
            _tc_combine_body(relu, padded, rb, *refs, None)
    return pl.pallas_call(
        body,
        grid=(n_out // rb,),
        in_specs=[
            pl.BlockSpec((NC, rb, D), lambda i: (0, i, 0)),
            pl.BlockSpec((rb, 1), lambda i: (i, 0)),
            pl.BlockSpec((rb, D), lambda i: (i, 0)),
            pl.BlockSpec((D, D), lambda i: (0, 0)),
            pl.BlockSpec((1, D), lambda i: (0, 0)),
            pl.BlockSpec((D, D), lambda i: (0, 0)),
        ],
        out_specs=out_specs,
        out_shape=out_shape,
    )


def kernel(x, edge_index, W_l0, b_l0, W_r0, W_l1, b_l1, W_r1, W_l2, b_l2,
           W_r2):
    PW = EPAD // NW
    k = jnp.arange(PW, dtype=jnp.int32)[None, :]
    w = jnp.arange(NW, dtype=jnp.int32)[:, None]
    pad_src = jnp.broadcast_to(N + k % (NP - N), (NW, PW))
    pad_dst = (w * 313 + k * 41) % N
    r_src = edge_index[0].reshape(NW, E // NW)
    r_dst = edge_index[1].reshape(NW, E // NW)
    src_f = jnp.concatenate([r_src, pad_src], axis=1)
    dst_f = jnp.concatenate([r_dst, pad_dst], axis=1)

    def chunked(a, ch, sb):
        return a.reshape(NW, (EW // ch) // sb, sb, ch)

    src_a, dst_a = chunked(src_f, CH_A, SB_A), chunked(dst_f, CH_A, SB_A)
    src_d, dst_d = chunked(src_f, CH_D, SB_D), chunked(dst_f, CH_D, SB_D)

    ones_col = jnp.concatenate([jnp.ones((N, 1), jnp.bfloat16),
                                jnp.zeros((NP - N, 1), jnp.bfloat16)])
    x_p = jnp.concatenate([x, jnp.zeros((NP - N, D), jnp.float32)])
    x_aug = jnp.concatenate(
        [x_p.astype(jnp.bfloat16), ones_col,
         jnp.zeros((NP, DA - D - 1), jnp.bfloat16)], axis=1)

    agg_a = _make_sc_agg(DA, CH_A, SB_A)
    agg_d = _make_sc_agg(D, CH_D, SB_D)
    combine0 = _make_combine0()
    combine_mid = _make_combine(True, True)
    combine_last = _make_combine(False, False)

    (acc2,) = agg_a(x_aug, src_a, dst_a)
    h1, h1b, cnt = combine0(acc2, x_p, W_l0, b_l0.reshape(1, D), W_r0)
    (acc2,) = agg_d(h1b, src_d, dst_d)
    h2, h2b = combine_mid(acc2, cnt, h1, W_l1, b_l1.reshape(1, D), W_r1)
    (acc2,) = agg_d(h2b, src_d, dst_d)
    (out,) = combine_last(acc2, cnt, h2, W_l2, b_l2.reshape(1, D), W_r2)
    return out

# --- scband reference (transcript-rebuilt; emitter-appended) ---
"""Pipeline reference for scband-graph-sage-53463752901314 (READ-ONLY COPY).

The authoritative reference and input builder live on the scoring server;
editing this copy changes nothing except your own understanding.
"""

import jax, jax.numpy as jnp
import numpy as np

N_NODES = 10000
N_EDGES = 320000
D_IN = 128
D_HID = 128
D_OUT = 128


def sage_conv(x, edge_index, W_l, b_l, W_r):
    # PyG-style SAGEConv with mean aggregation:
    #   out = lin_l(mean_{j in N(i)} x_j) + lin_r(x_i)
    src = edge_index[0]
    dst = edge_index[1]
    n = x.shape[0]
    msg = jnp.take(x, src, axis=0)
    agg = jax.ops.segment_sum(msg, dst, num_segments=n)
    cnt = jax.ops.segment_sum(jnp.ones((src.shape[0],), dtype=x.dtype), dst, num_segments=n)
    mean = agg / jnp.clip(cnt, 1.0, None)[:, None]
    return mean @ W_l + b_l + x @ W_r


def setup_inputs(seed: int = 0) -> dict:
    key = jax.random.key(seed)
    ks = jax.random.split(key, 16)
    x = jax.random.normal(ks[0], (N_NODES, D_IN), dtype=jnp.float32)
    edge_index = jax.random.randint(ks[1], (2, N_EDGES), 0, N_NODES, dtype=jnp.int32)
    s = 0.05
    params = {
        'W_l0': jax.random.normal(ks[2], (D_IN, D_HID), jnp.float32) * s,
        'b_l0': jnp.zeros((D_HID,), jnp.float32),
        'W_r0': jax.random.normal(ks[3], (D_IN, D_HID), jnp.float32) * s,
        'W_l1': jax.random.normal(ks[4], (D_HID, D_HID), jnp.float32) * s,
        'b_l1': jnp.zeros((D_HID,), jnp.float32),
        'W_r1': jax.random.normal(ks[5], (D_HID, D_HID), jnp.float32) * s,
        'W_l2': jax.random.normal(ks[6], (D_HID, D_OUT), jnp.float32) * s,
        'b_l2': jnp.zeros((D_OUT,), jnp.float32),
        'W_r2': jax.random.normal(ks[7], (D_HID, D_OUT), jnp.float32) * s,
    }
    out = {'x': x, 'edge_index': edge_index}
    out.update(params)
    return out


def reference(x, edge_index, W_l0, b_l0, W_r0, W_l1, b_l1, W_r1, W_l2, b_l2, W_r2):
    # eval mode: dropout is identity
    h = sage_conv(x, edge_index, W_l0, b_l0, W_r0)
    h = jax.nn.relu(h)
    h = sage_conv(h, edge_index, W_l1, b_l1, W_r1)
    h = jax.nn.relu(h)
    h = sage_conv(h, edge_index, W_l2, b_l2, W_r2)
    return h

if __name__ == "__main__":
    import jax
    _d = setup_inputs()
    print(jax.jit(kernel)(*tuple(_d.values())))

</pallas_src>

<mosaic_0001>
#map = affine_map<(d0, d1) -> (0, 0)>
#map1 = affine_map<(d0, d1) -> (0, 0, 0, 0)>
#map2 = affine_map<(d0, d1) -> (0, 0, 0)>
module attributes {stable_mosaic.version = 14 : i64} {
  func.func @_sc_agg_body(%arg0: i32, %arg1: i32, %arg2: memref<10240x160xbf16, #tpu.memory_space<hbm>>, %arg3: memref<32x8x10x128xi32, #tpu.memory_space<hbm>>, %arg4: memref<32x8x10x128xi32, #tpu.memory_space<hbm>>, %arg5: memref<2x10240x160xbf16, #tpu.memory_space<hbm>>, %arg6: memref<10x128xi32, #tpu.memory_space<vmem>>, %arg7: memref<10x128xi32, #tpu.memory_space<vmem>>, %arg8: memref<128x160xbf16, #tpu.memory_space<vmem>>, %arg9: memref<128x160xbf16, #tpu.memory_space<vmem>>, %arg10: memref<10240x160xbf16, #tpu.memory_space<vmem_shared>>, %arg11: memref<!tpu.dma_semaphore, #tpu.memory_space<semaphore_mem>>, %arg12: memref<!tpu.dma_semaphore, #tpu.memory_space<semaphore_mem>>, %arg13: memref<!tpu.dma_semaphore, #tpu.memory_space<semaphore_mem>>, %arg14: memref<!tpu.dma_semaphore, #tpu.memory_space<semaphore_mem>>) attributes {dimension_semantics = [#tpu.dimension_semantics<core_parallel>, #tpu.dimension_semantics<subcore_parallel>], iteration_bounds = array<i64: 2, 16>, scalar_prefetch = 0 : i64, scratch_operands = 9 : i64, tpu.core_type = #tpu.core_type<sc_vector_subcore>, window_params = [{transform_indices = #map}, {transform_indices = #map1}, {transform_indices = #map1}, {transform_indices = #map2}]} {
    %mul3A = arith.constant 16 : i32
    %mul3A_0 = arith.muli %arg0, %mul3A : i32
    %add3A = arith.addi %mul3A_0, %arg1 : i32
    %scan3A = arith.constant 0 : i32
    %scan3A_1 = arith.constant 0 : i32
    %scan3A_2 = arith.constant 128 : i32
    %scan3A_3 = arith.addi %scan3A_1, %scan3A_2 : i32
    %scan3A_4 = arith.constant 1 : i32
    %scan3A_5 = scf.for %scan3A_39 = %scan3A_1 to %scan3A_3 step %scan3A_4 iter_args(%scan3A_40 = %scan3A) -> (i32)  : i32 {
      %scan3A_41 = arith.constant 0 : i32
      %scan3A_42 = arith.constant 0 : i32
      %scan3A_43 = arith.constant 5 : i32
      %scan3A_44 = arith.addi %scan3A_42, %scan3A_43 : i32
      %scan3A_45 = arith.constant 1 : i32
      %scan3A_46 = scf.for %scan3A_49 = %scan3A_42 to %scan3A_44 step %scan3A_45 iter_args(%scan3A_50 = %scan3A_41) -> (i32)  : i32 {
        %broadcast_in_dim3A = arith.constant 0.000000e+00 : bf16
        %broadcast_in_dim3A_51 = vector.broadcast %broadcast_in_dim3A : bf16 to vector<32xbf16>
        %mul3A_52 = arith.constant 32 : i32
        %mul3A_53 = arith.muli %scan3A_49, %mul3A_52 : i32
        %swap3A = arith.index_cast %scan3A_39 : i32 to index
        %swap3A_54 = arith.index_cast %mul3A_53 : i32 to index
        %swap3A_55 = tpu.vector_load %arg8[%swap3A, %swap3A_54] {strides = array<i32>} : memref<128x160xbf16, #tpu.memory_space<vmem>>, vector<1x32xbf16>,
        %swap3A_56 = vector.shape_cast %swap3A_55 : vector<1x32xbf16> to vector<32xbf16>
        %swap3A_57 = vector.shape_cast %broadcast_in_dim3A_51 : vector<32xbf16> to vector<1x32xbf16>
        tpu.vector_store %arg8[%swap3A, %swap3A_54], %swap3A_57 {strides = array<i32>} : memref<128x160xbf16, #tpu.memory_space<vmem>>, vector<1x32xbf16>,
        %scan3A_58 = arith.constant 0 : i32
        scf.yield %scan3A_58 : i32
      }
      %scan3A_47 = arith.constant 5 : i32
      %scan3A_48 = arith.constant 0 : i32
      scf.yield %scan3A_48 : i32
    }
    %scan3A_6 = arith.constant 128 : i32
    %mul3A_7 = arith.constant 640 : i32
    %mul3A_8 = arith.muli %arg1, %mul3A_7 : i32
    %add3A_9 = arith.constant 0 : i32
    %add3A_10 = arith.addi %mul3A_8, %add3A_9 : i32
    "tpu.region"() ({
      %run_scoped3A = tpu.sem_alloc : memref<!tpu.dma_semaphore, #tpu.memory_space<semaphore_mem>>
      %dma_start3A = arith.constant 0 : i32
      %dma_start3A_39 = tpu.memref_slice %arg10[%add3A_10, %dma_start3A] : memref<10240x160xbf16, #tpu.memory_space<vmem_shared>> -> memref<128x160xbf16, #tpu.memory_space<vmem_shared>>
      %dma_start3A_40 = arith.constant 0 : i32
      %dma_start3A_41 = tpu.memref_slice %arg10[%add3A_10, %dma_start3A_40] : memref<10240x160xbf16, #tpu.memory_space<vmem_shared>> -> memref<128x160xbf16, #tpu.memory_space<vmem_shared>>
      tpu.enqueue_dma source(%arg8 : memref<128x160xbf16, #tpu.memory_space<vmem>>) target(%dma_start3A_41 : memref<128x160xbf16, #tpu.memory_space<vmem_shared>>) target_semaphore(%run_scoped3A : memref<!tpu.dma_semaphore, #tpu.memory_space<semaphore_mem>>)
      %dma_wait3A = arith.constant 0 : i32
      %dma_wait3A_42 = tpu.memref_slice %arg10[%add3A_10, %dma_wait3A] : memref<10240x160xbf16, #tpu.memory_space<vmem_shared>> -> memref<128x160xbf16, #tpu.memory_space<vmem_shared>>
      %dma_wait3A_43 = arith.constant 0 : i32
      %dma_wait3A_44 = tpu.memref_slice %arg10[%add3A_10, %dma_wait3A_43] : memref<10240x160xbf16, #tpu.memory_space<vmem_shared>> -> memref<128x160xbf16, #tpu.memory_space<vmem_shared>>
      tpu.wait_dma2 semaphore(%run_scoped3A : memref<!tpu.dma_semaphore, #tpu.memory_space<semaphore_mem>>) src(%arg8 : memref<128x160xbf16, #tpu.memory_space<vmem>>) dst(%dma_wait3A_44 : memref<128x160xbf16, #tpu.memory_space<vmem_shared>>)
      tpu.yield
    }) : () -> ()
    %mul3A_11 = arith.constant 640 : i32
    %mul3A_12 = arith.muli %arg1, %mul3A_11 : i32
    %add3A_13 = arith.constant 128 : i32
    %add3A_14 = arith.addi %mul3A_12, %add3A_13 : i32
    "tpu.region"() ({
      %run_scoped3A = tpu.sem_alloc : memref<!tpu.dma_semaphore, #tpu.memory_space<semaphore_mem>>
      %dma_start3A = arith.constant 0 : i32
      %dma_start3A_39 = tpu.memref_slice %arg10[%add3A_14, %dma_start3A] : memref<10240x160xbf16, #tpu.memory_space<vmem_shared>> -> memref<128x160xbf16, #tpu.memory_space<vmem_shared>>
      %dma_start3A_40 = arith.constant 0 : i32
      %dma_start3A_41 = tpu.memref_slice %arg10[%add3A_14, %dma_start3A_40] : memref<10240x160xbf16, #tpu.memory_space<vmem_shared>> -> memref<128x160xbf16, #tpu.memory_space<vmem_shared>>
      tpu.enqueue_dma source(%arg8 : memref<128x160xbf16, #tpu.memory_space<vmem>>) target(%dma_start3A_41 : memref<128x160xbf16, #tpu.memory_space<vmem_shared>>) target_semaphore(%run_scoped3A : memref<!tpu.dma_semaphore, #tpu.memory_space<semaphore_mem>>)
      %dma_wait3A = arith.constant 0 : i32
      %dma_wait3A_42 = tpu.memref_slice %arg10[%add3A_14, %dma_wait3A] : memref<10240x160xbf16, #tpu.memory_space<vmem_shared>> -> memref<128x160xbf16, #tpu.memory_space<vmem_shared>>
      %dma_wait3A_43 = arith.constant 0 : i32
      %dma_wait3A_44 = tpu.memref_slice %arg10[%add3A_14, %dma_wait3A_43] : memref<10240x160xbf16, #tpu.memory_space<vmem_shared>> -> memref<128x160xbf16, #tpu.memory_space<vmem_shared>>
      tpu.wait_dma2 semaphore(%run_scoped3A : memref<!tpu.dma_semaphore, #tpu.memory_space<semaphore_mem>>) src(%arg8 : memref<128x160xbf16, #tpu.memory_space<vmem>>) dst(%dma_wait3A_44 : memref<128x160xbf16, #tpu.memory_space<vmem_shared>>)
      tpu.yield
    }) : () -> ()
    %mul3A_15 = arith.constant 640 : i32
    %mul3A_16 = arith.muli %arg1, %mul3A_15 : i32
    %add3A_17 = arith.constant 256 : i32
    %add3A_18 = arith.addi %mul3A_16, %add3A_17 : i32
    "tpu.region"() ({
      %run_scoped3A = tpu.sem_alloc : memref<!tpu.dma_semaphore, #tpu.memory_space<semaphore_mem>>
      %dma_start3A = arith.constant 0 : i32
      %dma_start3A_39 = tpu.memref_slice %arg10[%add3A_18, %dma_start3A] : memref<10240x160xbf16, #tpu.memory_space<vmem_shared>> -> memref<128x160xbf16, #tpu.memory_space<vmem_shared>>
      %dma_start3A_40 = arith.constant 0 : i32
      %dma_start3A_41 = tpu.memref_slice %arg10[%add3A_18, %dma_start3A_40] : memref<10240x160xbf16, #tpu.memory_space<vmem_shared>> -> memref<128x160xbf16, #tpu.memory_space<vmem_shared>>
      tpu.enqueue_dma source(%arg8 : memref<128x160xbf16, #tpu.memory_space<vmem>>) target(%dma_start3A_41 : memref<128x160xbf16, #tpu.memory_space<vmem_shared>>) target_semaphore(%run_scoped3A : memref<!tpu.dma_semaphore, #tpu.memory_space<semaphore_mem>>)
      %dma_wait3A = arith.constant 0 : i32
      %dma_wait3A_42 = tpu.memref_slice %arg10[%add3A_18, %dma_wait3A] : memref<10240x160xbf16, #tpu.memory_space<vmem_shared>> -> memref<128x160xbf16, #tpu.memory_space<vmem_shared>>
      %dma_wait3A_43 = arith.constant 0 : i32
      %dma_wait3A_44 = tpu.memref_slice %arg10[%add3A_18, %dma_wait3A_43] : memref<10240x160xbf16, #tpu.memory_space<vmem_shared>> -> memref<128x160xbf16, #tpu.memory_space<vmem_shared>>
      tpu.wait_dma2 semaphore(%run_scoped3A : memref<!tpu.dma_semaphore, #tpu.memory_space<semaphore_mem>>) src(%arg8 : memref<128x160xbf16, #tpu.memory_space<vmem>>) dst(%dma_wait3A_44 : memref<128x160xbf16, #tpu.memory_space<vmem_shared>>)
      tpu.yield
    }) : () -> ()
    %mul3A_19 = arith.constant 640 : i32
    %mul3A_20 = arith.muli %arg1, %mul3A_19 : i32
    %add3A_21 = arith.constant 384 : i32
    %add3A_22 = arith.addi %mul3A_20, %add3A_21 : i32
    "tpu.region"() ({
      %run_scoped3A = tpu.sem_alloc : memref<!tpu.dma_semaphore, #tpu.memory_space<semaphore_mem>>
      %dma_start3A = arith.constant 0 : i32
      %dma_start3A_39 = tpu.memref_slice %arg10[%add3A_22, %dma_start3A] : memref<10240x160xbf16, #tpu.memory_space<vmem_shared>> -> memref<128x160xbf16, #tpu.memory_space<vmem_shared>>
      %dma_start3A_40 = arith.constant 0 : i32
      %dma_start3A_41 = tpu.memref_slice %arg10[%add3A_22, %dma_start3A_40] : memref<10240x160xbf16, #tpu.memory_space<vmem_shared>> -> memref<128x160xbf16, #tpu.memory_space<vmem_shared>>
      tpu.enqueue_dma source(%arg8 : memref<128x160xbf16, #tpu.memory_space<vmem>>) target(%dma_start3A_41 : memref<128x160xbf16, #tpu.memory_space<vmem_shared>>) target_semaphore(%run_scoped3A : memref<!tpu.dma_semaphore, #tpu.memory_space<semaphore_mem>>)
      %dma_wait3A = arith.constant 0 : i32
      %dma_wait3A_42 = tpu.memref_slice %arg10[%add3A_22, %dma_wait3A] : memref<10240x160xbf16, #tpu.memory_space<vmem_shared>> -> memref<128x160xbf16, #tpu.memory_space<vmem_shared>>
      %dma_wait3A_43 = arith.constant 0 : i32
      %dma_wait3A_44 = tpu.memref_slice %arg10[%add3A_22, %dma_wait3A_43] : memref<10240x160xbf16, #tpu.memory_space<vmem_shared>> -> memref<128x160xbf16, #tpu.memory_space<vmem_shared>>
      tpu.wait_dma2 semaphore(%run_scoped3A : memref<!tpu.dma_semaphore, #tpu.memory_space<semaphore_mem>>) src(%arg8 : memref<128x160xbf16, #tpu.memory_space<vmem>>) dst(%dma_wait3A_44 : memref<128x160xbf16, #tpu.memory_space<vmem_shared>>)
      tpu.yield
    }) : () -> ()
    %mul3A_23 = arith.constant 640 : i32
    %mul3A_24 = arith.muli %arg1, %mul3A_23 : i32
    %add3A_25 = arith.constant 512 : i32
    %add3A_26 = arith.addi %mul3A_24, %add3A_25 : i32
    "tpu.region"() ({
      %run_scoped3A = tpu.sem_alloc : memref<!tpu.dma_semaphore, #tpu.memory_space<semaphore_mem>>
      %dma_start3A = arith.constant 0 : i32
      %dma_start3A_39 = tpu.memref_slice %arg10[%add3A_26, %dma_start3A] : memref<10240x160xbf16, #tpu.memory_space<vmem_shared>> -> memref<128x160xbf16, #tpu.memory_space<vmem_shared>>
      %dma_start3A_40 = arith.constant 0 : i32
      %dma_start3A_41 = tpu.memref_slice %arg10[%add3A_26, %dma_start3A_40] : memref<10240x160xbf16, #tpu.memory_space<vmem_shared>> -> memref<128x160xbf16, #tpu.memory_space<vmem_shared>>
      tpu.enqueue_dma source(%arg8 : memref<128x160xbf16, #tpu.memory_space<vmem>>) target(%dma_start3A_41 : memref<128x160xbf16, #tpu.memory_space<vmem_shared>>) target_semaphore(%run_scoped3A : memref<!tpu.dma_semaphore, #tpu.memory_space<semaphore_mem>>)
      %dma_wait3A = arith.constant 0 : i32
      %dma_wait3A_42 = tpu.memref_slice %arg10[%add3A_26, %dma_wait3A] : memref<10240x160xbf16, #tpu.memory_space<vmem_shared>> -> memref<128x160xbf16, #tpu.memory_space<vmem_shared>>
      %dma_wait3A_43 = arith.constant 0 : i32
      %dma_wait3A_44 = tpu.memref_slice %arg10[%add3A_26, %dma_wait3A_43] : memref<10240x160xbf16, #tpu.memory_space<vmem_shared>> -> memref<128x160xbf16, #tpu.memory_space<vmem_shared>>
      tpu.wait_dma2 semaphore(%run_scoped3A : memref<!tpu.dma_semaphore, #tpu.memory_space<semaphore_mem>>) src(%arg8 : memref<128x160xbf16, #tpu.memory_space<vmem>>) dst(%dma_wait3A_44 : memref<128x160xbf16, #tpu.memory_space<vmem_shared>>)
      tpu.yield
    }) : () -> ()
    %barrier3A = arith.constant 0 : index
    tpu.barrier barrier_id(%barrier3A)
    %scan3A_27 = arith.constant 0 : i32
    %scan3A_28 = arith.constant 0 : i32
    %scan3A_29 = arith.constant 8 : i32
    %scan3A_30 = arith.addi %scan3A_28, %scan3A_29 : i32
    %scan3A_31 = arith.constant 1 : i32
    %scan3A_32 = scf.for %scan3A_39 = %scan3A_28 to %scan3A_30 step %scan3A_31 iter_args(%scan3A_40 = %scan3A_27) -> (i32)  : i32 {
      "tpu.region"() ({
        %run_scoped3A = tpu.sem_alloc : memref<!tpu.dma_semaphore, #tpu.memory_space<semaphore_mem>>
        %dma_start3A_75 = arith.constant 0 : i32
        %dma_start3A_76 = arith.constant 0 : i32
        %dma_start3A_77 = tpu.memref_slice %arg3[%add3A, %scan3A_39, %dma_start3A_75, %dma_start3A_76] : memref<32x8x10x128xi32, #tpu.memory_space<hbm>> -> memref<1x1x10x128xi32, #tpu.memory_space<hbm>>
        %dma_start3A_78 = tpu.memref_squeeze %dma_start3A_77 : memref<1x1x10x128xi32, #tpu.memory_space<hbm>> -> memref<10x128xi32, #tpu.memory_space<hbm>>
        %dma_start3A_79 = arith.constant 0 : i32
        %dma_start3A_80 = arith.constant 0 : i32
        %dma_start3A_81 = tpu.memref_slice %arg3[%add3A, %scan3A_39, %dma_start3A_79, %dma_start3A_80] : memref<32x8x10x128xi32, #tpu.memory_space<hbm>> -> memref<1x1x10x128xi32, #tpu.memory_space<hbm>>
        %dma_start3A_82 = tpu.memref_squeeze %dma_start3A_81 : memref<1x1x10x128xi32, #tpu.memory_space<hbm>> -> memref<10x128xi32, #tpu.memory_space<hbm>>
        tpu.enqueue_dma source(%dma_start3A_82 : memref<10x128xi32, #tpu.memory_space<hbm>>) target(%arg6 : memref<10x128xi32, #tpu.memory_space<vmem>>) target_semaphore(%run_scoped3A : memref<!tpu.dma_semaphore, #tpu.memory_space<semaphore_mem>>)
        %dma_wait3A_83 = arith.constant 0 : i32
        %dma_wait3A_84 = arith.constant 0 : i32
        %dma_wait3A_85 = tpu.memref_slice %arg3[%add3A, %scan3A_39, %dma_wait3A_83, %dma_wait3A_84] : memref<32x8x10x128xi32, #tpu.memory_space<hbm>> -> memref<1x1x10x128xi32, #tpu.memory_space<hbm>>
        %dma_wait3A_86 = tpu.memref_squeeze %dma_wait3A_85 : memref<1x1x10x128xi32, #tpu.memory_space<hbm>> -> memref<10x128xi32, #tpu.memory_space<hbm>>
        %dma_wait3A_87 = arith.constant 0 : i32
        %dma_wait3A_88 = arith.constant 0 : i32
        %dma_wait3A_89 = tpu.memref_slice %arg3[%add3A, %scan3A_39, %dma_wait3A_87, %dma_wait3A_88] : memref<32x8x10x128xi32, #tpu.memory_space<hbm>> -> memref<1x1x10x128xi32, #tpu.memory_space<hbm>>
        %dma_wait3A_90 = tpu.memref_squeeze %dma_wait3A_89 : memref<1x1x10x128xi32, #tpu.memory_space<hbm>> -> memref<10x128xi32, #tpu.memory_space<hbm>>
        tpu.wait_dma2 semaphore(%run_scoped3A : memref<!tpu.dma_semaphore, #tpu.memory_space<semaphore_mem>>) src(%dma_wait3A_90 : memref<10x128xi32, #tpu.memory_space<hbm>>) dst(%arg6 : memref<10x128xi32, #tpu.memory_space<vmem>>)
        tpu.yield
      }) : () -> ()
      "tpu.region"() ({
        %run_scoped3A = tpu.sem_alloc : memref<!tpu.dma_semaphore, #tpu.memory_space<semaphore_mem>>
        %dma_start3A_75 = arith.constant 0 : i32
        %dma_start3A_76 = arith.constant 0 : i32
        %dma_start3A_77 = tpu.memref_slice %arg4[%add3A, %scan3A_39, %dma_start3A_75, %dma_start3A_76] : memref<32x8x10x128xi32, #tpu.memory_space<hbm>> -> memref<1x1x10x128xi32, #tpu.memory_space<hbm>>
        %dma_start3A_78 = tpu.memref_squeeze %dma_start3A_77 : memref<1x1x10x128xi32, #tpu.memory_space<hbm>> -> memref<10x128xi32, #tpu.memory_space<hbm>>
        %dma_start3A_79 = arith.constant 0 : i32
        %dma_start3A_80 = arith.constant 0 : i32
        %dma_start3A_81 = tpu.memref_slice %arg4[%add3A, %scan3A_39, %dma_start3A_79, %dma_start3A_80] : memref<32x8x10x128xi32, #tpu.memory_space<hbm>> -> memref<1x1x10x128xi32, #tpu.memory_space<hbm>>
        %dma_start3A_82 = tpu.memref_squeeze %dma_start3A_81 : memref<1x1x10x128xi32, #tpu.memory_space<hbm>> -> memref<10x128xi32, #tpu.memory_space<hbm>>
        tpu.enqueue_dma source(%dma_start3A_82 : memref<10x128xi32, #tpu.memory_space<hbm>>) target(%arg7 : memref<10x128xi32, #tpu.memory_space<vmem>>) target_semaphore(%run_scoped3A : memref<!tpu.dma_semaphore, #tpu.memory_space<semaphore_mem>>)
        %dma_wait3A_83 = arith.constant 0 : i32
        %dma_wait3A_84 = arith.constant 0 : i32
        %dma_wait3A_85 = tpu.memref_slice %arg4[%add3A, %scan3A_39, %dma_wait3A_83, %dma_wait3A_84] : memref<32x8x10x128xi32, #tpu.memory_space<hbm>> -> memref<1x1x10x128xi32, #tpu.memory_space<hbm>>
        %dma_wait3A_86 = tpu.memref_squeeze %dma_wait3A_85 : memref<1x1x10x128xi32, #tpu.memory_space<hbm>> -> memref<10x128xi32, #tpu.memory_space<hbm>>
        %dma_wait3A_87 = arith.constant 0 : i32
        %dma_wait3A_88 = arith.constant 0 : i32
        %dma_wait3A_89 = tpu.memref_slice %arg4[%add3A, %scan3A_39, %dma_wait3A_87, %dma_wait3A_88] : memref<32x8x10x128xi32, #tpu.memory_space<hbm>> -> memref<1x1x10x128xi32, #tpu.memory_space<hbm>>
        %dma_wait3A_90 = tpu.memref_squeeze %dma_wait3A_89 : memref<1x1x10x128xi32, #tpu.memory_space<hbm>> -> memref<10x128xi32, #tpu.memory_space<hbm>>
        tpu.wait_dma2 semaphore(%run_scoped3A : memref<!tpu.dma_semaphore, #tpu.memory_space<semaphore_mem>>) src(%dma_wait3A_90 : memref<10x128xi32, #tpu.memory_space<hbm>>) dst(%arg7 : memref<10x128xi32, #tpu.memory_space<vmem>>)
        tpu.yield
      }) : () -> ()
      %dma_start3A = arith.constant 0 : i32
      %dma_start3A_41 = arith.constant 0 : i32
      %dma_start3A_42 = tpu.memref_slice %arg6[%dma_start3A, %dma_start3A_41] : memref<10x128xi32, #tpu.memory_space<vmem>> -> memref<1x128xi32, #tpu.memory_space<vmem>>
      %dma_start3A_43 = tpu.memref_squeeze %dma_start3A_42 : memref<1x128xi32, #tpu.memory_space<vmem>> -> memref<128xi32, #tpu.memory_space<vmem>>
      %dma_start3A_44 = arith.constant 0 : i32
      %dma_start3A_45 = arith.constant 0 : i32
      %dma_start3A_46 = tpu.memref_slice %arg2[%dma_start3A_44, %dma_start3A_45] : memref<10240x160xbf16, #tpu.memory_space<hbm>> -> memref<10240x160xbf16, #tpu.memory_space<hbm>>
      tpu.enqueue_indirect_dma source(%dma_start3A_46 : memref<10240x160xbf16, #tpu.memory_space<hbm>>) target(%arg8 : memref<128x160xbf16, #tpu.memory_space<vmem>>) offsets(%dma_start3A_43 : memref<128xi32, #tpu.memory_space<vmem>>) semaphore(%arg11 : memref<!tpu.dma_semaphore, #tpu.memory_space<semaphore_mem>>)
      %dma_start3A_47 = arith.constant 1 : i32
      %dma_start3A_48 = arith.constant 0 : i32
      %dma_start3A_49 = tpu.memref_slice %arg6[%dma_start3A_47, %dma_start3A_48] : memref<10x128xi32, #tpu.memory_space<vmem>> -> memref<1x128xi32, #tpu.memory_space<vmem>>
      %dma_start3A_50 = tpu.memref_squeeze %dma_start3A_49 : memref<1x128xi32, #tpu.memory_space<vmem>> -> memref<128xi32, #tpu.memory_space<vmem>>
      %dma_start3A_51 = arith.constant 0 : i32
      %dma_start3A_52 = arith.constant 0 : i32
      %dma_start3A_53 = tpu.memref_slice %arg2[%dma_start3A_51, %dma_start3A_52] : memref<10240x160xbf16, #tpu.memory_space<hbm>> -> memref<10240x160xbf16, #tpu.memory_space<hbm>>
      tpu.enqueue_indirect_dma source(%dma_start3A_53 : memref<10240x160xbf16, #tpu.memory_space<hbm>>) target(%arg9 : memref<128x160xbf16, #tpu.memory_space<vmem>>) offsets(%dma_start3A_50 : memref<128xi32, #tpu.memory_space<vmem>>) semaphore(%arg12 : memref<!tpu.dma_semaphore, #tpu.memory_space<semaphore_mem>>)
      %scan3A_54 = arith.constant 0 : i32
      %scan3A_55 = arith.constant 0 : i32
      %scan3A_56 = arith.constant 5 : i32
      %scan3A_57 = arith.addi %scan3A_55, %scan3A_56 : i32
      %scan3A_58 = arith.constant 1 : i32
      %scan3A_59 = scf.for %scan3A_75 = %scan3A_55 to %scan3A_57 step %scan3A_58 iter_args(%scan3A_76 = %scan3A_54) -> (i32)  : i32 {
        %mul3A_77 = arith.constant 2 : i32
        %mul3A_78 = arith.muli %mul3A_77, %scan3A_75 : i32
        %add3A_79 = arith.constant 1 : i32
        %add3A_80 = arith.addi %mul3A_78, %add3A_79 : i32
        %dma_wait3A_81 = arith.constant 0 : i32
        %dma_wait3A_82 = tpu.memref_slice %arg6[%mul3A_78, %dma_wait3A_81] : memref<10x128xi32, #tpu.memory_space<vmem>> -> memref<1x128xi32, #tpu.memory_space<vmem>>
        %dma_wait3A_83 = tpu.memref_squeeze %dma_wait3A_82 : memref<1x128xi32, #tpu.memory_space<vmem>> -> memref<128xi32, #tpu.memory_space<vmem>>
        %dma_wait3A_84 = arith.constant 0 : i32
        %dma_wait3A_85 = arith.constant 0 : i32
        %dma_wait3A_86 = tpu.memref_slice %arg2[%dma_wait3A_84, %dma_wait3A_85] : memref<10240x160xbf16, #tpu.memory_space<hbm>> -> memref<10240x160xbf16, #tpu.memory_space<hbm>>
        tpu.wait_indirect_dma semaphore(%arg11 : memref<!tpu.dma_semaphore, #tpu.memory_space<semaphore_mem>>) src(%dma_wait3A_86 : memref<10240x160xbf16, #tpu.memory_space<hbm>>) dst(%arg8 : memref<128x160xbf16, #tpu.memory_space<vmem>>)
        %dma_start3A_87 = arith.constant 0 : i32
        %dma_start3A_88 = tpu.memref_slice %arg7[%mul3A_78, %dma_start3A_87] : memref<10x128xi32, #tpu.memory_space<vmem>> -> memref<1x128xi32, #tpu.memory_space<vmem>>
        %dma_start3A_89 = tpu.memref_squeeze %dma_start3A_88 : memref<1x128xi32, #tpu.memory_space<vmem>> -> memref<128xi32, #tpu.memory_space<vmem>>
        %dma_start3A_90 = arith.constant 0 : i32
        %dma_start3A_91 = arith.constant 0 : i32
        %dma_start3A_92 = tpu.memref_slice %arg10[%dma_start3A_90, %dma_start3A_91] : memref<10240x160xbf16, #tpu.memory_space<vmem_shared>> -> memref<10240x160xbf16, #tpu.memory_space<vmem_shared>>
        tpu.enqueue_indirect_dma source(%arg8 : memref<128x160xbf16, #tpu.memory_space<vmem>>) target(%dma_start3A_92 : memref<10240x160xbf16, #tpu.memory_space<vmem_shared>>) offsets(%dma_start3A_89 : memref<128xi32, #tpu.memory_space<vmem>>) semaphore(%arg13 : memref<!tpu.dma_semaphore, #tpu.memory_space<semaphore_mem>>) {add = true}
        %dma_wait3A_93 = arith.constant 0 : i32
        %dma_wait3A_94 = tpu.memref_slice %arg6[%add3A_80, %dma_wait3A_93] : memref<10x128xi32, #tpu.memory_space<vmem>> -> memref<1x128xi32, #tpu.memory_space<vmem>>
        %dma_wait3A_95 = tpu.memref_squeeze %dma_wait3A_94 : memref<1x128xi32, #tpu.memory_space<vmem>> -> memref<128xi32, #tpu.memory_space<vmem>>
        %dma_wait3A_96 = arith.constant 0 : i32
        %dma_wait3A_97 = arith.constant 0 : i32
        %dma_wait3A_98 = tpu.memref_slice %arg2[%dma_wait3A_96, %dma_wait3A_97] : memref<10240x160xbf16, #tpu.memory_space<hbm>> -> memref<10240x160xbf16, #tpu.memory_space<hbm>>
        tpu.wait_indirect_dma semaphore(%arg12 : memref<!tpu.dma_semaphore, #tpu.memory_space<semaphore_mem>>) src(%dma_wait3A_98 : memref<10240x160xbf16, #tpu.memory_space<hbm>>) dst(%arg9 : memref<128x160xbf16, #tpu.memory_space<vmem>>)
        %dma_start3A_99 = arith.constant 0 : i32
        %dma_start3A_100 = tpu.memref_slice %arg7[%add3A_80, %dma_start3A_99] : memref<10x128xi32, #tpu.memory_space<vmem>> -> memref<1x128xi32, #tpu.memory_space<vmem>>
        %dma_start3A_101 = tpu.memref_squeeze %dma_start3A_100 : memref<1x128xi32, #tpu.memory_space<vmem>> -> memref<128xi32, #tpu.memory_space<vmem>>
        %dma_start3A_102 = arith.constant 0 : i32
        %dma_start3A_103 = arith.constant 0 : i32
        %dma_start3A_104 = tpu.memref_slice %arg10[%dma_start3A_102, %dma_start3A_103] : memref<10240x160xbf16, #tpu.memory_space<vmem_shared>> -> memref<10240x160xbf16, #tpu.memory_space<vmem_shared>>
        tpu.enqueue_indirect_dma source(%arg9 : memref<128x160xbf16, #tpu.memory_space<vmem>>) target(%dma_start3A_104 : memref<10240x160xbf16, #tpu.memory_space<vmem_shared>>) offsets(%dma_start3A_101 : memref<128xi32, #tpu.memory_space<vmem>>) semaphore(%arg14 : memref<!tpu.dma_semaphore, #tpu.memory_space<semaphore_mem>>) {add = true}
        %lt3A = arith.constant 4 : i32
        %lt3A_105 = arith.cmpi slt, %scan3A_75, %lt3A : i32
        %convert_element_type3A = arith.extui %lt3A_105 : i1 to i32
        %cond3A = arith.constant 0 : i32
        %cond3A_106 = arith.cmpi ne, %convert_element_type3A, %cond3A : i32
        scf.if %cond3A_106 {
          %dma_wait3A_108 = arith.constant 0 : i32
          %dma_wait3A_109 = tpu.memref_slice %arg7[%mul3A_78, %dma_wait3A_108] : memref<10x128xi32, #tpu.memory_space<vmem>> -> memref<1x128xi32, #tpu.memory_space<vmem>>
          %dma_wait3A_110 = tpu.memref_squeeze %dma_wait3A_109 : memref<1x128xi32, #tpu.memory_space<vmem>> -> memref<128xi32, #tpu.memory_space<vmem>>
          %dma_wait3A_111 = arith.constant 0 : i32
          %dma_wait3A_112 = arith.constant 0 : i32
          %dma_wait3A_113 = tpu.memref_slice %arg10[%dma_wait3A_111, %dma_wait3A_112] : memref<10240x160xbf16, #tpu.memory_space<vmem_shared>> -> memref<10240x160xbf16, #tpu.memory_space<vmem_shared>>
          tpu.wait_indirect_dma semaphore(%arg13 : memref<!tpu.dma_semaphore, #tpu.memory_space<semaphore_mem>>) src(%arg8 : memref<128x160xbf16, #tpu.memory_space<vmem>>) dst(%dma_wait3A_113 : memref<10240x160xbf16, #tpu.memory_space<vmem_shared>>)
          %add3A_114 = arith.constant 2 : i32
          %add3A_115 = arith.addi %mul3A_78, %add3A_114 : i32
          %dma_start3A_116 = arith.constant 0 : i32
          %dma_start3A_117 = tpu.memref_slice %arg6[%add3A_115, %dma_start3A_116] : memref<10x128xi32, #tpu.memory_space<vmem>> -> memref<1x128xi32, #tpu.memory_space<vmem>>
          %dma_start3A_118 = tpu.memref_squeeze %dma_start3A_117 : memref<1x128xi32, #tpu.memory_space<vmem>> -> memref<128xi32, #tpu.memory_space<vmem>>
          %dma_start3A_119 = arith.constant 0 : i32
          %dma_start3A_120 = arith.constant 0 : i32
          %dma_start3A_121 = tpu.memref_slice %arg2[%dma_start3A_119, %dma_start3A_120] : memref<10240x160xbf16, #tpu.memory_space<hbm>> -> memref<10240x160xbf16, #tpu.memory_space<hbm>>
          tpu.enqueue_indirect_dma source(%dma_start3A_121 : memref<10240x160xbf16, #tpu.memory_space<hbm>>) target(%arg8 : memref<128x160xbf16, #tpu.memory_space<vmem>>) offsets(%dma_start3A_118 : memref<128xi32, #tpu.memory_space<vmem>>) semaphore(%arg11 : memref<!tpu.dma_semaphore, #tpu.memory_space<semaphore_mem>>)
          %dma_wait3A_122 = arith.constant 0 : i32
          %dma_wait3A_123 = tpu.memref_slice %arg7[%add3A_80, %dma_wait3A_122] : memref<10x128xi32, #tpu.memory_space<vmem>> -> memref<1x128xi32, #tpu.memory_space<vmem>>
          %dma_wait3A_124 = tpu.memref_squeeze %dma_wait3A_123 : memref<1x128xi32, #tpu.memory_space<vmem>> -> memref<128xi32, #tpu.memory_space<vmem>>
          %dma_wait3A_125 = arith.constant 0 : i32
          %dma_wait3A_126 = arith.constant 0 : i32
          %dma_wait3A_127 = tpu.memref_slice %arg10[%dma_wait3A_125, %dma_wait3A_126] : memref<10240x160xbf16, #tpu.memory_space<vmem_shared>> -> memref<10240x160xbf16, #tpu.memory_space<vmem_shared>>
          tpu.wait_indirect_dma semaphore(%arg14 : memref<!tpu.dma_semaphore, #tpu.memory_space<semaphore_mem>>) src(%arg9 : memref<128x160xbf16, #tpu.memory_space<vmem>>) dst(%dma_wait3A_127 : memref<10240x160xbf16, #tpu.memory_space<vmem_shared>>)
          %add3A_128 = arith.constant 2 : i32
          %add3A_129 = arith.addi %add3A_80, %add3A_128 : i32
          %dma_start3A_130 = arith.constant 0 : i32
          %dma_start3A_131 = tpu.memref_slice %arg6[%add3A_129, %dma_start3A_130] : memref<10x128xi32, #tpu.memory_space<vmem>> -> memref<1x128xi32, #tpu.memory_space<vmem>>
          %dma_start3A_132 = tpu.memref_squeeze %dma_start3A_131 : memref<1x128xi32, #tpu.memory_space<vmem>> -> memref<128xi32, #tpu.memory_space<vmem>>
          %dma_start3A_133 = arith.constant 0 : i32
          %dma_start3A_134 = arith.constant 0 : i32
          %dma_start3A_135 = tpu.memref_slice %arg2[%dma_start3A_133, %dma_start3A_134] : memref<10240x160xbf16, #tpu.memory_space<hbm>> -> memref<10240x160xbf16, #tpu.memory_space<hbm>>
          tpu.enqueue_indirect_dma source(%dma_start3A_135 : memref<10240x160xbf16, #tpu.memory_space<hbm>>) target(%arg9 : memref<128x160xbf16, #tpu.memory_space<vmem>>) offsets(%dma_start3A_132 : memref<128xi32, #tpu.memory_space<vmem>>) semaphore(%arg12 : memref<!tpu.dma_semaphore, #tpu.memory_space<semaphore_mem>>)
        } else {
        }
        %scan3A_107 = arith.constant 0 : i32
        scf.yield %scan3A_107 : i32
      }
      %scan3A_60 = arith.constant 5 : i32
      %dma_wait3A = arith.constant 8 : i32
      %dma_wait3A_61 = arith.constant 0 : i32
      %dma_wait3A_62 = tpu.memref_slice %arg7[%dma_wait3A, %dma_wait3A_61] : memref<10x128xi32, #tpu.memory_space<vmem>> -> memref<1x128xi32, #tpu.memory_space<vmem>>
      %dma_wait3A_63 = tpu.memref_squeeze %dma_wait3A_62 : memref<1x128xi32, #tpu.memory_space<vmem>> -> memref<128xi32, #tpu.memory_space<vmem>>
      %dma_wait3A_64 = arith.constant 0 : i32
      %dma_wait3A_65 = arith.constant 0 : i32
      %dma_wait3A_66 = tpu.memref_slice %arg10[%dma_wait3A_64, %dma_wait3A_65] : memref<10240x160xbf16, #tpu.memory_space<vmem_shared>> -> memref<10240x160xbf16, #tpu.memory_space<vmem_shared>>
      tpu.wait_indirect_dma semaphore(%arg13 : memref<!tpu.dma_semaphore, #tpu.memory_space<semaphore_mem>>) src(%arg8 : memref<128x160xbf16, #tpu.memory_space<vmem>>) dst(%dma_wait3A_66 : memref<10240x160xbf16, #tpu.memory_space<vmem_shared>>)
      %dma_wait3A_67 = arith.constant 9 : i32
      %dma_wait3A_68 = arith.constant 0 : i32
      %dma_wait3A_69 = tpu.memref_slice %arg7[%dma_wait3A_67, %dma_wait3A_68] : memref<10x128xi32, #tpu.memory_space<vmem>> -> memref<1x128xi32, #tpu.memory_space<vmem>>
      %dma_wait3A_70 = tpu.memref_squeeze %dma_wait3A_69 : memref<1x128xi32, #tpu.memory_space<vmem>> -> memref<128xi32, #tpu.memory_space<vmem>>
      %dma_wait3A_71 = arith.constant 0 : i32
      %dma_wait3A_72 = arith.constant 0 : i32
      %dma_wait3A_73 = tpu.memref_slice %arg10[%dma_wait3A_71, %dma_wait3A_72] : memref<10240x160xbf16, #tpu.memory_space<vmem_shared>> -> memref<10240x160xbf16, #tpu.memory_space<vmem_shared>>
      tpu.wait_indirect_dma semaphore(%arg14 : memref<!tpu.dma_semaphore, #tpu.memory_space<semaphore_mem>>) src(%arg9 : memref<128x160xbf16, #tpu.memory_space<vmem>>) dst(%dma_wait3A_73 : memref<10240x160xbf16, #tpu.memory_space<vmem_shared>>)
      %scan3A_74 = arith.constant 0 : i32
      scf.yield %scan3A_74 : i32
    }
    %scan3A_33 = arith.constant 8 : i32
    %barrier3A_34 = arith.constant 0 : index
    tpu.barrier barrier_id(%barrier3A_34)
    %mul3A_35 = arith.constant 640 : i32
    %mul3A_36 = arith.muli %arg1, %mul3A_35 : i32
    %mul3A_37 = arith.constant 640 : i32
    %mul3A_38 = arith.muli %arg1, %mul3A_37 : i32
    "tpu.region"() ({
      %run_scoped3A = tpu.sem_alloc : memref<!tpu.dma_semaphore, #tpu.memory_space<semaphore_mem>>
      %dma_start3A = arith.constant 0 : i32
      %dma_start3A_39 = tpu.memref_slice %arg5[%arg0, %mul3A_38, %dma_start3A] : memref<2x10240x160xbf16, #tpu.memory_space<hbm>> -> memref<1x640x160xbf16, #tpu.memory_space<hbm>>
      %dma_start3A_40 = tpu.memref_squeeze %dma_start3A_39 : memref<1x640x160xbf16, #tpu.memory_space<hbm>> -> memref<640x160xbf16, #tpu.memory_space<hbm>>
      %dma_start3A_41 = arith.constant 0 : i32
      %dma_start3A_42 = tpu.memref_slice %arg10[%mul3A_36, %dma_start3A_41] : memref<10240x160xbf16, #tpu.memory_space<vmem_shared>> -> memref<640x160xbf16, #tpu.memory_space<vmem_shared>>
      tpu.enqueue_dma source(%dma_start3A_42 : memref<640x160xbf16, #tpu.memory_space<vmem_shared>>) target(%dma_start3A_40 : memref<640x160xbf16, #tpu.memory_space<hbm>>) target_semaphore(%run_scoped3A : memref<!tpu.dma_semaphore, #tpu.memory_space<semaphore_mem>>)
      %dma_wait3A = arith.constant 0 : i32
      %dma_wait3A_43 = tpu.memref_slice %arg5[%arg0, %mul3A_38, %dma_wait3A] : memref<2x10240x160xbf16, #tpu.memory_space<hbm>> -> memref<1x640x160xbf16, #tpu.memory_space<hbm>>
      %dma_wait3A_44 = tpu.memref_squeeze %dma_wait3A_43 : memref<1x640x160xbf16, #tpu.memory_space<hbm>> -> memref<640x160xbf16, #tpu.memory_space<hbm>>
      %dma_wait3A_45 = arith.constant 0 : i32
      %dma_wait3A_46 = tpu.memref_slice %arg10[%mul3A_36, %dma_wait3A_45] : memref<10240x160xbf16, #tpu.memory_space<vmem_shared>> -> memref<640x160xbf16, #tpu.memory_space<vmem_shared>>
      tpu.wait_dma2 semaphore(%run_scoped3A : memref<!tpu.dma_semaphore, #tpu.memory_space<semaphore_mem>>) src(%dma_wait3A_46 : memref<640x160xbf16, #tpu.memory_space<vmem_shared>>) dst(%dma_wait3A_44 : memref<640x160xbf16, #tpu.memory_space<hbm>>)
      tpu.yield
    }) : () -> ()
    return
  }
}

#map = affine_map<(d0, d1) -> (0, 0)>
#map1 = affine_map<(d0, d1) -> (0, 0, 0, 0)>
#map2 = affine_map<(d0, d1) -> (0, 0, 0)>
module attributes {stable_mosaic.version = 14 : i64} {
  func.func @_sc_agg_body(%arg0: i32, %arg1: i32, %arg2: memref<10240x128xbf16, #tpu.memory_space<hbm>>, %arg3: memref<32x8x10x128xi32, #tpu.memory_space<hbm>>, %arg4: memref<32x8x10x128xi32, #tpu.memory_space<hbm>>, %arg5: memref<2x10240x128xbf16, #tpu.memory_space<hbm>>, %arg6: memref<10x128xi32, #tpu.memory_space<vmem>>, %arg7: memref<10x128xi32, #tpu.memory_space<vmem>>, %arg8: memref<128x128xbf16, #tpu.memory_space<vmem>>, %arg9: memref<128x128xbf16, #tpu.memory_space<vmem>>, %arg10: memref<10240x128xbf16, #tpu.memory_space<vmem_shared>>, %arg11: memref<!tpu.dma_semaphore, #tpu.memory_space<semaphore_mem>>, %arg12: memref<!tpu.dma_semaphore, #tpu.memory_space<semaphore_mem>>, %arg13: memref<!tpu.dma_semaphore, #tpu.memory_space<semaphore_mem>>, %arg14: memref<!tpu.dma_semaphore, #tpu.memory_space<semaphore_mem>>) attributes {dimension_semantics = [#tpu.dimension_semantics<core_parallel>, #tpu.dimension_semantics<subcore_parallel>], iteration_bounds = array<i64: 2, 16>, scalar_prefetch = 0 : i64, scratch_operands = 9 : i64, tpu.core_type = #tpu.core_type<sc_vector_subcore>, window_params = [{transform_indices = #map}, {transform_indices = #map1}, {transform_indices = #map1}, {transform_indices = #map2}]} {
    %mul3A = arith.constant 16 : i32
    %mul3A_0 = arith.muli %arg0, %mul3A : i32
    %add3A = arith.addi %mul3A_0, %arg1 : i32
    %scan3A = arith.constant 0 : i32
    %scan3A_1 = arith.constant 0 : i32
    %scan3A_2 = arith.constant 128 : i32
    %scan3A_3 = arith.addi %scan3A_1, %scan3A_2 : i32
    %scan3A_4 = arith.constant 1 : i32
    %scan3A_5 = scf.for %scan3A_39 = %scan3A_1 to %scan3A_3 step %scan3A_4 iter_args(%scan3A_40 = %scan3A) -> (i32)  : i32 {
      %scan3A_41 = arith.constant 0 : i32
      %scan3A_42 = arith.constant 0 : i32
      %scan3A_43 = arith.constant 4 : i32
      %scan3A_44 = arith.addi %scan3A_42, %scan3A_43 : i32
      %scan3A_45 = arith.constant 1 : i32
      %scan3A_46 = scf.for %scan3A_49 = %scan3A_42 to %scan3A_44 step %scan3A_45 iter_args(%scan3A_50 = %scan3A_41) -> (i32)  : i32 {
        %broadcast_in_dim3A = arith.constant 0.000000e+00 : bf16
        %broadcast_in_dim3A_51 = vector.broadcast %broadcast_in_dim3A : bf16 to vector<32xbf16>
        %mul3A_52 = arith.constant 32 : i32
        %mul3A_53 = arith.muli %scan3A_49, %mul3A_52 : i32
        %swap3A = arith.index_cast %scan3A_39 : i32 to index
        %swap3A_54 = arith.index_cast %mul3A_53 : i32 to index
        %swap3A_55 = tpu.vector_load %arg8[%swap3A, %swap3A_54] {strides = array<i32>} : memref<128x128xbf16, #tpu.memory_space<vmem>>, vector<1x32xbf16>,
        %swap3A_56 = vector.shape_cast %swap3A_55 : vector<1x32xbf16> to vector<32xbf16>
        %swap3A_57 = vector.shape_cast %broadcast_in_dim3A_51 : vector<32xbf16> to vector<1x32xbf16>
        tpu.vector_store %arg8[%swap3A, %swap3A_54], %swap3A_57 {strides = array<i32>} : memref<128x128xbf16, #tpu.memory_space<vmem>>, vector<1x32xbf16>,
        %scan3A_58 = arith.constant 0 : i32
        scf.yield %scan3A_58 : i32
      }
      %scan3A_47 = arith.constant 4 : i32
      %scan3A_48 = arith.constant 0 : i32
      scf.yield %scan3A_48 : i32
    }
    %scan3A_6 = arith.constant 128 : i32
    %mul3A_7 = arith.constant 640 : i32
    %mul3A_8 = arith.muli %arg1, %mul3A_7 : i32
    %add3A_9 = arith.constant 0 : i32
    %add3A_10 = arith.addi %mul3A_8, %add3A_9 : i32
    "tpu.region"() ({
      %run_scoped3A = tpu.sem_alloc : memref<!tpu.dma_semaphore, #tpu.memory_space<semaphore_mem>>
      %dma_start3A = arith.constant 0 : i32
      %dma_start3A_39 = tpu.memref_slice %arg10[%add3A_10, %dma_start3A] : memref<10240x128xbf16, #tpu.memory_space<vmem_shared>> -> memref<128x128xbf16, #tpu.memory_space<vmem_shared>>
      %dma_start3A_40 = arith.constant 0 : i32
      %dma_start3A_41 = tpu.memref_slice %arg10[%add3A_10, %dma_start3A_40] : memref<10240x128xbf16, #tpu.memory_space<vmem_shared>> -> memref<128x128xbf16, #tpu.memory_space<vmem_shared>>
      tpu.enqueue_dma source(%arg8 : memref<128x128xbf16, #tpu.memory_space<vmem>>) target(%dma_start3A_41 : memref<128x128xbf16, #tpu.memory_space<vmem_shared>>) target_semaphore(%run_scoped3A : memref<!tpu.dma_semaphore, #tpu.memory_space<semaphore_mem>>)
      %dma_wait3A = arith.constant 0 : i32
      %dma_wait3A_42 = tpu.memref_slice %arg10[%add3A_10, %dma_wait3A] : memref<10240x128xbf16, #tpu.memory_space<vmem_shared>> -> memref<128x128xbf16, #tpu.memory_space<vmem_shared>>
      %dma_wait3A_43 = arith.constant 0 : i32
      %dma_wait3A_44 = tpu.memref_slice %arg10[%add3A_10, %dma_wait3A_43] : memref<10240x128xbf16, #tpu.memory_space<vmem_shared>> -> memref<128x128xbf16, #tpu.memory_space<vmem_shared>>
      tpu.wait_dma2 semaphore(%run_scoped3A : memref<!tpu.dma_semaphore, #tpu.memory_space<semaphore_mem>>) src(%arg8 : memref<128x128xbf16, #tpu.memory_space<vmem>>) dst(%dma_wait3A_44 : memref<128x128xbf16, #tpu.memory_space<vmem_shared>>)
      tpu.yield
    }) : () -> ()
    %mul3A_11 = arith.constant 640 : i32
    %mul3A_12 = arith.muli %arg1, %mul3A_11 : i32
    %add3A_13 = arith.constant 128 : i32
    %add3A_14 = arith.addi %mul3A_12, %add3A_13 : i32
    "tpu.region"() ({
      %run_scoped3A = tpu.sem_alloc : memref<!tpu.dma_semaphore, #tpu.memory_space<semaphore_mem>>
      %dma_start3A = arith.constant 0 : i32
      %dma_start3A_39 = tpu.memref_slice %arg10[%add3A_14, %dma_start3A] : memref<10240x128xbf16, #tpu.memory_space<vmem_shared>> -> memref<128x128xbf16, #tpu.memory_space<vmem_shared>>
      %dma_start3A_40 = arith.constant 0 : i32
      %dma_start3A_41 = tpu.memref_slice %arg10[%add3A_14, %dma_start3A_40] : memref<10240x128xbf16, #tpu.memory_space<vmem_shared>> -> memref<128x128xbf16, #tpu.memory_space<vmem_shared>>
      tpu.enqueue_dma source(%arg8 : memref<128x128xbf16, #tpu.memory_space<vmem>>) target(%dma_start3A_41 : memref<128x128xbf16, #tpu.memory_space<vmem_shared>>) target_semaphore(%run_scoped3A : memref<!tpu.dma_semaphore, #tpu.memory_space<semaphore_mem>>)
      %dma_wait3A = arith.constant 0 : i32
      %dma_wait3A_42 = tpu.memref_slice %arg10[%add3A_14, %dma_wait3A] : memref<10240x128xbf16, #tpu.memory_space<vmem_shared>> -> memref<128x128xbf16, #tpu.memory_space<vmem_shared>>
      %dma_wait3A_43 = arith.constant 0 : i32
      %dma_wait3A_44 = tpu.memref_slice %arg10[%add3A_14, %dma_wait3A_43] : memref<10240x128xbf16, #tpu.memory_space<vmem_shared>> -> memref<128x128xbf16, #tpu.memory_space<vmem_shared>>
      tpu.wait_dma2 semaphore(%run_scoped3A : memref<!tpu.dma_semaphore, #tpu.memory_space<semaphore_mem>>) src(%arg8 : memref<128x128xbf16, #tpu.memory_space<vmem>>) dst(%dma_wait3A_44 : memref<128x128xbf16, #tpu.memory_space<vmem_shared>>)
      tpu.yield
    }) : () -> ()
    %mul3A_15 = arith.constant 640 : i32
    %mul3A_16 = arith.muli %arg1, %mul3A_15 : i32
    %add3A_17 = arith.constant 256 : i32
    %add3A_18 = arith.addi %mul3A_16, %add3A_17 : i32
    "tpu.region"() ({
      %run_scoped3A = tpu.sem_alloc : memref<!tpu.dma_semaphore, #tpu.memory_space<semaphore_mem>>
      %dma_start3A = arith.constant 0 : i32
      %dma_start3A_39 = tpu.memref_slice %arg10[%add3A_18, %dma_start3A] : memref<10240x128xbf16, #tpu.memory_space<vmem_shared>> -> memref<128x128xbf16, #tpu.memory_space<vmem_shared>>
      %dma_start3A_40 = arith.constant 0 : i32
      %dma_start3A_41 = tpu.memref_slice %arg10[%add3A_18, %dma_start3A_40] : memref<10240x128xbf16, #tpu.memory_space<vmem_shared>> -> memref<128x128xbf16, #tpu.memory_space<vmem_shared>>
      tpu.enqueue_dma source(%arg8 : memref<128x128xbf16, #tpu.memory_space<vmem>>) target(%dma_start3A_41 : memref<128x128xbf16, #tpu.memory_space<vmem_shared>>) target_semaphore(%run_scoped3A : memref<!tpu.dma_semaphore, #tpu.memory_space<semaphore_mem>>)
      %dma_wait3A = arith.constant 0 : i32
      %dma_wait3A_42 = tpu.memref_slice %arg10[%add3A_18, %dma_wait3A] : memref<10240x128xbf16, #tpu.memory_space<vmem_shared>> -> memref<128x128xbf16, #tpu.memory_space<vmem_shared>>
      %dma_wait3A_43 = arith.constant 0 : i32
      %dma_wait3A_44 = tpu.memref_slice %arg10[%add3A_18, %dma_wait3A_43] : memref<10240x128xbf16, #tpu.memory_space<vmem_shared>> -> memref<128x128xbf16, #tpu.memory_space<vmem_shared>>
      tpu.wait_dma2 semaphore(%run_scoped3A : memref<!tpu.dma_semaphore, #tpu.memory_space<semaphore_mem>>) src(%arg8 : memref<128x128xbf16, #tpu.memory_space<vmem>>) dst(%dma_wait3A_44 : memref<128x128xbf16, #tpu.memory_space<vmem_shared>>)
      tpu.yield
    }) : () -> ()
    %mul3A_19 = arith.constant 640 : i32
    %mul3A_20 = arith.muli %arg1, %mul3A_19 : i32
    %add3A_21 = arith.constant 384 : i32
    %add3A_22 = arith.addi %mul3A_20, %add3A_21 : i32
    "tpu.region"() ({
      %run_scoped3A = tpu.sem_alloc : memref<!tpu.dma_semaphore, #tpu.memory_space<semaphore_mem>>
      %dma_start3A = arith.constant 0 : i32
      %dma_start3A_39 = tpu.memref_slice %arg10[%add3A_22, %dma_start3A] : memref<10240x128xbf16, #tpu.memory_space<vmem_shared>> -> memref<128x128xbf16, #tpu.memory_space<vmem_shared>>
      %dma_start3A_40 = arith.constant 0 : i32
      %dma_start3A_41 = tpu.memref_slice %arg10[%add3A_22, %dma_start3A_40] : memref<10240x128xbf16, #tpu.memory_space<vmem_shared>> -> memref<128x128xbf16, #tpu.memory_space<vmem_shared>>
      tpu.enqueue_dma source(%arg8 : memref<128x128xbf16, #tpu.memory_space<vmem>>) target(%dma_start3A_41 : memref<128x128xbf16, #tpu.memory_space<vmem_shared>>) target_semaphore(%run_scoped3A : memref<!tpu.dma_semaphore, #tpu.memory_space<semaphore_mem>>)
      %dma_wait3A = arith.constant 0 : i32
      %dma_wait3A_42 = tpu.memref_slice %arg10[%add3A_22, %dma_wait3A] : memref<10240x128xbf16, #tpu.memory_space<vmem_shared>> -> memref<128x128xbf16, #tpu.memory_space<vmem_shared>>
      %dma_wait3A_43 = arith.constant 0 : i32
      %dma_wait3A_44 = tpu.memref_slice %arg10[%add3A_22, %dma_wait3A_43] : memref<10240x128xbf16, #tpu.memory_space<vmem_shared>> -> memref<128x128xbf16, #tpu.memory_space<vmem_shared>>
      tpu.wait_dma2 semaphore(%run_scoped3A : memref<!tpu.dma_semaphore, #tpu.memory_space<semaphore_mem>>) src(%arg8 : memref<128x128xbf16, #tpu.memory_space<vmem>>) dst(%dma_wait3A_44 : memref<128x128xbf16, #tpu.memory_space<vmem_shared>>)
      tpu.yield
    }) : () -> ()
    %mul3A_23 = arith.constant 640 : i32
    %mul3A_24 = arith.muli %arg1, %mul3A_23 : i32
    %add3A_25 = arith.constant 512 : i32
    %add3A_26 = arith.addi %mul3A_24, %add3A_25 : i32
    "tpu.region"() ({
      %run_scoped3A = tpu.sem_alloc : memref<!tpu.dma_semaphore, #tpu.memory_space<semaphore_mem>>
      %dma_start3A = arith.constant 0 : i32
      %dma_start3A_39 = tpu.memref_slice %arg10[%add3A_26, %dma_start3A] : memref<10240x128xbf16, #tpu.memory_space<vmem_shared>> -> memref<128x128xbf16, #tpu.memory_space<vmem_shared>>
      %dma_start3A_40 = arith.constant 0 : i32
      %dma_start3A_41 = tpu.memref_slice %arg10[%add3A_26, %dma_start3A_40] : memref<10240x128xbf16, #tpu.memory_space<vmem_shared>> -> memref<128x128xbf16, #tpu.memory_space<vmem_shared>>
      tpu.enqueue_dma source(%arg8 : memref<128x128xbf16, #tpu.memory_space<vmem>>) target(%dma_start3A_41 : memref<128x128xbf16, #tpu.memory_space<vmem_shared>>) target_semaphore(%run_scoped3A : memref<!tpu.dma_semaphore, #tpu.memory_space<semaphore_mem>>)
      %dma_wait3A = arith.constant 0 : i32
      %dma_wait3A_42 = tpu.memref_slice %arg10[%add3A_26, %dma_wait3A] : memref<10240x128xbf16, #tpu.memory_space<vmem_shared>> -> memref<128x128xbf16, #tpu.memory_space<vmem_shared>>
      %dma_wait3A_43 = arith.constant 0 : i32
      %dma_wait3A_44 = tpu.memref_slice %arg10[%add3A_26, %dma_wait3A_43] : memref<10240x128xbf16, #tpu.memory_space<vmem_shared>> -> memref<128x128xbf16, #tpu.memory_space<vmem_shared>>
      tpu.wait_dma2 semaphore(%run_scoped3A : memref<!tpu.dma_semaphore, #tpu.memory_space<semaphore_mem>>) src(%arg8 : memref<128x128xbf16, #tpu.memory_space<vmem>>) dst(%dma_wait3A_44 : memref<128x128xbf16, #tpu.memory_space<vmem_shared>>)
      tpu.yield
    }) : () -> ()
    %barrier3A = arith.constant 0 : index
    tpu.barrier barrier_id(%barrier3A)
    %scan3A_27 = arith.constant 0 : i32
    %scan3A_28 = arith.constant 0 : i32
    %scan3A_29 = arith.constant 8 : i32
    %scan3A_30 = arith.addi %scan3A_28, %scan3A_29 : i32
    %scan3A_31 = arith.constant 1 : i32
    %scan3A_32 = scf.for %scan3A_39 = %scan3A_28 to %scan3A_30 step %scan3A_31 iter_args(%scan3A_40 = %scan3A_27) -> (i32)  : i32 {
      "tpu.region"() ({
        %run_scoped3A = tpu.sem_alloc : memref<!tpu.dma_semaphore, #tpu.memory_space<semaphore_mem>>
        %dma_start3A_75 = arith.constant 0 : i32
        %dma_start3A_76 = arith.constant 0 : i32
        %dma_start3A_77 = tpu.memref_slice %arg3[%add3A, %scan3A_39, %dma_start3A_75, %dma_start3A_76] : memref<32x8x10x128xi32, #tpu.memory_space<hbm>> -> memref<1x1x10x128xi32, #tpu.memory_space<hbm>>
        %dma_start3A_78 = tpu.memref_squeeze %dma_start3A_77 : memref<1x1x10x128xi32, #tpu.memory_space<hbm>> -> memref<10x128xi32, #tpu.memory_space<hbm>>
        %dma_start3A_79 = arith.constant 0 : i32
        %dma_start3A_80 = arith.constant 0 : i32
        %dma_start3A_81 = tpu.memref_slice %arg3[%add3A, %scan3A_39, %dma_start3A_79, %dma_start3A_80] : memref<32x8x10x128xi32, #tpu.memory_space<hbm>> -> memref<1x1x10x128xi32, #tpu.memory_space<hbm>>
        %dma_start3A_82 = tpu.memref_squeeze %dma_start3A_81 : memref<1x1x10x128xi32, #tpu.memory_space<hbm>> -> memref<10x128xi32, #tpu.memory_space<hbm>>
        tpu.enqueue_dma source(%dma_start3A_82 : memref<10x128xi32, #tpu.memory_space<hbm>>) target(%arg6 : memref<10x128xi32, #tpu.memory_space<vmem>>) target_semaphore(%run_scoped3A : memref<!tpu.dma_semaphore, #tpu.memory_space<semaphore_mem>>)
        %dma_wait3A_83 = arith.constant 0 : i32
        %dma_wait3A_84 = arith.constant 0 : i32
        %dma_wait3A_85 = tpu.memref_slice %arg3[%add3A, %scan3A_39, %dma_wait3A_83, %dma_wait3A_84] : memref<32x8x10x128xi32, #tpu.memory_space<hbm>> -> memref<1x1x10x128xi32, #tpu.memory_space<hbm>>
        %dma_wait3A_86 = tpu.memref_squeeze %dma_wait3A_85 : memref<1x1x10x128xi32, #tpu.memory_space<hbm>> -> memref<10x128xi32, #tpu.memory_space<hbm>>
        %dma_wait3A_87 = arith.constant 0 : i32
        %dma_wait3A_88 = arith.constant 0 : i32
        %dma_wait3A_89 = tpu.memref_slice %arg3[%add3A, %scan3A_39, %dma_wait3A_87, %dma_wait3A_88] : memref<32x8x10x128xi32, #tpu.memory_space<hbm>> -> memref<1x1x10x128xi32, #tpu.memory_space<hbm>>
        %dma_wait3A_90 = tpu.memref_squeeze %dma_wait3A_89 : memref<1x1x10x128xi32, #tpu.memory_space<hbm>> -> memref<10x128xi32, #tpu.memory_space<hbm>>
        tpu.wait_dma2 semaphore(%run_scoped3A : memref<!tpu.dma_semaphore, #tpu.memory_space<semaphore_mem>>) src(%dma_wait3A_90 : memref<10x128xi32, #tpu.memory_space<hbm>>) dst(%arg6 : memref<10x128xi32, #tpu.memory_space<vmem>>)
        tpu.yield
      }) : () -> ()
      "tpu.region"() ({
        %run_scoped3A = tpu.sem_alloc : memref<!tpu.dma_semaphore, #tpu.memory_space<semaphore_mem>>
        %dma_start3A_75 = arith.constant 0 : i32
        %dma_start3A_76 = arith.constant 0 : i32
        %dma_start3A_77 = tpu.memref_slice %arg4[%add3A, %scan3A_39, %dma_start3A_75, %dma_start3A_76] : memref<32x8x10x128xi32, #tpu.memory_space<hbm>> -> memref<1x1x10x128xi32, #tpu.memory_space<hbm>>
        %dma_start3A_78 = tpu.memref_squeeze %dma_start3A_77 : memref<1x1x10x128xi32, #tpu.memory_space<hbm>> -> memref<10x128xi32, #tpu.memory_space<hbm>>
        %dma_start3A_79 = arith.constant 0 : i32
        %dma_start3A_80 = arith.constant 0 : i32
        %dma_start3A_81 = tpu.memref_slice %arg4[%add3A, %scan3A_39, %dma_start3A_79, %dma_start3A_80] : memref<32x8x10x128xi32, #tpu.memory_space<hbm>> -> memref<1x1x10x128xi32, #tpu.memory_space<hbm>>
        %dma_start3A_82 = tpu.memref_squeeze %dma_start3A_81 : memref<1x1x10x128xi32, #tpu.memory_space<hbm>> -> memref<10x128xi32, #tpu.memory_space<hbm>>
        tpu.enqueue_dma source(%dma_start3A_82 : memref<10x128xi32, #tpu.memory_space<hbm>>) target(%arg7 : memref<10x128xi32, #tpu.memory_space<vmem>>) target_semaphore(%run_scoped3A : memref<!tpu.dma_semaphore, #tpu.memory_space<semaphore_mem>>)
        %dma_wait3A_83 = arith.constant 0 : i32
        %dma_wait3A_84 = arith.constant 0 : i32
        %dma_wait3A_85 = tpu.memref_slice %arg4[%add3A, %scan3A_39, %dma_wait3A_83, %dma_wait3A_84] : memref<32x8x10x128xi32, #tpu.memory_space<hbm>> -> memref<1x1x10x128xi32, #tpu.memory_space<hbm>>
        %dma_wait3A_86 = tpu.memref_squeeze %dma_wait3A_85 : memref<1x1x10x128xi32, #tpu.memory_space<hbm>> -> memref<10x128xi32, #tpu.memory_space<hbm>>
        %dma_wait3A_87 = arith.constant 0 : i32
        %dma_wait3A_88 = arith.constant 0 : i32
        %dma_wait3A_89 = tpu.memref_slice %arg4[%add3A, %scan3A_39, %dma_wait3A_87, %dma_wait3A_88] : memref<32x8x10x128xi32, #tpu.memory_space<hbm>> -> memref<1x1x10x128xi32, #tpu.memory_space<hbm>>
        %dma_wait3A_90 = tpu.memref_squeeze %dma_wait3A_89 : memref<1x1x10x128xi32, #tpu.memory_space<hbm>> -> memref<10x128xi32, #tpu.memory_space<hbm>>
        tpu.wait_dma2 semaphore(%run_scoped3A : memref<!tpu.dma_semaphore, #tpu.memory_space<semaphore_mem>>) src(%dma_wait3A_90 : memref<10x128xi32, #tpu.memory_space<hbm>>) dst(%arg7 : memref<10x128xi32, #tpu.memory_space<vmem>>)
        tpu.yield
      }) : () -> ()
      %dma_start3A = arith.constant 0 : i32
      %dma_start3A_41 = arith.constant 0 : i32
      %dma_start3A_42 = tpu.memref_slice %arg6[%dma_start3A, %dma_start3A_41] : memref<10x128xi32, #tpu.memory_space<vmem>> -> memref<1x128xi32, #tpu.memory_space<vmem>>
      %dma_start3A_43 = tpu.memref_squeeze %dma_start3A_42 : memref<1x128xi32, #tpu.memory_space<vmem>> -> memref<128xi32, #tpu.memory_space<vmem>>
      %dma_start3A_44 = arith.constant 0 : i32
      %dma_start3A_45 = arith.constant 0 : i32
      %dma_start3A_46 = tpu.memref_slice %arg2[%dma_start3A_44, %dma_start3A_45] : memref<10240x128xbf16, #tpu.memory_space<hbm>> -> memref<10240x128xbf16, #tpu.memory_space<hbm>>
      tpu.enqueue_indirect_dma source(%dma_start3A_46 : memref<10240x128xbf16, #tpu.memory_space<hbm>>) target(%arg8 : memref<128x128xbf16, #tpu.memory_space<vmem>>) offsets(%dma_start3A_43 : memref<128xi32, #tpu.memory_space<vmem>>) semaphore(%arg11 : memref<!tpu.dma_semaphore, #tpu.memory_space<semaphore_mem>>)
      %dma_start3A_47 = arith.constant 1 : i32
      %dma_start3A_48 = arith.constant 0 : i32
      %dma_start3A_49 = tpu.memref_slice %arg6[%dma_start3A_47, %dma_start3A_48] : memref<10x128xi32, #tpu.memory_space<vmem>> -> memref<1x128xi32, #tpu.memory_space<vmem>>
      %dma_start3A_50 = tpu.memref_squeeze %dma_start3A_49 : memref<1x128xi32, #tpu.memory_space<vmem>> -> memref<128xi32, #tpu.memory_space<vmem>>
      %dma_start3A_51 = arith.constant 0 : i32
      %dma_start3A_52 = arith.constant 0 : i32
      %dma_start3A_53 = tpu.memref_slice %arg2[%dma_start3A_51, %dma_start3A_52] : memref<10240x128xbf16, #tpu.memory_space<hbm>> -> memref<10240x128xbf16, #tpu.memory_space<hbm>>
      tpu.enqueue_indirect_dma source(%dma_start3A_53 : memref<10240x128xbf16, #tpu.memory_space<hbm>>) target(%arg9 : memref<128x128xbf16, #tpu.memory_space<vmem>>) offsets(%dma_start3A_50 : memref<128xi32, #tpu.memory_space<vmem>>) semaphore(%arg12 : memref<!tpu.dma_semaphore, #tpu.memory_space<semaphore_mem>>)
      %scan3A_54 = arith.constant 0 : i32
      %scan3A_55 = arith.constant 0 : i32
      %scan3A_56 = arith.constant 5 : i32
      %scan3A_57 = arith.addi %scan3A_55, %scan3A_56 : i32
      %scan3A_58 = arith.constant 1 : i32
      %scan3A_59 = scf.for %scan3A_75 = %scan3A_55 to %scan3A_57 step %scan3A_58 iter_args(%scan3A_76 = %scan3A_54) -> (i32)  : i32 {
        %mul3A_77 = arith.constant 2 : i32
        %mul3A_78 = arith.muli %mul3A_77, %scan3A_75 : i32
        %add3A_79 = arith.constant 1 : i32
        %add3A_80 = arith.addi %mul3A_78, %add3A_79 : i32
        %dma_wait3A_81 = arith.constant 0 : i32
        %dma_wait3A_82 = tpu.memref_slice %arg6[%mul3A_78, %dma_wait3A_81] : memref<10x128xi32, #tpu.memory_space<vmem>> -> memref<1x128xi32, #tpu.memory_space<vmem>>
        %dma_wait3A_83 = tpu.memref_squeeze %dma_wait3A_82 : memref<1x128xi32, #tpu.memory_space<vmem>> -> memref<128xi32, #tpu.memory_space<vmem>>
        %dma_wait3A_84 = arith.constant 0 : i32
        %dma_wait3A_85 = arith.constant 0 : i32
        %dma_wait3A_86 = tpu.memref_slice %arg2[%dma_wait3A_84, %dma_wait3A_85] : memref<10240x128xbf16, #tpu.memory_space<hbm>> -> memref<10240x128xbf16, #tpu.memory_space<hbm>>
        tpu.wait_indirect_dma semaphore(%arg11 : memref<!tpu.dma_semaphore, #tpu.memory_space<semaphore_mem>>) src(%dma_wait3A_86 : memref<10240x128xbf16, #tpu.memory_space<hbm>>) dst(%arg8 : memref<128x128xbf16, #tpu.memory_space<vmem>>)
        %dma_start3A_87 = arith.constant 0 : i32
        %dma_start3A_88 = tpu.memref_slice %arg7[%mul3A_78, %dma_start3A_87] : memref<10x128xi32, #tpu.memory_space<vmem>> -> memref<1x128xi32, #tpu.memory_space<vmem>>
        %dma_start3A_89 = tpu.memref_squeeze %dma_start3A_88 : memref<1x128xi32, #tpu.memory_space<vmem>> -> memref<128xi32, #tpu.memory_space<vmem>>
        %dma_start3A_90 = arith.constant 0 : i32
        %dma_start3A_91 = arith.constant 0 : i32
        %dma_start3A_92 = tpu.memref_slice %arg10[%dma_start3A_90, %dma_start3A_91] : memref<10240x128xbf16, #tpu.memory_space<vmem_shared>> -> memref<10240x128xbf16, #tpu.memory_space<vmem_shared>>
        tpu.enqueue_indirect_dma source(%arg8 : memref<128x128xbf16, #tpu.memory_space<vmem>>) target(%dma_start3A_92 : memref<10240x128xbf16, #tpu.memory_space<vmem_shared>>) offsets(%dma_start3A_89 : memref<128xi32, #tpu.memory_space<vmem>>) semaphore(%arg13 : memref<!tpu.dma_semaphore, #tpu.memory_space<semaphore_mem>>) {add = true}
        %dma_wait3A_93 = arith.constant 0 : i32
        %dma_wait3A_94 = tpu.memref_slice %arg6[%add3A_80, %dma_wait3A_93] : memref<10x128xi32, #tpu.memory_space<vmem>> -> memref<1x128xi32, #tpu.memory_space<vmem>>
        %dma_wait3A_95 = tpu.memref_squeeze %dma_wait3A_94 : memref<1x128xi32, #tpu.memory_space<vmem>> -> memref<128xi32, #tpu.memory_space<vmem>>
        %dma_wait3A_96 = arith.constant 0 : i32
        %dma_wait3A_97 = arith.constant 0 : i32
        %dma_wait3A_98 = tpu.memref_slice %arg2[%dma_wait3A_96, %dma_wait3A_97] : memref<10240x128xbf16, #tpu.memory_space<hbm>> -> memref<10240x128xbf16, #tpu.memory_space<hbm>>
        tpu.wait_indirect_dma semaphore(%arg12 : memref<!tpu.dma_semaphore, #tpu.memory_space<semaphore_mem>>) src(%dma_wait3A_98 : memref<10240x128xbf16, #tpu.memory_space<hbm>>) dst(%arg9 : memref<128x128xbf16, #tpu.memory_space<vmem>>)
        %dma_start3A_99 = arith.constant 0 : i32
        %dma_start3A_100 = tpu.memref_slice %arg7[%add3A_80, %dma_start3A_99] : memref<10x128xi32, #tpu.memory_space<vmem>> -> memref<1x128xi32, #tpu.memory_space<vmem>>
        %dma_start3A_101 = tpu.memref_squeeze %dma_start3A_100 : memref<1x128xi32, #tpu.memory_space<vmem>> -> memref<128xi32, #tpu.memory_space<vmem>>
        %dma_start3A_102 = arith.constant 0 : i32
        %dma_start3A_103 = arith.constant 0 : i32
        %dma_start3A_104 = tpu.memref_slice %arg10[%dma_start3A_102, %dma_start3A_103] : memref<10240x128xbf16, #tpu.memory_space<vmem_shared>> -> memref<10240x128xbf16, #tpu.memory_space<vmem_shared>>
        tpu.enqueue_indirect_dma source(%arg9 : memref<128x128xbf16, #tpu.memory_space<vmem>>) target(%dma_start3A_104 : memref<10240x128xbf16, #tpu.memory_space<vmem_shared>>) offsets(%dma_start3A_101 : memref<128xi32, #tpu.memory_space<vmem>>) semaphore(%arg14 : memref<!tpu.dma_semaphore, #tpu.memory_space<semaphore_mem>>) {add = true}
        %lt3A = arith.constant 4 : i32
        %lt3A_105 = arith.cmpi slt, %scan3A_75, %lt3A : i32
        %convert_element_type3A = arith.extui %lt3A_105 : i1 to i32
        %cond3A = arith.constant 0 : i32
        %cond3A_106 = arith.cmpi ne, %convert_element_type3A, %cond3A : i32
        scf.if %cond3A_106 {
          %dma_wait3A_108 = arith.constant 0 : i32
          %dma_wait3A_109 = tpu.memref_slice %arg7[%mul3A_78, %dma_wait3A_108] : memref<10x128xi32, #tpu.memory_space<vmem>> -> memref<1x128xi32, #tpu.memory_space<vmem>>
          %dma_wait3A_110 = tpu.memref_squeeze %dma_wait3A_109 : memref<1x128xi32, #tpu.memory_space<vmem>> -> memref<128xi32, #tpu.memory_space<vmem>>
          %dma_wait3A_111 = arith.constant 0 : i32
          %dma_wait3A_112 = arith.constant 0 : i32
          %dma_wait3A_113 = tpu.memref_slice %arg10[%dma_wait3A_111, %dma_wait3A_112] : memref<10240x128xbf16, #tpu.memory_space<vmem_shared>> -> memref<10240x128xbf16, #tpu.memory_space<vmem_shared>>
          tpu.wait_indirect_dma semaphore(%arg13 : memref<!tpu.dma_semaphore, #tpu.memory_space<semaphore_mem>>) src(%arg8 : memref<128x128xbf16, #tpu.memory_space<vmem>>) dst(%dma_wait3A_113 : memref<10240x128xbf16, #tpu.memory_space<vmem_shared>>)
          %add3A_114 = arith.constant 2 : i32
          %add3A_115 = arith.addi %mul3A_78, %add3A_114 : i32
          %dma_start3A_116 = arith.constant 0 : i32
          %dma_start3A_117 = tpu.memref_slice %arg6[%add3A_115, %dma_start3A_116] : memref<10x128xi32, #tpu.memory_space<vmem>> -> memref<1x128xi32, #tpu.memory_space<vmem>>
          %dma_start3A_118 = tpu.memref_squeeze %dma_start3A_117 : memref<1x128xi32, #tpu.memory_space<vmem>> -> memref<128xi32, #tpu.memory_space<vmem>>
          %dma_start3A_119 = arith.constant 0 : i32
          %dma_start3A_120 = arith.constant 0 : i32
          %dma_start3A_121 = tpu.memref_slice %arg2[%dma_start3A_119, %dma_start3A_120] : memref<10240x128xbf16, #tpu.memory_space<hbm>> -> memref<10240x128xbf16, #tpu.memory_space<hbm>>
          tpu.enqueue_indirect_dma source(%dma_start3A_121 : memref<10240x128xbf16, #tpu.memory_space<hbm>>) target(%arg8 : memref<128x128xbf16, #tpu.memory_space<vmem>>) offsets(%dma_start3A_118 : memref<128xi32, #tpu.memory_space<vmem>>) semaphore(%arg11 : memref<!tpu.dma_semaphore, #tpu.memory_space<semaphore_mem>>)
          %dma_wait3A_122 = arith.constant 0 : i32
          %dma_wait3A_123 = tpu.memref_slice %arg7[%add3A_80, %dma_wait3A_122] : memref<10x128xi32, #tpu.memory_space<vmem>> -> memref<1x128xi32, #tpu.memory_space<vmem>>
          %dma_wait3A_124 = tpu.memref_squeeze %dma_wait3A_123 : memref<1x128xi32, #tpu.memory_space<vmem>> -> memref<128xi32, #tpu.memory_space<vmem>>
          %dma_wait3A_125 = arith.constant 0 : i32
          %dma_wait3A_126 = arith.constant 0 : i32
          %dma_wait3A_127 = tpu.memref_slice %arg10[%dma_wait3A_125, %dma_wait3A_126] : memref<10240x128xbf16, #tpu.memory_space<vmem_shared>> -> memref<10240x128xbf16, #tpu.memory_space<vmem_shared>>
          tpu.wait_indirect_dma semaphore(%arg14 : memref<!tpu.dma_semaphore, #tpu.memory_space<semaphore_mem>>) src(%arg9 : memref<128x128xbf16, #tpu.memory_space<vmem>>) dst(%dma_wait3A_127 : memref<10240x128xbf16, #tpu.memory_space<vmem_shared>>)
          %add3A_128 = arith.constant 2 : i32
          %add3A_129 = arith.addi %add3A_80, %add3A_128 : i32
          %dma_start3A_130 = arith.constant 0 : i32
          %dma_start3A_131 = tpu.memref_slice %arg6[%add3A_129, %dma_start3A_130] : memref<10x128xi32, #tpu.memory_space<vmem>> -> memref<1x128xi32, #tpu.memory_space<vmem>>
          %dma_start3A_132 = tpu.memref_squeeze %dma_start3A_131 : memref<1x128xi32, #tpu.memory_space<vmem>> -> memref<128xi32, #tpu.memory_space<vmem>>
          %dma_start3A_133 = arith.constant 0 : i32
          %dma_start3A_134 = arith.constant 0 : i32
          %dma_start3A_135 = tpu.memref_slice %arg2[%dma_start3A_133, %dma_start3A_134] : memref<10240x128xbf16, #tpu.memory_space<hbm>> -> memref<10240x128xbf16, #tpu.memory_space<hbm>>
          tpu.enqueue_indirect_dma source(%dma_start3A_135 : memref<10240x128xbf16, #tpu.memory_space<hbm>>) target(%arg9 : memref<128x128xbf16, #tpu.memory_space<vmem>>) offsets(%dma_start3A_132 : memref<128xi32, #tpu.memory_space<vmem>>) semaphore(%arg12 : memref<!tpu.dma_semaphore, #tpu.memory_space<semaphore_mem>>)
        } else {
        }
        %scan3A_107 = arith.constant 0 : i32
        scf.yield %scan3A_107 : i32
      }
      %scan3A_60 = arith.constant 5 : i32
      %dma_wait3A = arith.constant 8 : i32
      %dma_wait3A_61 = arith.constant 0 : i32
      %dma_wait3A_62 = tpu.memref_slice %arg7[%dma_wait3A, %dma_wait3A_61] : memref<10x128xi32, #tpu.memory_space<vmem>> -> memref<1x128xi32, #tpu.memory_space<vmem>>
      %dma_wait3A_63 = tpu.memref_squeeze %dma_wait3A_62 : memref<1x128xi32, #tpu.memory_space<vmem>> -> memref<128xi32, #tpu.memory_space<vmem>>
      %dma_wait3A_64 = arith.constant 0 : i32
      %dma_wait3A_65 = arith.constant 0 : i32
      %dma_wait3A_66 = tpu.memref_slice %arg10[%dma_wait3A_64, %dma_wait3A_65] : memref<10240x128xbf16, #tpu.memory_space<vmem_shared>> -> memref<10240x128xbf16, #tpu.memory_space<vmem_shared>>
      tpu.wait_indirect_dma semaphore(%arg13 : memref<!tpu.dma_semaphore, #tpu.memory_space<semaphore_mem>>) src(%arg8 : memref<128x128xbf16, #tpu.memory_space<vmem>>) dst(%dma_wait3A_66 : memref<10240x128xbf16, #tpu.memory_space<vmem_shared>>)
      %dma_wait3A_67 = arith.constant 9 : i32
      %dma_wait3A_68 = arith.constant 0 : i32
      %dma_wait3A_69 = tpu.memref_slice %arg7[%dma_wait3A_67, %dma_wait3A_68] : memref<10x128xi32, #tpu.memory_space<vmem>> -> memref<1x128xi32, #tpu.memory_space<vmem>>
      %dma_wait3A_70 = tpu.memref_squeeze %dma_wait3A_69 : memref<1x128xi32, #tpu.memory_space<vmem>> -> memref<128xi32, #tpu.memory_space<vmem>>
      %dma_wait3A_71 = arith.constant 0 : i32
      %dma_wait3A_72 = arith.constant 0 : i32
      %dma_wait3A_73 = tpu.memref_slice %arg10[%dma_wait3A_71, %dma_wait3A_72] : memref<10240x128xbf16, #tpu.memory_space<vmem_shared>> -> memref<10240x128xbf16, #tpu.memory_space<vmem_shared>>
      tpu.wait_indirect_dma semaphore(%arg14 : memref<!tpu.dma_semaphore, #tpu.memory_space<semaphore_mem>>) src(%arg9 : memref<128x128xbf16, #tpu.memory_space<vmem>>) dst(%dma_wait3A_73 : memref<10240x128xbf16, #tpu.memory_space<vmem_shared>>)
      %scan3A_74 = arith.constant 0 : i32
      scf.yield %scan3A_74 : i32
    }
    %scan3A_33 = arith.constant 8 : i32
    %barrier3A_34 = arith.constant 0 : index
    tpu.barrier barrier_id(%barrier3A_34)
    %mul3A_35 = arith.constant 640 : i32
    %mul3A_36 = arith.muli %arg1, %mul3A_35 : i32
    %mul3A_37 = arith.constant 640 : i32
    %mul3A_38 = arith.muli %arg1, %mul3A_37 : i32
    "tpu.region"() ({
      %run_scoped3A = tpu.sem_alloc : memref<!tpu.dma_semaphore, #tpu.memory_space<semaphore_mem>>
      %dma_start3A = arith.constant 0 : i32
      %dma_start3A_39 = tpu.memref_slice %arg5[%arg0, %mul3A_38, %dma_start3A] : memref<2x10240x128xbf16, #tpu.memory_space<hbm>> -> memref<1x640x128xbf16, #tpu.memory_space<hbm>>
      %dma_start3A_40 = tpu.memref_squeeze %dma_start3A_39 : memref<1x640x128xbf16, #tpu.memory_space<hbm>> -> memref<640x128xbf16, #tpu.memory_space<hbm>>
      %dma_start3A_41 = arith.constant 0 : i32
      %dma_start3A_42 = tpu.memref_slice %arg10[%mul3A_36, %dma_start3A_41] : memref<10240x128xbf16, #tpu.memory_space<vmem_shared>> -> memref<640x128xbf16, #tpu.memory_space<vmem_shared>>
      tpu.enqueue_dma source(%dma_start3A_42 : memref<640x128xbf16, #tpu.memory_space<vmem_shared>>) target(%dma_start3A_40 : memref<640x128xbf16, #tpu.memory_space<hbm>>) target_semaphore(%run_scoped3A : memref<!tpu.dma_semaphore, #tpu.memory_space<semaphore_mem>>)
      %dma_wait3A = arith.constant 0 : i32
      %dma_wait3A_43 = tpu.memref_slice %arg5[%arg0, %mul3A_38, %dma_wait3A] : memref<2x10240x128xbf16, #tpu.memory_space<hbm>> -> memref<1x640x128xbf16, #tpu.memory_space<hbm>>
      %dma_wait3A_44 = tpu.memref_squeeze %dma_wait3A_43 : memref<1x640x128xbf16, #tpu.memory_space<hbm>> -> memref<640x128xbf16, #tpu.memory_space<hbm>>
      %dma_wait3A_45 = arith.constant 0 : i32
      %dma_wait3A_46 = tpu.memref_slice %arg10[%mul3A_36, %dma_wait3A_45] : memref<10240x128xbf16, #tpu.memory_space<vmem_shared>> -> memref<640x128xbf16, #tpu.memory_space<vmem_shared>>
      tpu.wait_dma2 semaphore(%run_scoped3A : memref<!tpu.dma_semaphore, #tpu.memory_space<semaphore_mem>>) src(%dma_wait3A_46 : memref<640x128xbf16, #tpu.memory_space<vmem_shared>>) dst(%dma_wait3A_44 : memref<640x128xbf16, #tpu.memory_space<hbm>>)
      tpu.yield
    }) : () -> ()
    return
  }
}

#map = affine_map<(d0, d1) -> (0, 0)>
#map1 = affine_map<(d0, d1) -> (0, 0, 0, 0)>
#map2 = affine_map<(d0, d1) -> (0, 0, 0)>
module attributes {stable_mosaic.version = 14 : i64} {
  func.func @_sc_agg_body(%arg0: i32, %arg1: i32, %arg2: memref<10240x128xbf16, #tpu.memory_space<hbm>>, %arg3: memref<32x8x10x128xi32, #tpu.memory_space<hbm>>, %arg4: memref<32x8x10x128xi32, #tpu.memory_space<hbm>>, %arg5: memref<2x10240x128xbf16, #tpu.memory_space<hbm>>, %arg6: memref<10x128xi32, #tpu.memory_space<vmem>>, %arg7: memref<10x128xi32, #tpu.memory_space<vmem>>, %arg8: memref<128x128xbf16, #tpu.memory_space<vmem>>, %arg9: memref<128x128xbf16, #tpu.memory_space<vmem>>, %arg10: memref<10240x128xbf16, #tpu.memory_space<vmem_shared>>, %arg11: memref<!tpu.dma_semaphore, #tpu.memory_space<semaphore_mem>>, %arg12: memref<!tpu.dma_semaphore, #tpu.memory_space<semaphore_mem>>, %arg13: memref<!tpu.dma_semaphore, #tpu.memory_space<semaphore_mem>>, %arg14: memref<!tpu.dma_semaphore, #tpu.memory_space<semaphore_mem>>) attributes {dimension_semantics = [#tpu.dimension_semantics<core_parallel>, #tpu.dimension_semantics<subcore_parallel>], iteration_bounds = array<i64: 2, 16>, scalar_prefetch = 0 : i64, scratch_operands = 9 : i64, tpu.core_type = #tpu.core_type<sc_vector_subcore>, window_params = [{transform_indices = #map}, {transform_indices = #map1}, {transform_indices = #map1}, {transform_indices = #map2}]} {
    %mul3A = arith.constant 16 : i32
    %mul3A_0 = arith.muli %arg0, %mul3A : i32
    %add3A = arith.addi %mul3A_0, %arg1 : i32
    %scan3A = arith.constant 0 : i32
    %scan3A_1 = arith.constant 0 : i32
    %scan3A_2 = arith.constant 128 : i32
    %scan3A_3 = arith.addi %scan3A_1, %scan3A_2 : i32
    %scan3A_4 = arith.constant 1 : i32
    %scan3A_5 = scf.for %scan3A_39 = %scan3A_1 to %scan3A_3 step %scan3A_4 iter_args(%scan3A_40 = %scan3A) -> (i32)  : i32 {
      %scan3A_41 = arith.constant 0 : i32
      %scan3A_42 = arith.constant 0 : i32
      %scan3A_43 = arith.constant 4 : i32
      %scan3A_44 = arith.addi %scan3A_42, %scan3A_43 : i32
      %scan3A_45 = arith.constant 1 : i32
      %scan3A_46 = scf.for %scan3A_49 = %scan3A_42 to %scan3A_44 step %scan3A_45 iter_args(%scan3A_50 = %scan3A_41) -> (i32)  : i32 {
        %broadcast_in_dim3A = arith.constant 0.000000e+00 : bf16
        %broadcast_in_dim3A_51 = vector.broadcast %broadcast_in_dim3A : bf16 to vector<32xbf16>
        %mul3A_52 = arith.constant 32 : i32
        %mul3A_53 = arith.muli %scan3A_49, %mul3A_52 : i32
        %swap3A = arith.index_cast %scan3A_39 : i32 to index
        %swap3A_54 = arith.index_cast %mul3A_53 : i32 to index
        %swap3A_55 = tpu.vector_load %arg8[%swap3A, %swap3A_54] {strides = array<i32>} : memref<128x128xbf16, #tpu.memory_space<vmem>>, vector<1x32xbf16>,
        %swap3A_56 = vector.shape_cast %swap3A_55 : vector<1x32xbf16> to vector<32xbf16>
        %swap3A_57 = vector.shape_cast %broadcast_in_dim3A_51 : vector<32xbf16> to vector<1x32xbf16>
        tpu.vector_store %arg8[%swap3A, %swap3A_54], %swap3A_57 {strides = array<i32>} : memref<128x128xbf16, #tpu.memory_space<vmem>>, vector<1x32xbf16>,
        %scan3A_58 = arith.constant 0 : i32
        scf.yield %scan3A_58 : i32
      }
      %scan3A_47 = arith.constant 4 : i32
      %scan3A_48 = arith.constant 0 : i32
      scf.yield %scan3A_48 : i32
    }
    %scan3A_6 = arith.constant 128 : i32
    %mul3A_7 = arith.constant 640 : i32
    %mul3A_8 = arith.muli %arg1, %mul3A_7 : i32
    %add3A_9 = arith.constant 0 : i32
    %add3A_10 = arith.addi %mul3A_8, %add3A_9 : i32
    "tpu.region"() ({
      %run_scoped3A = tpu.sem_alloc : memref<!tpu.dma_semaphore, #tpu.memory_space<semaphore_mem>>
      %dma_start3A = arith.constant 0 : i32
      %dma_start3A_39 = tpu.memref_slice %arg10[%add3A_10, %dma_start3A] : memref<10240x128xbf16, #tpu.memory_space<vmem_shared>> -> memref<128x128xbf16, #tpu.memory_space<vmem_shared>>
      %dma_start3A_40 = arith.constant 0 : i32
      %dma_start3A_41 = tpu.memref_slice %arg10[%add3A_10, %dma_start3A_40] : memref<10240x128xbf16, #tpu.memory_space<vmem_shared>> -> memref<128x128xbf16, #tpu.memory_space<vmem_shared>>
      tpu.enqueue_dma source(%arg8 : memref<128x128xbf16, #tpu.memory_space<vmem>>) target(%dma_start3A_41 : memref<128x128xbf16, #tpu.memory_space<vmem_shared>>) target_semaphore(%run_scoped3A : memref<!tpu.dma_semaphore, #tpu.memory_space<semaphore_mem>>)
      %dma_wait3A = arith.constant 0 : i32
      %dma_wait3A_42 = tpu.memref_slice %arg10[%add3A_10, %dma_wait3A] : memref<10240x128xbf16, #tpu.memory_space<vmem_shared>> -> memref<128x128xbf16, #tpu.memory_space<vmem_shared>>
      %dma_wait3A_43 = arith.constant 0 : i32
      %dma_wait3A_44 = tpu.memref_slice %arg10[%add3A_10, %dma_wait3A_43] : memref<10240x128xbf16, #tpu.memory_space<vmem_shared>> -> memref<128x128xbf16, #tpu.memory_space<vmem_shared>>
      tpu.wait_dma2 semaphore(%run_scoped3A : memref<!tpu.dma_semaphore, #tpu.memory_space<semaphore_mem>>) src(%arg8 : memref<128x128xbf16, #tpu.memory_space<vmem>>) dst(%dma_wait3A_44 : memref<128x128xbf16, #tpu.memory_space<vmem_shared>>)
      tpu.yield
    }) : () -> ()
    %mul3A_11 = arith.constant 640 : i32
    %mul3A_12 = arith.muli %arg1, %mul3A_11 : i32
    %add3A_13 = arith.constant 128 : i32
    %add3A_14 = arith.addi %mul3A_12, %add3A_13 : i32
    "tpu.region"() ({
      %run_scoped3A = tpu.sem_alloc : memref<!tpu.dma_semaphore, #tpu.memory_space<semaphore_mem>>
      %dma_start3A = arith.constant 0 : i32
      %dma_start3A_39 = tpu.memref_slice %arg10[%add3A_14, %dma_start3A] : memref<10240x128xbf16, #tpu.memory_space<vmem_shared>> -> memref<128x128xbf16, #tpu.memory_space<vmem_shared>>
      %dma_start3A_40 = arith.constant 0 : i32
      %dma_start3A_41 = tpu.memref_slice %arg10[%add3A_14, %dma_start3A_40] : memref<10240x128xbf16, #tpu.memory_space<vmem_shared>> -> memref<128x128xbf16, #tpu.memory_space<vmem_shared>>
      tpu.enqueue_dma source(%arg8 : memref<128x128xbf16, #tpu.memory_space<vmem>>) target(%dma_start3A_41 : memref<128x128xbf16, #tpu.memory_space<vmem_shared>>) target_semaphore(%run_scoped3A : memref<!tpu.dma_semaphore, #tpu.memory_space<semaphore_mem>>)
      %dma_wait3A = arith.constant 0 : i32
      %dma_wait3A_42 = tpu.memref_slice %arg10[%add3A_14, %dma_wait3A] : memref<10240x128xbf16, #tpu.memory_space<vmem_shared>> -> memref<128x128xbf16, #tpu.memory_space<vmem_shared>>
      %dma_wait3A_43 = arith.constant 0 : i32
      %dma_wait3A_44 = tpu.memref_slice %arg10[%add3A_14, %dma_wait3A_43] : memref<10240x128xbf16, #tpu.memory_space<vmem_shared>> -> memref<128x128xbf16, #tpu.memory_space<vmem_shared>>
      tpu.wait_dma2 semaphore(%run_scoped3A : memref<!tpu.dma_semaphore, #tpu.memory_space<semaphore_mem>>) src(%arg8 : memref<128x128xbf16, #tpu.memory_space<vmem>>) dst(%dma_wait3A_44 : memref<128x128xbf16, #tpu.memory_space<vmem_shared>>)
      tpu.yield
    }) : () -> ()
    %mul3A_15 = arith.constant 640 : i32
    %mul3A_16 = arith.muli %arg1, %mul3A_15 : i32
    %add3A_17 = arith.constant 256 : i32
    %add3A_18 = arith.addi %mul3A_16, %add3A_17 : i32
    "tpu.region"() ({
      %run_scoped3A = tpu.sem_alloc : memref<!tpu.dma_semaphore, #tpu.memory_space<semaphore_mem>>
      %dma_start3A = arith.constant 0 : i32
      %dma_start3A_39 = tpu.memref_slice %arg10[%add3A_18, %dma_start3A] : memref<10240x128xbf16, #tpu.memory_space<vmem_shared>> -> memref<128x128xbf16, #tpu.memory_space<vmem_shared>>
      %dma_start3A_40 = arith.constant 0 : i32
      %dma_start3A_41 = tpu.memref_slice %arg10[%add3A_18, %dma_start3A_40] : memref<10240x128xbf16, #tpu.memory_space<vmem_shared>> -> memref<128x128xbf16, #tpu.memory_space<vmem_shared>>
      tpu.enqueue_dma source(%arg8 : memref<128x128xbf16, #tpu.memory_space<vmem>>) target(%dma_start3A_41 : memref<128x128xbf16, #tpu.memory_space<vmem_shared>>) target_semaphore(%run_scoped3A : memref<!tpu.dma_semaphore, #tpu.memory_space<semaphore_mem>>)
      %dma_wait3A = arith.constant 0 : i32
      %dma_wait3A_42 = tpu.memref_slice %arg10[%add3A_18, %dma_wait3A] : memref<10240x128xbf16, #tpu.memory_space<vmem_shared>> -> memref<128x128xbf16, #tpu.memory_space<vmem_shared>>
      %dma_wait3A_43 = arith.constant 0 : i32
      %dma_wait3A_44 = tpu.memref_slice %arg10[%add3A_18, %dma_wait3A_43] : memref<10240x128xbf16, #tpu.memory_space<vmem_shared>> -> memref<128x128xbf16, #tpu.memory_space<vmem_shared>>
      tpu.wait_dma2 semaphore(%run_scoped3A : memref<!tpu.dma_semaphore, #tpu.memory_space<semaphore_mem>>) src(%arg8 : memref<128x128xbf16, #tpu.memory_space<vmem>>) dst(%dma_wait3A_44 : memref<128x128xbf16, #tpu.memory_space<vmem_shared>>)
      tpu.yield
    }) : () -> ()
    %mul3A_19 = arith.constant 640 : i32
    %mul3A_20 = arith.muli %arg1, %mul3A_19 : i32
    %add3A_21 = arith.constant 384 : i32
    %add3A_22 = arith.addi %mul3A_20, %add3A_21 : i32
    "tpu.region"() ({
      %run_scoped3A = tpu.sem_alloc : memref<!tpu.dma_semaphore, #tpu.memory_space<semaphore_mem>>
      %dma_start3A = arith.constant 0 : i32
      %dma_start3A_39 = tpu.memref_slice %arg10[%add3A_22, %dma_start3A] : memref<10240x128xbf16, #tpu.memory_space<vmem_shared>> -> memref<128x128xbf16, #tpu.memory_space<vmem_shared>>
      %dma_start3A_40 = arith.constant 0 : i32
      %dma_start3A_41 = tpu.memref_slice %arg10[%add3A_22, %dma_start3A_40] : memref<10240x128xbf16, #tpu.memory_space<vmem_shared>> -> memref<128x128xbf16, #tpu.memory_space<vmem_shared>>
      tpu.enqueue_dma source(%arg8 : memref<128x128xbf16, #tpu.memory_space<vmem>>) target(%dma_start3A_41 : memref<128x128xbf16, #tpu.memory_space<vmem_shared>>) target_semaphore(%run_scoped3A : memref<!tpu.dma_semaphore, #tpu.memory_space<semaphore_mem>>)
      %dma_wait3A = arith.constant 0 : i32
      %dma_wait3A_42 = tpu.memref_slice %arg10[%add3A_22, %dma_wait3A] : memref<10240x128xbf16, #tpu.memory_space<vmem_shared>> -> memref<128x128xbf16, #tpu.memory_space<vmem_shared>>
      %dma_wait3A_43 = arith.constant 0 : i32
      %dma_wait3A_44 = tpu.memref_slice %arg10[%add3A_22, %dma_wait3A_43] : memref<10240x128xbf16, #tpu.memory_space<vmem_shared>> -> memref<128x128xbf16, #tpu.memory_space<vmem_shared>>
      tpu.wait_dma2 semaphore(%run_scoped3A : memref<!tpu.dma_semaphore, #tpu.memory_space<semaphore_mem>>) src(%arg8 : memref<128x128xbf16, #tpu.memory_space<vmem>>) dst(%dma_wait3A_44 : memref<128x128xbf16, #tpu.memory_space<vmem_shared>>)
      tpu.yield
    }) : () -> ()
    %mul3A_23 = arith.constant 640 : i32
    %mul3A_24 = arith.muli %arg1, %mul3A_23 : i32
    %add3A_25 = arith.constant 512 : i32
    %add3A_26 = arith.addi %mul3A_24, %add3A_25 : i32
    "tpu.region"() ({
      %run_scoped3A = tpu.sem_alloc : memref<!tpu.dma_semaphore, #tpu.memory_space<semaphore_mem>>
      %dma_start3A = arith.constant 0 : i32
      %dma_start3A_39 = tpu.memref_slice %arg10[%add3A_26, %dma_start3A] : memref<10240x128xbf16, #tpu.memory_space<vmem_shared>> -> memref<128x128xbf16, #tpu.memory_space<vmem_shared>>
      %dma_start3A_40 = arith.constant 0 : i32
      %dma_start3A_41 = tpu.memref_slice %arg10[%add3A_26, %dma_start3A_40] : memref<10240x128xbf16, #tpu.memory_space<vmem_shared>> -> memref<128x128xbf16, #tpu.memory_space<vmem_shared>>
      tpu.enqueue_dma source(%arg8 : memref<128x128xbf16, #tpu.memory_space<vmem>>) target(%dma_start3A_41 : memref<128x128xbf16, #tpu.memory_space<vmem_shared>>) target_semaphore(%run_scoped3A : memref<!tpu.dma_semaphore, #tpu.memory_space<semaphore_mem>>)
      %dma_wait3A = arith.constant 0 : i32
      %dma_wait3A_42 = tpu.memref_slice %arg10[%add3A_26, %dma_wait3A] : memref<10240x128xbf16, #tpu.memory_space<vmem_shared>> -> memref<128x128xbf16, #tpu.memory_space<vmem_shared>>
      %dma_wait3A_43 = arith.constant 0 : i32
      %dma_wait3A_44 = tpu.memref_slice %arg10[%add3A_26, %dma_wait3A_43] : memref<10240x128xbf16, #tpu.memory_space<vmem_shared>> -> memref<128x128xbf16, #tpu.memory_space<vmem_shared>>
      tpu.wait_dma2 semaphore(%run_scoped3A : memref<!tpu.dma_semaphore, #tpu.memory_space<semaphore_mem>>) src(%arg8 : memref<128x128xbf16, #tpu.memory_space<vmem>>) dst(%dma_wait3A_44 : memref<128x128xbf16, #tpu.memory_space<vmem_shared>>)
      tpu.yield
    }) : () -> ()
    %barrier3A = arith.constant 0 : index
    tpu.barrier barrier_id(%barrier3A)
    %scan3A_27 = arith.constant 0 : i32
    %scan3A_28 = arith.constant 0 : i32
    %scan3A_29 = arith.constant 8 : i32
    %scan3A_30 = arith.addi %scan3A_28, %scan3A_29 : i32
    %scan3A_31 = arith.constant 1 : i32
    %scan3A_32 = scf.for %scan3A_39 = %scan3A_28 to %scan3A_30 step %scan3A_31 iter_args(%scan3A_40 = %scan3A_27) -> (i32)  : i32 {
      "tpu.region"() ({
        %run_scoped3A = tpu.sem_alloc : memref<!tpu.dma_semaphore, #tpu.memory_space<semaphore_mem>>
        %dma_start3A_75 = arith.constant 0 : i32
        %dma_start3A_76 = arith.constant 0 : i32
        %dma_start3A_77 = tpu.memref_slice %arg3[%add3A, %scan3A_39, %dma_start3A_75, %dma_start3A_76] : memref<32x8x10x128xi32, #tpu.memory_space<hbm>> -> memref<1x1x10x128xi32, #tpu.memory_space<hbm>>
        %dma_start3A_78 = tpu.memref_squeeze %dma_start3A_77 : memref<1x1x10x128xi32, #tpu.memory_space<hbm>> -> memref<10x128xi32, #tpu.memory_space<hbm>>
        %dma_start3A_79 = arith.constant 0 : i32
        %dma_start3A_80 = arith.constant 0 : i32
        %dma_start3A_81 = tpu.memref_slice %arg3[%add3A, %scan3A_39, %dma_start3A_79, %dma_start3A_80] : memref<32x8x10x128xi32, #tpu.memory_space<hbm>> -> memref<1x1x10x128xi32, #tpu.memory_space<hbm>>
        %dma_start3A_82 = tpu.memref_squeeze %dma_start3A_81 : memref<1x1x10x128xi32, #tpu.memory_space<hbm>> -> memref<10x128xi32, #tpu.memory_space<hbm>>
        tpu.enqueue_dma source(%dma_start3A_82 : memref<10x128xi32, #tpu.memory_space<hbm>>) target(%arg6 : memref<10x128xi32, #tpu.memory_space<vmem>>) target_semaphore(%run_scoped3A : memref<!tpu.dma_semaphore, #tpu.memory_space<semaphore_mem>>)
        %dma_wait3A_83 = arith.constant 0 : i32
        %dma_wait3A_84 = arith.constant 0 : i32
        %dma_wait3A_85 = tpu.memref_slice %arg3[%add3A, %scan3A_39, %dma_wait3A_83, %dma_wait3A_84] : memref<32x8x10x128xi32, #tpu.memory_space<hbm>> -> memref<1x1x10x128xi32, #tpu.memory_space<hbm>>
        %dma_wait3A_86 = tpu.memref_squeeze %dma_wait3A_85 : memref<1x1x10x128xi32, #tpu.memory_space<hbm>> -> memref<10x128xi32, #tpu.memory_space<hbm>>
        %dma_wait3A_87 = arith.constant 0 : i32
        %dma_wait3A_88 = arith.constant 0 : i32
        %dma_wait3A_89 = tpu.memref_slice %arg3[%add3A, %scan3A_39, %dma_wait3A_87, %dma_wait3A_88] : memref<32x8x10x128xi32, #tpu.memory_space<hbm>> -> memref<1x1x10x128xi32, #tpu.memory_space<hbm>>
        %dma_wait3A_90 = tpu.memref_squeeze %dma_wait3A_89 : memref<1x1x10x128xi32, #tpu.memory_space<hbm>> -> memref<10x128xi32, #tpu.memory_space<hbm>>
        tpu.wait_dma2 semaphore(%run_scoped3A : memref<!tpu.dma_semaphore, #tpu.memory_space<semaphore_mem>>) src(%dma_wait3A_90 : memref<10x128xi32, #tpu.memory_space<hbm>>) dst(%arg6 : memref<10x128xi32, #tpu.memory_space<vmem>>)
        tpu.yield
      }) : () -> ()
      "tpu.region"() ({
        %run_scoped3A = tpu.sem_alloc : memref<!tpu.dma_semaphore, #tpu.memory_space<semaphore_mem>>
        %dma_start3A_75 = arith.constant 0 : i32
        %dma_start3A_76 = arith.constant 0 : i32
        %dma_start3A_77 = tpu.memref_slice %arg4[%add3A, %scan3A_39, %dma_start3A_75, %dma_start3A_76] : memref<32x8x10x128xi32, #tpu.memory_space<hbm>> -> memref<1x1x10x128xi32, #tpu.memory_space<hbm>>
        %dma_start3A_78 = tpu.memref_squeeze %dma_start3A_77 : memref<1x1x10x128xi32, #tpu.memory_space<hbm>> -> memref<10x128xi32, #tpu.memory_space<hbm>>
        %dma_start3A_79 = arith.constant 0 : i32
        %dma_start3A_80 = arith.constant 0 : i32
        %dma_start3A_81 = tpu.memref_slice %arg4[%add3A, %scan3A_39, %dma_start3A_79, %dma_start3A_80] : memref<32x8x10x128xi32, #tpu.memory_space<hbm>> -> memref<1x1x10x128xi32, #tpu.memory_space<hbm>>
        %dma_start3A_82 = tpu.memref_squeeze %dma_start3A_81 : memref<1x1x10x128xi32, #tpu.memory_space<hbm>> -> memref<10x128xi32, #tpu.memory_space<hbm>>
        tpu.enqueue_dma source(%dma_start3A_82 : memref<10x128xi32, #tpu.memory_space<hbm>>) target(%arg7 : memref<10x128xi32, #tpu.memory_space<vmem>>) target_semaphore(%run_scoped3A : memref<!tpu.dma_semaphore, #tpu.memory_space<semaphore_mem>>)
        %dma_wait3A_83 = arith.constant 0 : i32
        %dma_wait3A_84 = arith.constant 0 : i32
        %dma_wait3A_85 = tpu.memref_slice %arg4[%add3A, %scan3A_39, %dma_wait3A_83, %dma_wait3A_84] : memref<32x8x10x128xi32, #tpu.memory_space<hbm>> -> memref<1x1x10x128xi32, #tpu.memory_space<hbm>>
        %dma_wait3A_86 = tpu.memref_squeeze %dma_wait3A_85 : memref<1x1x10x128xi32, #tpu.memory_space<hbm>> -> memref<10x128xi32, #tpu.memory_space<hbm>>
        %dma_wait3A_87 = arith.constant 0 : i32
        %dma_wait3A_88 = arith.constant 0 : i32
        %dma_wait3A_89 = tpu.memref_slice %arg4[%add3A, %scan3A_39, %dma_wait3A_87, %dma_wait3A_88] : memref<32x8x10x128xi32, #tpu.memory_space<hbm>> -> memref<1x1x10x128xi32, #tpu.memory_space<hbm>>
        %dma_wait3A_90 = tpu.memref_squeeze %dma_wait3A_89 : memref<1x1x10x128xi32, #tpu.memory_space<hbm>> -> memref<10x128xi32, #tpu.memory_space<hbm>>
        tpu.wait_dma2 semaphore(%run_scoped3A : memref<!tpu.dma_semaphore, #tpu.memory_space<semaphore_mem>>) src(%dma_wait3A_90 : memref<10x128xi32, #tpu.memory_space<hbm>>) dst(%arg7 : memref<10x128xi32, #tpu.memory_space<vmem>>)
        tpu.yield
      }) : () -> ()
      %dma_start3A = arith.constant 0 : i32
      %dma_start3A_41 = arith.constant 0 : i32
      %dma_start3A_42 = tpu.memref_slice %arg6[%dma_start3A, %dma_start3A_41] : memref<10x128xi32, #tpu.memory_space<vmem>> -> memref<1x128xi32, #tpu.memory_space<vmem>>
      %dma_start3A_43 = tpu.memref_squeeze %dma_start3A_42 : memref<1x128xi32, #tpu.memory_space<vmem>> -> memref<128xi32, #tpu.memory_space<vmem>>
      %dma_start3A_44 = arith.constant 0 : i32
      %dma_start3A_45 = arith.constant 0 : i32
      %dma_start3A_46 = tpu.memref_slice %arg2[%dma_start3A_44, %dma_start3A_45] : memref<10240x128xbf16, #tpu.memory_space<hbm>> -> memref<10240x128xbf16, #tpu.memory_space<hbm>>
      tpu.enqueue_indirect_dma source(%dma_start3A_46 : memref<10240x128xbf16, #tpu.memory_space<hbm>>) target(%arg8 : memref<128x128xbf16, #tpu.memory_space<vmem>>) offsets(%dma_start3A_43 : memref<128xi32, #tpu.memory_space<vmem>>) semaphore(%arg11 : memref<!tpu.dma_semaphore, #tpu.memory_space<semaphore_mem>>)
      %dma_start3A_47 = arith.constant 1 : i32
      %dma_start3A_48 = arith.constant 0 : i32
      %dma_start3A_49 = tpu.memref_slice %arg6[%dma_start3A_47, %dma_start3A_48] : memref<10x128xi32, #tpu.memory_space<vmem>> -> memref<1x128xi32, #tpu.memory_space<vmem>>
      %dma_start3A_50 = tpu.memref_squeeze %dma_start3A_49 : memref<1x128xi32, #tpu.memory_space<vmem>> -> memref<128xi32, #tpu.memory_space<vmem>>
      %dma_start3A_51 = arith.constant 0 : i32
      %dma_start3A_52 = arith.constant 0 : i32
      %dma_start3A_53 = tpu.memref_slice %arg2[%dma_start3A_51, %dma_start3A_52] : memref<10240x128xbf16, #tpu.memory_space<hbm>> -> memref<10240x128xbf16, #tpu.memory_space<hbm>>
      tpu.enqueue_indirect_dma source(%dma_start3A_53 : memref<10240x128xbf16, #tpu.memory_space<hbm>>) target(%arg9 : memref<128x128xbf16, #tpu.memory_space<vmem>>) offsets(%dma_start3A_50 : memref<128xi32, #tpu.memory_space<vmem>>) semaphore(%arg12 : memref<!tpu.dma_semaphore, #tpu.memory_space<semaphore_mem>>)
      %scan3A_54 = arith.constant 0 : i32
      %scan3A_55 = arith.constant 0 : i32
      %scan3A_56 = arith.constant 5 : i32
      %scan3A_57 = arith.addi %scan3A_55, %scan3A_56 : i32
      %scan3A_58 = arith.constant 1 : i32
      %scan3A_59 = scf.for %scan3A_75 = %scan3A_55 to %scan3A_57 step %scan3A_58 iter_args(%scan3A_76 = %scan3A_54) -> (i32)  : i32 {
        %mul3A_77 = arith.constant 2 : i32
        %mul3A_78 = arith.muli %mul3A_77, %scan3A_75 : i32
        %add3A_79 = arith.constant 1 : i32
        %add3A_80 = arith.addi %mul3A_78, %add3A_79 : i32
        %dma_wait3A_81 = arith.constant 0 : i32
        %dma_wait3A_82 = tpu.memref_slice %arg6[%mul3A_78, %dma_wait3A_81] : memref<10x128xi32, #tpu.memory_space<vmem>> -> memref<1x128xi32, #tpu.memory_space<vmem>>
        %dma_wait3A_83 = tpu.memref_squeeze %dma_wait3A_82 : memref<1x128xi32, #tpu.memory_space<vmem>> -> memref<128xi32, #tpu.memory_space<vmem>>
        %dma_wait3A_84 = arith.constant 0 : i32
        %dma_wait3A_85 = arith.constant 0 : i32
        %dma_wait3A_86 = tpu.memref_slice %arg2[%dma_wait3A_84, %dma_wait3A_85] : memref<10240x128xbf16, #tpu.memory_space<hbm>> -> memref<10240x128xbf16, #tpu.memory_space<hbm>>
        tpu.wait_indirect_dma semaphore(%arg11 : memref<!tpu.dma_semaphore, #tpu.memory_space<semaphore_mem>>) src(%dma_wait3A_86 : memref<10240x128xbf16, #tpu.memory_space<hbm>>) dst(%arg8 : memref<128x128xbf16, #tpu.memory_space<vmem>>)
        %dma_start3A_87 = arith.constant 0 : i32
        %dma_start3A_88 = tpu.memref_slice %arg7[%mul3A_78, %dma_start3A_87] : memref<10x128xi32, #tpu.memory_space<vmem>> -> memref<1x128xi32, #tpu.memory_space<vmem>>
        %dma_start3A_89 = tpu.memref_squeeze %dma_start3A_88 : memref<1x128xi32, #tpu.memory_space<vmem>> -> memref<128xi32, #tpu.memory_space<vmem>>
        %dma_start3A_90 = arith.constant 0 : i32
        %dma_start3A_91 = arith.constant 0 : i32
        %dma_start3A_92 = tpu.memref_slice %arg10[%dma_start3A_90, %dma_start3A_91] : memref<10240x128xbf16, #tpu.memory_space<vmem_shared>> -> memref<10240x128xbf16, #tpu.memory_space<vmem_shared>>
        tpu.enqueue_indirect_dma source(%arg8 : memref<128x128xbf16, #tpu.memory_space<vmem>>) target(%dma_start3A_92 : memref<10240x128xbf16, #tpu.memory_space<vmem_shared>>) offsets(%dma_start3A_89 : memref<128xi32, #tpu.memory_space<vmem>>) semaphore(%arg13 : memref<!tpu.dma_semaphore, #tpu.memory_space<semaphore_mem>>) {add = true}
        %dma_wait3A_93 = arith.constant 0 : i32
        %dma_wait3A_94 = tpu.memref_slice %arg6[%add3A_80, %dma_wait3A_93] : memref<10x128xi32, #tpu.memory_space<vmem>> -> memref<1x128xi32, #tpu.memory_space<vmem>>
        %dma_wait3A_95 = tpu.memref_squeeze %dma_wait3A_94 : memref<1x128xi32, #tpu.memory_space<vmem>> -> memref<128xi32, #tpu.memory_space<vmem>>
        %dma_wait3A_96 = arith.constant 0 : i32
        %dma_wait3A_97 = arith.constant 0 : i32
        %dma_wait3A_98 = tpu.memref_slice %arg2[%dma_wait3A_96, %dma_wait3A_97] : memref<10240x128xbf16, #tpu.memory_space<hbm>> -> memref<10240x128xbf16, #tpu.memory_space<hbm>>
        tpu.wait_indirect_dma semaphore(%arg12 : memref<!tpu.dma_semaphore, #tpu.memory_space<semaphore_mem>>) src(%dma_wait3A_98 : memref<10240x128xbf16, #tpu.memory_space<hbm>>) dst(%arg9 : memref<128x128xbf16, #tpu.memory_space<vmem>>)
        %dma_start3A_99 = arith.constant 0 : i32
        %dma_start3A_100 = tpu.memref_slice %arg7[%add3A_80, %dma_start3A_99] : memref<10x128xi32, #tpu.memory_space<vmem>> -> memref<1x128xi32, #tpu.memory_space<vmem>>
        %dma_start3A_101 = tpu.memref_squeeze %dma_start3A_100 : memref<1x128xi32, #tpu.memory_space<vmem>> -> memref<128xi32, #tpu.memory_space<vmem>>
        %dma_start3A_102 = arith.constant 0 : i32
        %dma_start3A_103 = arith.constant 0 : i32
        %dma_start3A_104 = tpu.memref_slice %arg10[%dma_start3A_102, %dma_start3A_103] : memref<10240x128xbf16, #tpu.memory_space<vmem_shared>> -> memref<10240x128xbf16, #tpu.memory_space<vmem_shared>>
        tpu.enqueue_indirect_dma source(%arg9 : memref<128x128xbf16, #tpu.memory_space<vmem>>) target(%dma_start3A_104 : memref<10240x128xbf16, #tpu.memory_space<vmem_shared>>) offsets(%dma_start3A_101 : memref<128xi32, #tpu.memory_space<vmem>>) semaphore(%arg14 : memref<!tpu.dma_semaphore, #tpu.memory_space<semaphore_mem>>) {add = true}
        %lt3A = arith.constant 4 : i32
        %lt3A_105 = arith.cmpi slt, %scan3A_75, %lt3A : i32
        %convert_element_type3A = arith.extui %lt3A_105 : i1 to i32
        %cond3A = arith.constant 0 : i32
        %cond3A_106 = arith.cmpi ne, %convert_element_type3A, %cond3A : i32
        scf.if %cond3A_106 {
          %dma_wait3A_108 = arith.constant 0 : i32
          %dma_wait3A_109 = tpu.memref_slice %arg7[%mul3A_78, %dma_wait3A_108] : memref<10x128xi32, #tpu.memory_space<vmem>> -> memref<1x128xi32, #tpu.memory_space<vmem>>
          %dma_wait3A_110 = tpu.memref_squeeze %dma_wait3A_109 : memref<1x128xi32, #tpu.memory_space<vmem>> -> memref<128xi32, #tpu.memory_space<vmem>>
          %dma_wait3A_111 = arith.constant 0 : i32
          %dma_wait3A_112 = arith.constant 0 : i32
          %dma_wait3A_113 = tpu.memref_slice %arg10[%dma_wait3A_111, %dma_wait3A_112] : memref<10240x128xbf16, #tpu.memory_space<vmem_shared>> -> memref<10240x128xbf16, #tpu.memory_space<vmem_shared>>
          tpu.wait_indirect_dma semaphore(%arg13 : memref<!tpu.dma_semaphore, #tpu.memory_space<semaphore_mem>>) src(%arg8 : memref<128x128xbf16, #tpu.memory_space<vmem>>) dst(%dma_wait3A_113 : memref<10240x128xbf16, #tpu.memory_space<vmem_shared>>)
          %add3A_114 = arith.constant 2 : i32
          %add3A_115 = arith.addi %mul3A_78, %add3A_114 : i32
          %dma_start3A_116 = arith.constant 0 : i32
          %dma_start3A_117 = tpu.memref_slice %arg6[%add3A_115, %dma_start3A_116] : memref<10x128xi32, #tpu.memory_space<vmem>> -> memref<1x128xi32, #tpu.memory_space<vmem>>
          %dma_start3A_118 = tpu.memref_squeeze %dma_start3A_117 : memref<1x128xi32, #tpu.memory_space<vmem>> -> memref<128xi32, #tpu.memory_space<vmem>>
          %dma_start3A_119 = arith.constant 0 : i32
          %dma_start3A_120 = arith.constant 0 : i32
          %dma_start3A_121 = tpu.memref_slice %arg2[%dma_start3A_119, %dma_start3A_120] : memref<10240x128xbf16, #tpu.memory_space<hbm>> -> memref<10240x128xbf16, #tpu.memory_space<hbm>>
          tpu.enqueue_indirect_dma source(%dma_start3A_121 : memref<10240x128xbf16, #tpu.memory_space<hbm>>) target(%arg8 : memref<128x128xbf16, #tpu.memory_space<vmem>>) offsets(%dma_start3A_118 : memref<128xi32, #tpu.memory_space<vmem>>) semaphore(%arg11 : memref<!tpu.dma_semaphore, #tpu.memory_space<semaphore_mem>>)
          %dma_wait3A_122 = arith.constant 0 : i32
          %dma_wait3A_123 = tpu.memref_slice %arg7[%add3A_80, %dma_wait3A_122] : memref<10x128xi32, #tpu.memory_space<vmem>> -> memref<1x128xi32, #tpu.memory_space<vmem>>
          %dma_wait3A_124 = tpu.memref_squeeze %dma_wait3A_123 : memref<1x128xi32, #tpu.memory_space<vmem>> -> memref<128xi32, #tpu.memory_space<vmem>>
          %dma_wait3A_125 = arith.constant 0 : i32
          %dma_wait3A_126 = arith.constant 0 : i32
          %dma_wait3A_127 = tpu.memref_slice %arg10[%dma_wait3A_125, %dma_wait3A_126] : memref<10240x128xbf16, #tpu.memory_space<vmem_shared>> -> memref<10240x128xbf16, #tpu.memory_space<vmem_shared>>
          tpu.wait_indirect_dma semaphore(%arg14 : memref<!tpu.dma_semaphore, #tpu.memory_space<semaphore_mem>>) src(%arg9 : memref<128x128xbf16, #tpu.memory_space<vmem>>) dst(%dma_wait3A_127 : memref<10240x128xbf16, #tpu.memory_space<vmem_shared>>)
          %add3A_128 = arith.constant 2 : i32
          %add3A_129 = arith.addi %add3A_80, %add3A_128 : i32
          %dma_start3A_130 = arith.constant 0 : i32
          %dma_start3A_131 = tpu.memref_slice %arg6[%add3A_129, %dma_start3A_130] : memref<10x128xi32, #tpu.memory_space<vmem>> -> memref<1x128xi32, #tpu.memory_space<vmem>>
          %dma_start3A_132 = tpu.memref_squeeze %dma_start3A_131 : memref<1x128xi32, #tpu.memory_space<vmem>> -> memref<128xi32, #tpu.memory_space<vmem>>
          %dma_start3A_133 = arith.constant 0 : i32
          %dma_start3A_134 = arith.constant 0 : i32
          %dma_start3A_135 = tpu.memref_slice %arg2[%dma_start3A_133, %dma_start3A_134] : memref<10240x128xbf16, #tpu.memory_space<hbm>> -> memref<10240x128xbf16, #tpu.memory_space<hbm>>
          tpu.enqueue_indirect_dma source(%dma_start3A_135 : memref<10240x128xbf16, #tpu.memory_space<hbm>>) target(%arg9 : memref<128x128xbf16, #tpu.memory_space<vmem>>) offsets(%dma_start3A_132 : memref<128xi32, #tpu.memory_space<vmem>>) semaphore(%arg12 : memref<!tpu.dma_semaphore, #tpu.memory_space<semaphore_mem>>)
        } else {
        }
        %scan3A_107 = arith.constant 0 : i32
        scf.yield %scan3A_107 : i32
      }
      %scan3A_60 = arith.constant 5 : i32
      %dma_wait3A = arith.constant 8 : i32
      %dma_wait3A_61 = arith.constant 0 : i32
      %dma_wait3A_62 = tpu.memref_slice %arg7[%dma_wait3A, %dma_wait3A_61] : memref<10x128xi32, #tpu.memory_space<vmem>> -> memref<1x128xi32, #tpu.memory_space<vmem>>
      %dma_wait3A_63 = tpu.memref_squeeze %dma_wait3A_62 : memref<1x128xi32, #tpu.memory_space<vmem>> -> memref<128xi32, #tpu.memory_space<vmem>>
      %dma_wait3A_64 = arith.constant 0 : i32
      %dma_wait3A_65 = arith.constant 0 : i32
      %dma_wait3A_66 = tpu.memref_slice %arg10[%dma_wait3A_64, %dma_wait3A_65] : memref<10240x128xbf16, #tpu.memory_space<vmem_shared>> -> memref<10240x128xbf16, #tpu.memory_space<vmem_shared>>
      tpu.wait_indirect_dma semaphore(%arg13 : memref<!tpu.dma_semaphore, #tpu.memory_space<semaphore_mem>>) src(%arg8 : memref<128x128xbf16, #tpu.memory_space<vmem>>) dst(%dma_wait3A_66 : memref<10240x128xbf16, #tpu.memory_space<vmem_shared>>)
      %dma_wait3A_67 = arith.constant 9 : i32
      %dma_wait3A_68 = arith.constant 0 : i32
      %dma_wait3A_69 = tpu.memref_slice %arg7[%dma_wait3A_67, %dma_wait3A_68] : memref<10x128xi32, #tpu.memory_space<vmem>> -> memref<1x128xi32, #tpu.memory_space<vmem>>
      %dma_wait3A_70 = tpu.memref_squeeze %dma_wait3A_69 : memref<1x128xi32, #tpu.memory_space<vmem>> -> memref<128xi32, #tpu.memory_space<vmem>>
      %dma_wait3A_71 = arith.constant 0 : i32
      %dma_wait3A_72 = arith.constant 0 : i32
      %dma_wait3A_73 = tpu.memref_slice %arg10[%dma_wait3A_71, %dma_wait3A_72] : memref<10240x128xbf16, #tpu.memory_space<vmem_shared>> -> memref<10240x128xbf16, #tpu.memory_space<vmem_shared>>
      tpu.wait_indirect_dma semaphore(%arg14 : memref<!tpu.dma_semaphore, #tpu.memory_space<semaphore_mem>>) src(%arg9 : memref<128x128xbf16, #tpu.memory_space<vmem>>) dst(%dma_wait3A_73 : memref<10240x128xbf16, #tpu.memory_space<vmem_shared>>)
      %scan3A_74 = arith.constant 0 : i32
      scf.yield %scan3A_74 : i32
    }
    %scan3A_33 = arith.constant 8 : i32
    %barrier3A_34 = arith.constant 0 : index
    tpu.barrier barrier_id(%barrier3A_34)
    %mul3A_35 = arith.constant 640 : i32
    %mul3A_36 = arith.muli %arg1, %mul3A_35 : i32
    %mul3A_37 = arith.constant 640 : i32
    %mul3A_38 = arith.muli %arg1, %mul3A_37 : i32
    "tpu.region"() ({
      %run_scoped3A = tpu.sem_alloc : memref<!tpu.dma_semaphore, #tpu.memory_space<semaphore_mem>>
      %dma_start3A = arith.constant 0 : i32
      %dma_start3A_39 = tpu.memref_slice %arg5[%arg0, %mul3A_38, %dma_start3A] : memref<2x10240x128xbf16, #tpu.memory_space<hbm>> -> memref<1x640x128xbf16, #tpu.memory_space<hbm>>
      %dma_start3A_40 = tpu.memref_squeeze %dma_start3A_39 : memref<1x640x128xbf16, #tpu.memory_space<hbm>> -> memref<640x128xbf16, #tpu.memory_space<hbm>>
      %dma_start3A_41 = arith.constant 0 : i32
      %dma_start3A_42 = tpu.memref_slice %arg10[%mul3A_36, %dma_start3A_41] : memref<10240x128xbf16, #tpu.memory_space<vmem_shared>> -> memref<640x128xbf16, #tpu.memory_space<vmem_shared>>
      tpu.enqueue_dma source(%dma_start3A_42 : memref<640x128xbf16, #tpu.memory_space<vmem_shared>>) target(%dma_start3A_40 : memref<640x128xbf16, #tpu.memory_space<hbm>>) target_semaphore(%run_scoped3A : memref<!tpu.dma_semaphore, #tpu.memory_space<semaphore_mem>>)
      %dma_wait3A = arith.constant 0 : i32
      %dma_wait3A_43 = tpu.memref_slice %arg5[%arg0, %mul3A_38, %dma_wait3A] : memref<2x10240x128xbf16, #tpu.memory_space<hbm>> -> memref<1x640x128xbf16, #tpu.memory_space<hbm>>
      %dma_wait3A_44 = tpu.memref_squeeze %dma_wait3A_43 : memref<1x640x128xbf16, #tpu.memory_space<hbm>> -> memref<640x128xbf16, #tpu.memory_space<hbm>>
      %dma_wait3A_45 = arith.constant 0 : i32
      %dma_wait3A_46 = tpu.memref_slice %arg10[%mul3A_36, %dma_wait3A_45] : memref<10240x128xbf16, #tpu.memory_space<vmem_shared>> -> memref<640x128xbf16, #tpu.memory_space<vmem_shared>>
      tpu.wait_dma2 semaphore(%run_scoped3A : memref<!tpu.dma_semaphore, #tpu.memory_space<semaphore_mem>>) src(%dma_wait3A_46 : memref<640x128xbf16, #tpu.memory_space<vmem_shared>>) dst(%dma_wait3A_44 : memref<640x128xbf16, #tpu.memory_space<hbm>>)
      tpu.yield
    }) : () -> ()
    return
  }
}

module attributes {stable_mosaic.version = 14 : i64} {
  func.func @_tc_combine0_body(%arg0: i32, %arg1: memref<2x1024x160xbf16, #tpu.memory_space<vmem>>, %arg2: memref<1024x128xf32, #tpu.memory_space<vmem>>, %arg3: memref<128x128xf32, #tpu.memory_space<vmem>>, %arg4: memref<1x128xf32, #tpu.memory_space<vmem>>, %arg5: memref<128x128xf32, #tpu.memory_space<vmem>>, %arg6: memref<1024x128xf32, #tpu.memory_space<vmem>>, %arg7: memref<1024x128xbf16, #tpu.memory_space<vmem>>, %arg8: memref<1024x1xf32, #tpu.memory_space<vmem>>) attributes {dimension_semantics = [#tpu.dimension_semantics<arbitrary>], iteration_bounds = array<i64: 10>, scalar_prefetch = 0 : i64, scratch_operands = 0 : i64, tpu.core_type = #tpu.core_type<tc>, window_params = [{transform_indices = @transform_0, window_bounds = array<i64: 2, 1024, 160>}, {transform_indices = @transform_1, window_bounds = array<i64: 1024, 128>}, {pipeline_mode = #tpu.pipeline_mode<synchronous>, transform_indices = @transform_2, window_bounds = array<i64: 128, 128>}, {pipeline_mode = #tpu.pipeline_mode<synchronous>, transform_indices = @transform_3, window_bounds = array<i64: 1, 128>}, {pipeline_mode = #tpu.pipeline_mode<synchronous>, transform_indices = @transform_4, window_bounds = array<i64: 128, 128>}, {transform_indices = @transform_5, window_bounds = array<i64: 1024, 128>}, {transform_indices = @transform_6, window_bounds = array<i64: 1024, 128>}, {transform_indices = @transform_7, window_bounds = array<i64: 1024, 1>}]} {
    %get3A = arith.constant 0 : index
    %get3A_0 = arith.constant 0 : index
    %get3A_1 = arith.constant 0 : index
    %get3A_2 = vector.load %arg1[%get3A, %get3A_0, %get3A_1] : memref<2x1024x160xbf16, #tpu.memory_space<vmem>>, vector<1x1024x160xbf16>
    %get3A_3 = vector.shape_cast %get3A_2 : vector<1x1024x160xbf16> to vector<1024x160xbf16>
    %convert_element_type3A = arith.extf %get3A_3 : vector<1024x160xbf16> to vector<1024x160xf32>
    %get3A_4 = arith.constant 1 : index
    %get3A_5 = arith.constant 0 : index
    %get3A_6 = arith.constant 0 : index
    %get3A_7 = vector.load %arg1[%get3A_4, %get3A_5, %get3A_6] : memref<2x1024x160xbf16, #tpu.memory_space<vmem>>, vector<1x1024x160xbf16>
    %get3A_8 = vector.shape_cast %get3A_7 : vector<1x1024x160xbf16> to vector<1024x160xbf16>
    %convert_element_type3A_9 = arith.extf %get3A_8 : vector<1024x160xbf16> to vector<1024x160xf32>
    %add3A = arith.addf %convert_element_type3A, %convert_element_type3A_9 : vector<1024x160xf32>
    %slice3A = vector.extract_strided_slice %add3A {offsets = [0, 128], sizes = [1024, 1], strides = [1, 1]} : vector<1024x160xf32> to vector<1024x1xf32>
    %swap3A = arith.constant 0 : index
    %swap3A_10 = arith.constant 0 : index
    %swap3A_11 = vector.load %arg8[%swap3A, %swap3A_10] : memref<1024x1xf32, #tpu.memory_space<vmem>>, vector<1024x1xf32>
    tpu.vector_store %arg8[%swap3A, %swap3A_10], %slice3A {strides = array<i32>} : memref<1024x1xf32, #tpu.memory_space<vmem>>, vector<1024x1xf32>,
    %slice3A_12 = vector.extract_strided_slice %add3A {offsets = [0, 0], sizes = [1024, 128], strides = [1, 1]} : vector<1024x160xf32> to vector<1024x128xf32>
    %max3A = arith.constant 1.000000e+00 : f32
    %max3A_13 = vector.broadcast %max3A : f32 to vector<1024x1xf32>
    %max3A_14 = arith.maximumf %slice3A, %max3A_13 : vector<1024x1xf32>
    %div3A = arith.constant 1.000000e+00 : f32
    %div3A_15 = vector.broadcast %div3A : f32 to vector<1024x1xf32>
    %div3A_16 = arith.divf %div3A_15, %max3A_14 : vector<1024x1xf32>
    %mul3A = vector.broadcast %div3A_16 : vector<1024x1xf32> to vector<1024x128xf32>
    %mul3A_17 = arith.mulf %slice3A_12, %mul3A : vector<1024x128xf32>
    %get3A_18 = arith.constant 0 : index
    %get3A_19 = arith.constant 0 : index
    %get3A_20 = vector.load %arg3[%get3A_18, %get3A_19] : memref<128x128xf32, #tpu.memory_space<vmem>>, vector<128x128xf32>
    %dot_general3A = arith.constant dense<0.000000e+00> : vector<1024x128xf32>
    %dot_general3A_21 = tpu.matmul %mul3A_17, %get3A_20, %dot_general3A {dimension_numbers = #tpu.dot_dimension_numbers<[1], [0], [0], [1], [0, 0, 1, 1], [], []>, transpose_lhs_hint = false} : vector<1024x128xf32>, vector<128x128xf32>, vector<1024x128xf32> -> vector<1024x128xf32>
    %get3A_22 = arith.constant 0 : index
    %get3A_23 = arith.constant 0 : index
    %get3A_24 = vector.load %arg4[%get3A_22, %get3A_23] : memref<1x128xf32, #tpu.memory_space<vmem>>, vector<1x128xf32>
    %add3A_25 = vector.broadcast %get3A_24 : vector<1x128xf32> to vector<1024x128xf32>
    %add3A_26 = arith.addf %dot_general3A_21, %add3A_25 : vector<1024x128xf32>
    %get3A_27 = arith.constant 0 : index
    %get3A_28 = arith.constant 0 : index
    %get3A_29 = vector.load %arg2[%get3A_27, %get3A_28] : memref<1024x128xf32, #tpu.memory_space<vmem>>, vector<1024x128xf32>
    %get3A_30 = arith.constant 0 : index
    %get3A_31 = arith.constant 0 : index
    %get3A_32 = vector.load %arg5[%get3A_30, %get3A_31] : memref<128x128xf32, #tpu.memory_space<vmem>>, vector<128x128xf32>
    %dot_general3A_33 = arith.constant dense<0.000000e+00> : vector<1024x128xf32>
    %dot_general3A_34 = tpu.matmul %get3A_29, %get3A_32, %dot_general3A_33 {dimension_numbers = #tpu.dot_dimension_numbers<[1], [0], [0], [1], [0, 0, 1, 1], [], []>, transpose_lhs_hint = false} : vector<1024x128xf32>, vector<128x128xf32>, vector<1024x128xf32> -> vector<1024x128xf32>
    %add3A_35 = arith.addf %add3A_26, %dot_general3A_34 : vector<1024x128xf32>
    %max3A_36 = arith.constant 0.000000e+00 : f32
    %max3A_37 = vector.broadcast %max3A_36 : f32 to vector<1024x128xf32>
    %max3A_38 = arith.maximumf %add3A_35, %max3A_37 : vector<1024x128xf32>
    %iota3A = tpu.iota {dimensions = array<i32: 0>} : vector<1024x1xi32>
    %mul3A_39 = arith.constant 1024 : i32
    %mul3A_40 = arith.muli %arg0, %mul3A_39 : i32
    %add3A_41 = vector.broadcast %mul3A_40 : i32 to vector<1024x1xi32>
    %add3A_42 = arith.addi %iota3A, %add3A_41 : vector<1024x1xi32>
    %lt3A = arith.constant 10000 : i32
    %lt3A_43 = vector.broadcast %lt3A : i32 to vector<1024x1xi32>
    %lt3A_44 = arith.cmpi slt, %add3A_42, %lt3A_43 : vector<1024x1xi32>
    %jit3A = arith.constant 0.000000e+00 : f32
    %broadcast_in_dim3A = vector.shape_cast %lt3A_44 : vector<1024x1xi1> to vector<1024x1xi1>
    %broadcast_in_dim3A_45 = vector.broadcast %broadcast_in_dim3A : vector<1024x1xi1> to vector<1024x128xi1>
    %broadcast_in_dim3A_46 = vector.broadcast %jit3A : f32 to vector<1024x128xf32>
    %select_n3A = arith.select %broadcast_in_dim3A_45, %max3A_38, %broadcast_in_dim3A_46 : vector<1024x128xi1>, vector<1024x128xf32>
    %swap3A_47 = arith.constant 0 : index
    %swap3A_48 = arith.constant 0 : index
    %swap3A_49 = vector.load %arg6[%swap3A_47, %swap3A_48] : memref<1024x128xf32, #tpu.memory_space<vmem>>, vector<1024x128xf32>
    tpu.vector_store %arg6[%swap3A_47, %swap3A_48], %select_n3A {strides = array<i32>} : memref<1024x128xf32, #tpu.memory_space<vmem>>, vector<1024x128xf32>,
    %convert_element_type3A_50 = arith.truncf %select_n3A : vector<1024x128xf32> to vector<1024x128xbf16>
    %swap3A_51 = arith.constant 0 : index
    %swap3A_52 = arith.constant 0 : index
    %swap3A_53 = vector.load %arg7[%swap3A_51, %swap3A_52] : memref<1024x128xbf16, #tpu.memory_space<vmem>>, vector<1024x128xbf16>
    tpu.vector_store %arg7[%swap3A_51, %swap3A_52], %convert_element_type3A_50 {strides = array<i32>} : memref<1024x128xbf16, #tpu.memory_space<vmem>>, vector<1024x128xbf16>,
    return
  }
  func.func @transform_0(%arg0: i32) -> (i32, i32, i32) {
    %c0_i32 = arith.constant 0 : i32
    %c0_i32_0 = arith.constant 0 : i32
    %c0_i32_1 = arith.constant 0 : i32
    return %c0_i32, %arg0, %c0_i32_0 : i32, i32, i32
  }
  func.func @transform_1(%arg0: i32) -> (i32, i32) {
    %c0_i32 = arith.constant 0 : i32
    %c0_i32_0 = arith.constant 0 : i32
    return %arg0, %c0_i32 : i32, i32
  }
  func.func @transform_2(%arg0: i32) -> (i32, i32) {
    %c0_i32 = arith.constant 0 : i32
    %c0_i32_0 = arith.constant 0 : i32
    %c0_i32_1 = arith.constant 0 : i32
    return %c0_i32, %c0_i32_0 : i32, i32
  }
  func.func @transform_3(%arg0: i32) -> (i32, i32) {
    %c0_i32 = arith.constant 0 : i32
    %c0_i32_0 = arith.constant 0 : i32
    %c0_i32_1 = arith.constant 0 : i32
    return %c0_i32, %c0_i32_0 : i32, i32
  }
  func.func @transform_4(%arg0: i32) -> (i32, i32) {
    %c0_i32 = arith.constant 0 : i32
    %c0_i32_0 = arith.constant 0 : i32
    %c0_i32_1 = arith.constant 0 : i32
    return %c0_i32, %c0_i32_0 : i32, i32
  }
  func.func @transform_5(%arg0: i32) -> (i32, i32) {
    %c0_i32 = arith.constant 0 : i32
    %c0_i32_0 = arith.constant 0 : i32
    return %arg0, %c0_i32 : i32, i32
  }
  func.func @transform_6(%arg0: i32) -> (i32, i32) {
    %c0_i32 = arith.constant 0 : i32
    %c0_i32_0 = arith.constant 0 : i32
    return %arg0, %c0_i32 : i32, i32
  }
  func.func @transform_7(%arg0: i32) -> (i32, i32) {
    %c0_i32 = arith.constant 0 : i32
    %c0_i32_0 = arith.constant 0 : i32
    return %arg0, %c0_i32 : i32, i32
  }
}

module attributes {stable_mosaic.version = 14 : i64} {
  func.func @_tc_combine_body(%arg0: i32, %arg1: memref<2x1024x128xbf16, #tpu.memory_space<vmem>>, %arg2: memref<1024x1xf32, #tpu.memory_space<vmem>>, %arg3: memref<1024x128xf32, #tpu.memory_space<vmem>>, %arg4: memref<128x128xf32, #tpu.memory_space<vmem>>, %arg5: memref<1x128xf32, #tpu.memory_space<vmem>>, %arg6: memref<128x128xf32, #tpu.memory_space<vmem>>, %arg7: memref<1024x128xf32, #tpu.memory_space<vmem>>, %arg8: memref<1024x128xbf16, #tpu.memory_space<vmem>>) attributes {dimension_semantics = [#tpu.dimension_semantics<arbitrary>], iteration_bounds = array<i64: 10>, scalar_prefetch = 0 : i64, scratch_operands = 0 : i64, tpu.core_type = #tpu.core_type<tc>, window_params = [{transform_indices = @transform_0, window_bounds = array<i64: 2, 1024, 128>}, {transform_indices = @transform_1, window_bounds = array<i64: 1024, 1>}, {transform_indices = @transform_2, window_bounds = array<i64: 1024, 128>}, {pipeline_mode = #tpu.pipeline_mode<synchronous>, transform_indices = @transform_3, window_bounds = array<i64: 128, 128>}, {pipeline_mode = #tpu.pipeline_mode<synchronous>, transform_indices = @transform_4, window_bounds = array<i64: 1, 128>}, {pipeline_mode = #tpu.pipeline_mode<synchronous>, transform_indices = @transform_5, window_bounds = array<i64: 128, 128>}, {transform_indices = @transform_6, window_bounds = array<i64: 1024, 128>}, {transform_indices = @transform_7, window_bounds = array<i64: 1024, 128>}]} {
    %get3A = arith.constant 0 : index
    %get3A_0 = arith.constant 0 : index
    %get3A_1 = arith.constant 0 : index
    %get3A_2 = vector.load %arg1[%get3A, %get3A_0, %get3A_1] : memref<2x1024x128xbf16, #tpu.memory_space<vmem>>, vector<1x1024x128xbf16>
    %get3A_3 = vector.shape_cast %get3A_2 : vector<1x1024x128xbf16> to vector<1024x128xbf16>
    %convert_element_type3A = arith.extf %get3A_3 : vector<1024x128xbf16> to vector<1024x128xf32>
    %get3A_4 = arith.constant 1 : index
    %get3A_5 = arith.constant 0 : index
    %get3A_6 = arith.constant 0 : index
    %get3A_7 = vector.load %arg1[%get3A_4, %get3A_5, %get3A_6] : memref<2x1024x128xbf16, #tpu.memory_space<vmem>>, vector<1x1024x128xbf16>
    %get3A_8 = vector.shape_cast %get3A_7 : vector<1x1024x128xbf16> to vector<1024x128xbf16>
    %convert_element_type3A_9 = arith.extf %get3A_8 : vector<1024x128xbf16> to vector<1024x128xf32>
    %add3A = arith.addf %convert_element_type3A, %convert_element_type3A_9 : vector<1024x128xf32>
    %get3A_10 = arith.constant 0 : index
    %get3A_11 = arith.constant 0 : index
    %get3A_12 = vector.load %arg2[%get3A_10, %get3A_11] : memref<1024x1xf32, #tpu.memory_space<vmem>>, vector<1024x1xf32>
    %max3A = arith.constant 1.000000e+00 : f32
    %max3A_13 = vector.broadcast %max3A : f32 to vector<1024x1xf32>
    %max3A_14 = arith.maximumf %get3A_12, %max3A_13 : vector<1024x1xf32>
    %div3A = arith.constant 1.000000e+00 : f32
    %div3A_15 = vector.broadcast %div3A : f32 to vector<1024x1xf32>
    %div3A_16 = arith.divf %div3A_15, %max3A_14 : vector<1024x1xf32>
    %mul3A = vector.broadcast %div3A_16 : vector<1024x1xf32> to vector<1024x128xf32>
    %mul3A_17 = arith.mulf %add3A, %mul3A : vector<1024x128xf32>
    %get3A_18 = arith.constant 0 : index
    %get3A_19 = arith.constant 0 : index
    %get3A_20 = vector.load %arg4[%get3A_18, %get3A_19] : memref<128x128xf32, #tpu.memory_space<vmem>>, vector<128x128xf32>
    %dot_general3A = arith.constant dense<0.000000e+00> : vector<1024x128xf32>
    %dot_general3A_21 = tpu.matmul %mul3A_17, %get3A_20, %dot_general3A {dimension_numbers = #tpu.dot_dimension_numbers<[1], [0], [0], [1], [0, 0, 1, 1], [], []>, transpose_lhs_hint = false} : vector<1024x128xf32>, vector<128x128xf32>, vector<1024x128xf32> -> vector<1024x128xf32>
    %get3A_22 = arith.constant 0 : index
    %get3A_23 = arith.constant 0 : index
    %get3A_24 = vector.load %arg5[%get3A_22, %get3A_23] : memref<1x128xf32, #tpu.memory_space<vmem>>, vector<1x128xf32>
    %add3A_25 = vector.broadcast %get3A_24 : vector<1x128xf32> to vector<1024x128xf32>
    %add3A_26 = arith.addf %dot_general3A_21, %add3A_25 : vector<1024x128xf32>
    %get3A_27 = arith.constant 0 : index
    %get3A_28 = arith.constant 0 : index
    %get3A_29 = vector.load %arg3[%get3A_27, %get3A_28] : memref<1024x128xf32, #tpu.memory_space<vmem>>, vector<1024x128xf32>
    %get3A_30 = arith.constant 0 : index
    %get3A_31 = arith.constant 0 : index
    %get3A_32 = vector.load %arg6[%get3A_30, %get3A_31] : memref<128x128xf32, #tpu.memory_space<vmem>>, vector<128x128xf32>
    %dot_general3A_33 = arith.constant dense<0.000000e+00> : vector<1024x128xf32>
    %dot_general3A_34 = tpu.matmul %get3A_29, %get3A_32, %dot_general3A_33 {dimension_numbers = #tpu.dot_dimension_numbers<[1], [0], [0], [1], [0, 0, 1, 1], [], []>, transpose_lhs_hint = false} : vector<1024x128xf32>, vector<128x128xf32>, vector<1024x128xf32> -> vector<1024x128xf32>
    %add3A_35 = arith.addf %add3A_26, %dot_general3A_34 : vector<1024x128xf32>
    %max3A_36 = arith.constant 0.000000e+00 : f32
    %max3A_37 = vector.broadcast %max3A_36 : f32 to vector<1024x128xf32>
    %max3A_38 = arith.maximumf %add3A_35, %max3A_37 : vector<1024x128xf32>
    %iota3A = tpu.iota {dimensions = array<i32: 0>} : vector<1024x1xi32>
    %mul3A_39 = arith.constant 1024 : i32
    %mul3A_40 = arith.muli %arg0, %mul3A_39 : i32
    %add3A_41 = vector.broadcast %mul3A_40 : i32 to vector<1024x1xi32>
    %add3A_42 = arith.addi %iota3A, %add3A_41 : vector<1024x1xi32>
    %lt3A = arith.constant 10000 : i32
    %lt3A_43 = vector.broadcast %lt3A : i32 to vector<1024x1xi32>
    %lt3A_44 = arith.cmpi slt, %add3A_42, %lt3A_43 : vector<1024x1xi32>
    %jit3A = arith.constant 0.000000e+00 : f32
    %broadcast_in_dim3A = vector.shape_cast %lt3A_44 : vector<1024x1xi1> to vector<1024x1xi1>
    %broadcast_in_dim3A_45 = vector.broadcast %broadcast_in_dim3A : vector<1024x1xi1> to vector<1024x128xi1>
    %broadcast_in_dim3A_46 = vector.broadcast %jit3A : f32 to vector<1024x128xf32>
    %select_n3A = arith.select %broadcast_in_dim3A_45, %max3A_38, %broadcast_in_dim3A_46 : vector<1024x128xi1>, vector<1024x128xf32>
    %swap3A = arith.constant 0 : index
    %swap3A_47 = arith.constant 0 : index
    %swap3A_48 = vector.load %arg7[%swap3A, %swap3A_47] : memref<1024x128xf32, #tpu.memory_space<vmem>>, vector<1024x128xf32>
    tpu.vector_store %arg7[%swap3A, %swap3A_47], %select_n3A {strides = array<i32>} : memref<1024x128xf32, #tpu.memory_space<vmem>>, vector<1024x128xf32>,
    %convert_element_type3A_49 = arith.truncf %select_n3A : vector<1024x128xf32> to vector<1024x128xbf16>
    %swap3A_50 = arith.constant 0 : index
    %swap3A_51 = arith.constant 0 : index
    %swap3A_52 = vector.load %arg8[%swap3A_50, %swap3A_51] : memref<1024x128xbf16, #tpu.memory_space<vmem>>, vector<1024x128xbf16>
    tpu.vector_store %arg8[%swap3A_50, %swap3A_51], %convert_element_type3A_49 {strides = array<i32>} : memref<1024x128xbf16, #tpu.memory_space<vmem>>, vector<1024x128xbf16>,
    return
  }
  func.func @transform_0(%arg0: i32) -> (i32, i32, i32) {
    %c0_i32 = arith.constant 0 : i32
    %c0_i32_0 = arith.constant 0 : i32
    %c0_i32_1 = arith.constant 0 : i32
    return %c0_i32, %arg0, %c0_i32_0 : i32, i32, i32
  }
  func.func @transform_1(%arg0: i32) -> (i32, i32) {
    %c0_i32 = arith.constant 0 : i32
    %c0_i32_0 = arith.constant 0 : i32
    return %arg0, %c0_i32 : i32, i32
  }
  func.func @transform_2(%arg0: i32) -> (i32, i32) {
    %c0_i32 = arith.constant 0 : i32
    %c0_i32_0 = arith.constant 0 : i32
    return %arg0, %c0_i32 : i32, i32
  }
  func.func @transform_3(%arg0: i32) -> (i32, i32) {
    %c0_i32 = arith.constant 0 : i32
    %c0_i32_0 = arith.constant 0 : i32
    %c0_i32_1 = arith.constant 0 : i32
    return %c0_i32, %c0_i32_0 : i32, i32
  }
  func.func @transform_4(%arg0: i32) -> (i32, i32) {
    %c0_i32 = arith.constant 0 : i32
    %c0_i32_0 = arith.constant 0 : i32
    %c0_i32_1 = arith.constant 0 : i32
    return %c0_i32, %c0_i32_0 : i32, i32
  }
  func.func @transform_5(%arg0: i32) -> (i32, i32) {
    %c0_i32 = arith.constant 0 : i32
    %c0_i32_0 = arith.constant 0 : i32
    %c0_i32_1 = arith.constant 0 : i32
    return %c0_i32, %c0_i32_0 : i32, i32
  }
  func.func @transform_6(%arg0: i32) -> (i32, i32) {
    %c0_i32 = arith.constant 0 : i32
    %c0_i32_0 = arith.constant 0 : i32
    return %arg0, %c0_i32 : i32, i32
  }
  func.func @transform_7(%arg0: i32) -> (i32, i32) {
    %c0_i32 = arith.constant 0 : i32
    %c0_i32_0 = arith.constant 0 : i32
    return %arg0, %c0_i32 : i32, i32
  }
}

module attributes {stable_mosaic.version = 14 : i64} {
  func.func @body(%arg0: i32, %arg1: memref<2x1000x128xbf16, #tpu.memory_space<vmem>>, %arg2: memref<1000x1xf32, #tpu.memory_space<vmem>>, %arg3: memref<1000x128xf32, #tpu.memory_space<vmem>>, %arg4: memref<128x128xf32, #tpu.memory_space<vmem>>, %arg5: memref<1x128xf32, #tpu.memory_space<vmem>>, %arg6: memref<128x128xf32, #tpu.memory_space<vmem>>, %arg7: memref<1000x128xf32, #tpu.memory_space<vmem>>) attributes {dimension_semantics = [#tpu.dimension_semantics<arbitrary>], iteration_bounds = array<i64: 10>, scalar_prefetch = 0 : i64, scratch_operands = 0 : i64, tpu.core_type = #tpu.core_type<tc>, window_params = [{transform_indices = @transform_0, window_bounds = array<i64: 2, 1000, 128>}, {transform_indices = @transform_1, window_bounds = array<i64: 1000, 1>}, {transform_indices = @transform_2, window_bounds = array<i64: 1000, 128>}, {pipeline_mode = #tpu.pipeline_mode<synchronous>, transform_indices = @transform_3, window_bounds = array<i64: 128, 128>}, {pipeline_mode = #tpu.pipeline_mode<synchronous>, transform_indices = @transform_4, window_bounds = array<i64: 1, 128>}, {pipeline_mode = #tpu.pipeline_mode<synchronous>, transform_indices = @transform_5, window_bounds = array<i64: 128, 128>}, {transform_indices = @transform_6, window_bounds = array<i64: 1000, 128>}]} {
    %get3A = arith.constant 0 : index
    %get3A_0 = arith.constant 0 : index
    %get3A_1 = arith.constant 0 : index
    %get3A_2 = vector.load %arg1[%get3A, %get3A_0, %get3A_1] : memref<2x1000x128xbf16, #tpu.memory_space<vmem>>, vector<1x1000x128xbf16>
    %get3A_3 = vector.shape_cast %get3A_2 : vector<1x1000x128xbf16> to vector<1000x128xbf16>
    %convert_element_type3A = arith.extf %get3A_3 : vector<1000x128xbf16> to vector<1000x128xf32>
    %get3A_4 = arith.constant 1 : index
    %get3A_5 = arith.constant 0 : index
    %get3A_6 = arith.constant 0 : index
    %get3A_7 = vector.load %arg1[%get3A_4, %get3A_5, %get3A_6] : memref<2x1000x128xbf16, #tpu.memory_space<vmem>>, vector<1x1000x128xbf16>
    %get3A_8 = vector.shape_cast %get3A_7 : vector<1x1000x128xbf16> to vector<1000x128xbf16>
    %convert_element_type3A_9 = arith.extf %get3A_8 : vector<1000x128xbf16> to vector<1000x128xf32>
    %add3A = arith.addf %convert_element_type3A, %convert_element_type3A_9 : vector<1000x128xf32>
    %get3A_10 = arith.constant 0 : index
    %get3A_11 = arith.constant 0 : index
    %get3A_12 = vector.load %arg2[%get3A_10, %get3A_11] : memref<1000x1xf32, #tpu.memory_space<vmem>>, vector<1000x1xf32>
    %max3A = arith.constant 1.000000e+00 : f32
    %max3A_13 = vector.broadcast %max3A : f32 to vector<1000x1xf32>
    %max3A_14 = arith.maximumf %get3A_12, %max3A_13 : vector<1000x1xf32>
    %div3A = arith.constant 1.000000e+00 : f32
    %div3A_15 = vector.broadcast %div3A : f32 to vector<1000x1xf32>
    %div3A_16 = arith.divf %div3A_15, %max3A_14 : vector<1000x1xf32>
    %mul3A = vector.broadcast %div3A_16 : vector<1000x1xf32> to vector<1000x128xf32>
    %mul3A_17 = arith.mulf %add3A, %mul3A : vector<1000x128xf32>
    %get3A_18 = arith.constant 0 : index
    %get3A_19 = arith.constant 0 : index
    %get3A_20 = vector.load %arg4[%get3A_18, %get3A_19] : memref<128x128xf32, #tpu.memory_space<vmem>>, vector<128x128xf32>
    %dot_general3A = arith.constant dense<0.000000e+00> : vector<1000x128xf32>
    %dot_general3A_21 = tpu.matmul %mul3A_17, %get3A_20, %dot_general3A {dimension_numbers = #tpu.dot_dimension_numbers<[1], [0], [0], [1], [0, 0, 1, 1], [], []>, transpose_lhs_hint = false} : vector<1000x128xf32>, vector<128x128xf32>, vector<1000x128xf32> -> vector<1000x128xf32>
    %get3A_22 = arith.constant 0 : index
    %get3A_23 = arith.constant 0 : index
    %get3A_24 = vector.load %arg5[%get3A_22, %get3A_23] : memref<1x128xf32, #tpu.memory_space<vmem>>, vector<1x128xf32>
    %add3A_25 = vector.broadcast %get3A_24 : vector<1x128xf32> to vector<1000x128xf32>
    %add3A_26 = arith.addf %dot_general3A_21, %add3A_25 : vector<1000x128xf32>
    %get3A_27 = arith.constant 0 : index
    %get3A_28 = arith.constant 0 : index
    %get3A_29 = vector.load %arg3[%get3A_27, %get3A_28] : memref<1000x128xf32, #tpu.memory_space<vmem>>, vector<1000x128xf32>
    %get3A_30 = arith.constant 0 : index
    %get3A_31 = arith.constant 0 : index
    %get3A_32 = vector.load %arg6[%get3A_30, %get3A_31] : memref<128x128xf32, #tpu.memory_space<vmem>>, vector<128x128xf32>
    %dot_general3A_33 = arith.constant dense<0.000000e+00> : vector<1000x128xf32>
    %dot_general3A_34 = tpu.matmul %get3A_29, %get3A_32, %dot_general3A_33 {dimension_numbers = #tpu.dot_dimension_numbers<[1], [0], [0], [1], [0, 0, 1, 1], [], []>, transpose_lhs_hint = false} : vector<1000x128xf32>, vector<128x128xf32>, vector<1000x128xf32> -> vector<1000x128xf32>
    %add3A_35 = arith.addf %add3A_26, %dot_general3A_34 : vector<1000x128xf32>
    %swap3A = arith.constant 0 : index
    %swap3A_36 = arith.constant 0 : index
    %swap3A_37 = vector.load %arg7[%swap3A, %swap3A_36] : memref<1000x128xf32, #tpu.memory_space<vmem>>, vector<1000x128xf32>
    tpu.vector_store %arg7[%swap3A, %swap3A_36], %add3A_35 {strides = array<i32>} : memref<1000x128xf32, #tpu.memory_space<vmem>>, vector<1000x128xf32>,
    return
  }
  func.func @transform_0(%arg0: i32) -> (i32, i32, i32) {
    %c0_i32 = arith.constant 0 : i32
    %c0_i32_0 = arith.constant 0 : i32
    %c0_i32_1 = arith.constant 0 : i32
    return %c0_i32, %arg0, %c0_i32_0 : i32, i32, i32
  }
  func.func @transform_1(%arg0: i32) -> (i32, i32) {
    %c0_i32 = arith.constant 0 : i32
    %c0_i32_0 = arith.constant 0 : i32
    return %arg0, %c0_i32 : i32, i32
  }
  func.func @transform_2(%arg0: i32) -> (i32, i32) {
    %c0_i32 = arith.constant 0 : i32
    %c0_i32_0 = arith.constant 0 : i32
    return %arg0, %c0_i32 : i32, i32
  }
  func.func @transform_3(%arg0: i32) -> (i32, i32) {
    %c0_i32 = arith.constant 0 : i32
    %c0_i32_0 = arith.constant 0 : i32
    %c0_i32_1 = arith.constant 0 : i32
    return %c0_i32, %c0_i32_0 : i32, i32
  }
  func.func @transform_4(%arg0: i32) -> (i32, i32) {
    %c0_i32 = arith.constant 0 : i32
    %c0_i32_0 = arith.constant 0 : i32
    %c0_i32_1 = arith.constant 0 : i32
    return %c0_i32, %c0_i32_0 : i32, i32
  }
  func.func @transform_5(%arg0: i32) -> (i32, i32) {
    %c0_i32 = arith.constant 0 : i32
    %c0_i32_0 = arith.constant 0 : i32
    %c0_i32_1 = arith.constant 0 : i32
    return %c0_i32, %c0_i32_0 : i32, i32
  }
  func.func @transform_6(%arg0: i32) -> (i32, i32) {
    %c0_i32 = arith.constant 0 : i32
    %c0_i32_0 = arith.constant 0 : i32
    return %arg0, %c0_i32 : i32, i32
  }
}

</mosaic_0001>

<sc_bundles>
// kernel: kernel.11.cloned.1.call-start
scs
__scs_entry_jumppad:
0x0: {  	(pc) =	sbr.rel $0x88, $3  }
0x1: {  	(tag) =	ssettag $0x0;
	lr =	simm.s32 $0x1  }
0x2: {  	[smem:$0x3F96] =	sst lr;
	_ =	strace $0xD0000000  }
0x3: {  	_ = 	snop  }
0x4: {  	_ = 	snop  }
0x5: {  	_ = 	snop  }
0x6: {  	_ = 	snop  }
0x7: {  	_ = 	snop  }
__scs_overlays_trampoline_lowered:
0x8: {  	[smem:$0x3FA5] =	sst s0  }
0x9: {  	[smem:$0x3FA6] =	sst s1  }
0xa: {  	[smem:$0x3FA7] =	sst s2  }
0xb: {  	[smem:$0x3FA8] =	sst s3  }
0xc: {  	[smem:$0x3FA9] =	sst s4  }
0xd: {  	[smem:$0x3FAA] =	sst s5  }
0xe: {  	[smem:$0x3FAB] =	sst s6  }
0xf: {  	[smem:$0x3FAC] =	sst s7  }
0x10: {  	[smem:$0x3FAD] =	sst s8  }
0x11: {  	[smem:$0x3FAE] =	sst s9;
	s0 =	simm.s32 @!p0 $0x0  }
0x12: {  	s1 =	sld [smem:$0x3F94];
	s0 =	simm.s32 @p0 $0x1  }
0x13: {  	[smem:$0x3FAF] =	sst s0;
	s0 =	simm.s32 @!p1 $0x0  }
0x14: {  	s2 =	sld [smem:$0x3F93];
	s0 =	simm.s32 @p1 $0x1  }
0x15: {  	[smem:$0x3FB0] =	sst s0;
	s0 =	simm.s32 @!p2 $0x0  }
0x16: {  	s3 =	sld [smem:$0x3FDB];
	s0 =	simm.s32 @p2 $0x1  }
0x17: {  	s4 =	simm.s32 $0x1BF5;
	[smem:$0x3FB2] =	sst s0  }
0x18: {  	s0 =	sld [smem:$0x3F95];
	_ =	swait.ge [sflag:s4], $0x0  }
0x19: {  	s7 =	sld [smem:$0x3F96]  }
0x1a: {  	s8 =	sadd.s32 $0xFFFFE003, lr  }
0x1b: {  	s9 =	sadd.s32 $0xFFFFFEF7, lr;
	s5 =	simm.s32 $0xFFFFFFFF;
	p2 =	slt.u32 s8, $0xFFFFF086  }
0x1c: {  	p1 =	slt.u32 s9, $0xF7A;
	s5 =	simm.s32 @!p2 $0x0  }
0x1d: {  	s5 =	simm.s32 @p1 $0x1;
	p0 =	seq.s32 s7, s2  }
0x1e: {  	s7 =	smul.u32 @!p0 $0xF7A, s2;
	p2 =	seq.s32 @!p0 s5, $0x0  }
0x1f: {  	s9 =	smul.u32 $0xF7A, s1;
	s8 =	simm.s32 @!p0 $0x1BF5;
	p2 =	por !p2, p0  }
0x20: {  	[sflag:s8] =	ssyncset.s32 @!p0 $0xFFFFF086;
	s6 =	sadd.s32 @!p0 s3, s7;
	s7 =	simm.s32 @!p0 $0x108  }
0x21: {  	s3 =	sadd.s32 s3, s9;
	s6 =	sadd.s32 @!p0 $0x88, s6;
	s7 =	simm.s32 @p2 $0x1082  }
0x22: {  	[simem:s7], [sflag:s8] =	dma.local @!p0 [hbm:s6], $0xF7A  }
0x23: {  	s9 =	sor.u32 $0xD0000000, s2;
	s6 =	simm.s32 $0x108;
	_ =	swait.ge @!p0 [sflag:s8], $0x0  }
0x24: {  	s3 =	sadd.s32 $0x88, s3;
	s6 =	simm.s32 @!p1 $0x1082;
	[sflag:s4] =	ssyncset.s32 $0xFFFFF086  }
0x25: {  	[simem:s6], [sflag:s4] =	dma.local [hbm:s3], $0xF7A  }
0x26: {  	[smem:$0x3F96] =	sst s1;
	(tag) =	ssettag s2;
	_ =	strace s9  }
0x27: {  	s1 =	sld [smem:$0x3FA6]  }
0x28: {  	s2 =	sld [smem:$0x3FA7]  }
0x29: {  	s4 =	sld [smem:$0x3FA9]  }
0x2a: {  	p0 =	seq.s32 s5, $0x0;
	s5 =	sld [smem:$0x3FAA]  }
0x2b: {  	s6 =	sld [smem:$0x3FAB]  }
0x2c: {  	s7 =	sld [smem:$0x3FAC]  }
0x2d: {  	s3 =	simm.s32 $0x108;
	s8 =	sld [smem:$0x3FAD]  }
0x2e: {  	s3 =	simm.s32 @!p0 $0x1082;
	s9 =	sld [smem:$0x3FAE]  }
0x2f: {  	lr =	sadd.s32 s0, s3;
	s0 =	sld [smem:$0x3FA5]  }
0x30: {  	s3 =	sld [smem:$0x3FA8]  }
0x31: {  	[smem:$0x3FB1] =	sst s10  }
0x32: {  	s10 =	sld [smem:$0x3FAF];
	_ =	sdelay $0x3  }
0x33: {  	p0 =	seq.s32 s10, $0x1;
	s10 =	sld [smem:$0x3FB1];
	_ =	sdelay $0x3  }
0x34: {  	[smem:$0x3FB1] =	sst s10  }
0x35: {  	s10 =	sld [smem:$0x3FB0];
	_ =	sdelay $0x3  }
0x36: {  	p1 =	seq.s32 s10, $0x1;
	s10 =	sld [smem:$0x3FB1];
	_ =	sdelay $0x3  }
0x37: {  	[smem:$0x3FB1] =	sst s10  }
0x38: {  	s10 =	sld [smem:$0x3FB2]  }
0x39: {  	_ = 	snop;
	(pc) =	sbr.ind lr, $3  }
0x3a: {  	_ = 	snop  }
0x3b: {  	_ = 	snop  }
0x3c: {  	p2 =	seq.s32 s10, $0x1;
	s10 =	sld [smem:$0x3FB1]  }
0x3d: {  	_ =	shalt  }
0x3e: {  	_ =	shalt  }
0x3f: {  	_ =	shalt  }
0x40: {  	_ =	shalt  }
0x41: {  	_ =	shalt  }
0x42: {  	_ =	shalt  }
0x43: {  	_ =	shalt  }
0x44: {  	_ =	shalt  }
0x45: {  	_ =	shalt  }
0x46: {  	_ =	shalt  }
0x47: {  	_ =	shalt  }
0x48: {  	_ =	shalt  }
0x49: {  	_ =	shalt  }
0x4a: {  	_ =	shalt  }
0x4b: {  	_ =	shalt  }
0x4c: {  	_ =	shalt  }
0x4d: {  	_ =	shalt  }
0x4e: {  	_ =	shalt  }
0x4f: {  	_ =	shalt  }
0x50: {  	_ =	shalt  }
0x51: {  	_ =	shalt  }
0x52: {  	_ =	shalt  }
0x53: {  	_ =	shalt  }
0x54: {  	_ =	shalt  }
0x55: {  	_ =	shalt  }
0x56: {  	_ =	shalt  }
0x57: {  	_ =	shalt  }
0x58: {  	_ =	shalt  }
0x59: {  	_ =	shalt  }
0x5a: {  	_ =	shalt  }
0x5b: {  	_ =	shalt  }
0x5c: {  	_ =	shalt  }
0x5d: {  	_ =	shalt  }
0x5e: {  	_ =	shalt  }
0x5f: {  	_ =	shalt  }
0x60: {  	_ =	shalt  }
0x61: {  	_ =	shalt  }
0x62: {  	_ =	shalt  }
0x63: {  	_ =	shalt  }
0x64: {  	_ =	shalt  }
0x65: {  	_ =	shalt  }
0x66: {  	_ =	shalt  }
0x67: {  	_ =	shalt  }
0x68: {  	_ =	shalt  }
0x69: {  	_ =	shalt  }
0x6a: {  	_ =	shalt  }
0x6b: {  	_ =	shalt  }
0x6c: {  	_ =	shalt  }
0x6d: {  	_ =	shalt  }
0x6e: {  	_ =	shalt  }
0x6f: {  	_ =	shalt  }
0x70: {  	_ =	shalt  }
0x71: {  	_ =	shalt  }
0x72: {  	_ =	shalt  }
0x73: {  	_ =	shalt  }
0x74: {  	_ =	shalt  }
0x75: {  	_ =	shalt  }
0x76: {  	_ =	shalt  }
0x77: {  	_ =	shalt  }
0x78: {  	_ =	shalt  }
0x79: {  	_ =	shalt  }
0x7a: {  	_ =	shalt  }
0x7b: {  	_ =	shalt  }
0x7c: {  	_ =	shalt  }
0x7d: {  	_ =	shalt  }
0x7e: {  	_ =	shalt  }
0x7f: {  	_ =	shalt  }
0x80: {  	_ =	shalt  }
0x81: {  	_ =	shalt  }
0x82: {  	_ =	shalt  }
0x83: {  	_ =	shalt  }
0x84: {  	_ =	shalt  }
0x85: {  	_ =	shalt  }
0x86: {  	_ =	shalt  }
0x87: {  	_ =	shalt  }
.Lfunc_end0:
.L_simem_size_0:
called_computation.1_lowered:
.L_overlay_start_0:
0x88: {  	s2 =	sld [smem:$0x3FD9]  }
0x89: {  	s3 =	sld [smem:$0x3FFE];
	_ =	sdelay $0x1  }
0x8a: {  	s1 =	srdreg.scid  }
0x8b: {  	s0 =	sand.u32 $0x1, s1  }
0x8c: {  	s17 =	sshll.u32 s0, $0xA;
	s2 =	sadd.s32 s3, s2  }
0x8d: {  	s2 =	sadd.s32 s2, s17  }
0x8e: {  	[smem:$0x3FBD] =	sst s2  }
0x8f: {  	_ = 	snop  }
0x90: {  	s2 =	sld [smem:$0x3FD0];
	(tm) =	ssettm $0x1  }
0x91: {  	s18 =	sld [smem:$0x3FFB];
	_ =	sdelay $0x3  }
0x92: {  	_ =	strace s18  }
0x93: {  	s3 =	sld [smem:$0x3FFC];
	_ =	sdelay $0x3  }
0x94: {  	_ =	strace s3  }
0x95: {  	s3 =	sld [smem:$0x3FFD];
	_ =	sdelay $0x3  }
0x96: {  	_ =	strace s3  }
0x97: {  	_ =	strace $0x8FFFFFFF  }
0x98: {  	s19 =	sld [smem:$0x3FDB];
	_ =	sdelay $0x1  }
0x99: {  	s4 =	simm.s32 $_scs_section_size  }
0x9a: {  	s5 =	simm.s32 $_size__tile_overlayer_lowered;
	s6 =	simm.s32 $_tile_overlayer_lowered  }
0x9b: {  	s22 =	simm.s32 $0x1BFF;
	s21 =	sshll.u32 s6, $0x1;
	s3 =	sadd.s32 s4, s19  }
0x9c: {  	s7 =	simm.s32 $0x0;
	s20 =	sshll.u32 s5, $0x1;
	s5 =	sadd.s32 s21, s3  }
0x9d: {  	[timem:s7], [sflag:s22] =	dma.local [hbm:s5], s20  }
0x9e: {  	_ =	swait.ge [sflag:s22], s20  }
0x9f: {  	s4 =	ssub.s32 $0x0, s20;
	[sflag:s22] =	ssyncset.done $0x0  }
0xa0: {  	[sflag:s22] =	ssyncadd.s32 s4;
	_ =	sdelay $0x1  }
0xa1: {  	s23 =	simm.s32 $0x1B8B  }
0xa2: {  	_ =	swait.ge [sflag:s23], $0x1  }
0xa3: {  	[sflag:s23] =	ssyncset.done $0x0  }
0xa4: {  	s25 =	simm.s32 $0x1B8E;
	s24 =	sld [smem:$0x3FFE];
	[sflag:s23] =	ssyncadd.s32 $0xFFFFFFFF  }
0xa5: {  	s26 =	simm.s32 $execute0_lowered;
	[smem:$0x3FD2] =	sst s25  }
0xa6: {  	s5 =	sshll.u32 s26, $0x1;
	_ =	strace $0x80000049;
	[dreg:$0x1] =	wrdreg $0xFFFFFFFF  }
0xa7: {  	s28 =	simm.s32 $_size_execute0_lowered;
	s3 =	sadd.s32 s3, s5;
	[dreg:$0x0] =	wrdreg $0x0  }
0xa8: {  	s5 =	sshll.u32 s28, $0x1;
	[dreg:$0x2] =	wrdreg s3  }
0xa9: {  	[dreg:$0x3] =	wrdreg s5  }
0xaa: {  	[dreg:$0x4] =	wrdreg $0xC0  }
0xab: {  	_ =	task [dreg:s7], $0x5FFFF  }
0xac: {  	[dreg:$0x1] =	wrdreg $0xFFFFFFFF  }
0xad: {  	[dreg:$0x0] =	wrdreg $0x60  }
0xae: {  	[dreg:$0x2] =	wrdreg s2  }
0xaf: {  	[dreg:$0x3] =	wrdreg s24  }
0xb0: {  	[dreg:$0x4] =	wrdreg $0x4A000  }
0xb1: {  	[dreg:$0x5] =	wrdreg $0x9  }
0xb2: {  	_ =	task.clear_ibuf [dreg:s7], $0x6FFFF;
	_ =	strace $0x90000049  }
0xb3: {  	s29 =	simm.s32 $0x9;
	_ =	strace $0x8000004B  }
0xb4: {  	_ =	swait.ge [sflag:s29], $0x1  }
0xb5: {  	[sflag:s29] =	ssyncadd.s32 $0xFFFFFFFF  }
0xb6: {  	_ =	strace $0x9000004B  }
0xb7: {  	_ =	sfence  }
0xb8: {  	s30 =	sld [smem:$0x0];
	_ =	sdelay $0x2  }
0xb9: {  	s31 =	sshll.u32 s1, $0xD;
	s1 =	sshrl.u32 s1, $0x2  }
0xba: {  	s3 =	sand.u32 $0x4000, s31;
	s1 =	sadd.s32 s1, s30  }
0xbb: {  	s0 =	sor.u32 s3, s0;
	s1 =	sshll.u32 s1, $0x11  }
0xbc: {  	s0 =	sor.u32 s1, s0  }
0xbd: {  	s0 =	sadd.s32 $0x8F2B, s0  }
0xbe: {  	[sflag:s0] =	ssyncadd.remote.s32 $0x1  }
0xbf: {  	_ =	sfence.sel $0xFFFF  }
0xc0: {  	[dreg:$0x0] =	wrdreg $0xFFFFFFFF;
	(pc) =	sbr.abs _section_cstart, $3  }
0xc1: {  	[dreg:$0x1] =	wrdreg $0xFFFFFFFF  }
0xc2: {  	_ =	task.clear_ibuf [dreg:s7], $0x2FFFF;
	_ =	strace $0x9FFFFFFF  }
0xc3: {  	(tm) =	ssettm $0x7FFFFFFF  }
tec
execute0_lowered:
.L_overlay_start_1:
0x0: {  	(tag) =	ssettag $0x1  }
0x1: {  	s0 =	srdreg.scid;
	s1 =	rddreg [dreg:$0x0]  }
0x2: {  	s9 =	stileid.u32;
	s5 =	rddreg [dreg:$0x1]  }
0x3: {  	s3 =	rddreg [dreg:$0x2];
	s4 =	simm.s32 $0x0;
	s12 =	simm.s32 $0xA00  }
0x4: {  	s25 =	simm.s32 $0x580;
	s26 =	simm.s32 $0x100;
	s28 =	simm.s32 $0x780  }
0x5: {  	s29 =	simm.s32 $0x300;
	s30 =	simm.s32 $0x380;
	s6 =	smul.u32 $0x2800, s9  }
0x6: {  	s31 =	simm.s32 $0x800;
	s0 =	sand.u32 $0x1, s0;
	s7 =	smul.u32 $0x14000, s9  }
0x7: {  	[smem:$0x7FF] =	sst s4;
	s14 =	smul.u32 $0x28000, s9;
	s9 =	simm.s32 $0x0  }
0x8: {  	s2 =	smul.u32 $0x28000, s0;
	_ =	strace $0x8000004A;
	[dreg:$0x6] =	wrdreg s25  }
0x9: {  	s8 =	smul.u32 $0x140000, s0;
	s0 =	ssub.s32 $0x2, s0;
	[dreg:$0x7] =	wrdreg s26  }
0xa: {  	s25 =	simm.s32 $0x280;
	s26 =	simm.s32 $0x700;
	s15 =	sshrl.u32 s0, $0x1  }
0xb: {  	s2 =	sadd.s32 s6, s2;
	s13 =	sadd.s32 s7, s8;
	s7 =	sshrl.u32 s7, $0x1  }
0xc: {  	s8 =	sshrl.u32 s14, $0x2;
	s0 =	ssub.s32 s0, s15;
	s14 =	simm.s32 $0x500  }
0xd: {  	s15 =	simm.s32 $0x80;
	s2 =	sshrl.u32 s2, $0x3;
	s6 =	sshrl.u32 s13, $0x4  }
0xe: {  	s16 =	sadd.s32 s7, s3;
	s17 =	sadd.s32 s8, s3;
	s0 =	smax.u32 s0, $0x1  }
0xf: {  	s13 =	simm.s32 $0x5;
	s7 =	simm.s32 $0x900;
	[dreg:$0x8] =	wrdreg s16  }
0x10: {  	s8 =	simm.s32 $0x980;
	s18 =	sadd.s32 $0x2000, s17;
	[dreg:$0xe] =	wrdreg s0  }
0x11: {  	s2 =	sadd.s32 s2, s5;
	s19 =	sadd.s32 $0x4000, s17;
	[dreg:$0x9] =	wrdreg s18  }
0x12: {  	s6 =	sadd.s32 s6, s5;
	s20 =	sadd.s32 $0x6000, s17;
	[dreg:$0xa] =	wrdreg s19  }
0x13: {  	s21 =	sadd.s32 $0x8000, s17;
	s16 =	simm.s32 $0x2A00;
	[dreg:$0xb] =	wrdreg s20  }
0x14: {  	s17 =	simm.s32 $0x1;
	s0 =	simm.s32 $0x400;
	[dreg:$0xc] =	wrdreg s21  }
0x15: {  	s22 =	sadd.s32 $0x3E600, s6;
	s23 =	sadd.s32 $0x2600, s2;
	s24 =	sadd.s32 $0xC600, s2  }
0x16: {  	s18 =	simm.s32 $0x2;
	s19 =	simm.s32 $0x3;
	[dreg:$0xd] =	wrdreg s22  }
0x17: {  	s20 =	simm.s32 $0x4;
	s21 =	simm.s32 $0x180;
	[dreg:$0x4] =	wrdreg s23  }
0x18: {  	s2 =	simm.s32 $0x880;
	s6 =	simm.s32 $0x480;
	[dreg:$0x5] =	wrdreg s24  }
0x19: {  	v0 =	vimm.bf16 $0.0e+00;
	s22 =	simm.s32 $0x600;
	s23 =	simm.s32 $0x680;
	s24 =	simm.s32 $0x200  }
.LBB2_1:
0x1a: {  	s11 =	simm.s32 $0x100;
	s10 =	simm.s32 $0x0  }
.LBB2_2:
0x1b: {  	p0 =	sne.s32 s11, $0x7F00;
	[tilespmem:s10+$0xA30] =	vst v0;
	s5 =	smov.u32 s11;
	s11 =	sadd.s32 $0x100, s11  }
.Ltmp0:
0x1c: {  	[tilespmem:s10+$0xA20] =	vst v0;
	(pc) =	sbr.rel @p0 .LBB2_2-.Ltmp0, $3  }
0x1d: {  	[tilespmem:s10+$0xA00] =	vst v0  }
0x1e: {  	[tilespmem:s10+$0xA10] =	vst v0;
	_ =	sdelay $0x1  }
0x1f: {  	s10 =	sshra.s32 s5, $0x2  }
0x20: {  	[tilespmem:s10+$0xA30] =	vst v0  }
0x21: {  	[tilespmem:s10+$0xA20] =	vst v0  }
0x22: {  	[tilespmem:s10+$0xA00] =	vst v0  }
0x23: {  	[tilespmem:s10+$0xA10] =	vst v0;
	s5 =	rddreg [dreg:$0x8]  }
0x24: {  	[spmem:s5] =	stream.linear.scatter [tilespmem:s12], [sflag:$0x5], $0x2000, $0x38;
	[tilespmem:$0xEA00] =	vst v63  }
0x25: {  	_ =	swait.ge [sflag:s13], $0x2000  }
0x26: {  	[sflag:s13] =	ssyncset.done $0x0  }
0x27: {  	s10 =	rddreg [dreg:$0x9];
	[sflag:s13] =	ssyncadd.s32 $0xFFFFE000  }
0x28: {  	[spmem:s10] =	stream.linear.scatter [tilespmem:s12], [sflag:$0x5], $0x2000, $0x38;
	[tilespmem:$0xEA00] =	vst v63  }
0x29: {  	_ =	swait.ge [sflag:s13], $0x2000  }
0x2a: {  	[sflag:s13] =	ssyncset.done $0x0  }
0x2b: {  	s11 =	rddreg [dreg:$0xa];
	[sflag:s13] =	ssyncadd.s32 $0xFFFFE000  }
0x2c: {  	[spmem:s11] =	stream.linear.scatter [tilespmem:s12], [sflag:$0x5], $0x2000, $0x38;
	[tilespmem:$0xEA00] =	vst v63  }
0x2d: {  	_ =	swait.ge [sflag:s13], $0x2000  }
0x2e: {  	[sflag:s13] =	ssyncset.done $0x0  }
0x2f: {  	s10 =	rddreg [dreg:$0xb];
	[sflag:s13] =	ssyncadd.s32 $0xFFFFE000  }
0x30: {  	[spmem:s10] =	stream.linear.scatter [tilespmem:s12], [sflag:$0x5], $0x2000, $0x38;
	[tilespmem:$0xEA00] =	vst v63  }
0x31: {  	_ =	swait.ge [sflag:s13], $0x2000  }
0x32: {  	[sflag:s13] =	ssyncset.done $0x0  }
0x33: {  	s11 =	rddreg [dreg:$0xc];
	[sflag:s13] =	ssyncadd.s32 $0xFFFFE000  }
0x34: {  	[spmem:s11] =	stream.linear.scatter [tilespmem:s12], [sflag:$0x5], $0x2000, $0x38;
	[tilespmem:$0xEA00] =	vst v63  }
0x35: {  	_ =	swait.ge [sflag:s13], $0x2000  }
0x36: {  	[sflag:s13] =	ssyncset.done $0x0  }
0x37: {  	[sflag:s13] =	ssyncadd.s32 $0xFFFFE000  }
0x38: {  	[bflag:$0x0] =	sbarrier.arrive $0xFFFF  }
0x39: {  	s10 =	rddreg [dreg:$0x5]  }
0x3a: {  	s5 =	sadd.s32 $0x0, s10  }
0x3b: {  	[tilespmem:s4], [sflag:$0x5] =	stream.linear.gather [hbm4b:s5+s4], $0x500, $0x38;
	[tilespmem:$0xEA00] =	vst v63  }
0x3c: {  	_ =	swait.ge [sflag:s13], $0x500  }
0x3d: {  	s11 =	rddreg [dreg:$0x4];
	[sflag:s13] =	ssyncset.done $0x0  }
0x3e: {  	[sflag:s13] =	ssyncadd.s32 $0xFFFFFB00;
	s5 =	sadd.s32 $0x0, s11  }
0x3f: {  	[tilespmem:s14], [sflag:$0x5] =	stream.linear.gather [hbm4b:s5+s4], $0x500, $0x38;
	[tilespmem:$0xEA00] =	vst v63  }
0x40: {  	_ =	swait.ge [sflag:s13], $0x500  }
0x41: {  	[sflag:s13] =	ssyncset.done $0x0  }
0x42: {  	[sflag:s13] =	ssyncadd.s32 $0xFFFFFB00  }
0x43: {  	[tilespmem:s12], [sflag:$0x1] =	stream.indirect.gather [hbm4b:s1+s15], $0x40, s4, s15, $0xb8;
	[tilespmem:$0xEA00] =	vst v63  }
0x44: {  	_ = 	snop  }
0x45: {  	[tilespmem:s16], [sflag:$0x2] =	stream.indirect.gather [hbm4b:s1+s15], $0x40, s15, s15, $0xb8;
	[tilespmem:$0xEA00] =	vst v63  }
0x46: {  	_ =	swait.ge [sflag:s17], $0x2000  }
0x47: {  	[sflag:s17] =	ssyncset.done $0x0  }
0x48: {  	[sflag:s17] =	ssyncadd.s32 $0xFFFFE000  }
0x49: {  	[spmem:s3] =	stream.indirect.scatter.add.bf16 [tilespmem:s12], [sflag:$0x3], $0x40, s14, s15, $0xb8;
	[tilespmem:$0xEA00] =	vst v63  }
0x4a: {  	_ =	swait.ge [sflag:s18], $0x2000  }
0x4b: {  	[sflag:s18] =	ssyncset.done $0x0  }
0x4c: {  	s10 =	rddreg [dreg:$0x6];
	[sflag:s18] =	ssyncadd.s32 $0xFFFFE000  }
0x4d: {  	[spmem:s3] =	stream.indirect.scatter.add.bf16 [tilespmem:s16], [sflag:$0x4], $0x40, s10, s15, $0xb8;
	[tilespmem:$0xEA00] =	vst v63  }
0x4e: {  	_ =	swait.ge [sflag:s19], $0x2000  }
0x4f: {  	[sflag:s19] =	ssyncset.done $0x0  }
0x50: {  	s11 =	rddreg [dreg:$0x7];
	[sflag:s19] =	ssyncadd.s32 $0xFFFFE000  }
0x51: {  	[tilespmem:s12], [sflag:$0x1] =	stream.indirect.gather [hbm4b:s1+s15], $0x40, s11, s15, $0xb8;
	[tilespmem:$0xEA00] =	vst v63  }
0x52: {  	_ =	swait.ge [sflag:s20], $0x2000  }
0x53: {  	[sflag:s20] =	ssyncset.done $0x0  }
0x54: {  	[sflag:s20] =	ssyncadd.s32 $0xFFFFE000  }
0x55: {  	[tilespmem:s16], [sflag:$0x2] =	stream.indirect.gather [hbm4b:s1+s15], $0x40, s21, s15, $0xb8;
	[tilespmem:$0xEA00] =	vst v63  }
0x56: {  	_ =	swait.ge [sflag:s17], $0x2000  }
0x57: {  	[sflag:s17] =	ssyncset.done $0x0  }
0x58: {  	[sflag:s17] =	ssyncadd.s32 $0xFFFFE000  }
0x59: {  	[spmem:s3] =	stream.indirect.scatter.add.bf16 [tilespmem:s12], [sflag:$0x3], $0x40, s22, s15, $0xb8;
	[tilespmem:$0xEA00] =	vst v63  }
0x5a: {  	_ =	swait.ge [sflag:s18], $0x2000  }
0x5b: {  	[sflag:s18] =	ssyncset.done $0x0  }
0x5c: {  	[sflag:s18] =	ssyncadd.s32 $0xFFFFE000  }
0x5d: {  	[spmem:s3] =	stream.indirect.scatter.add.bf16 [tilespmem:s16], [sflag:$0x4], $0x40, s23, s15, $0xb8;
	[tilespmem:$0xEA00] =	vst v63  }
0x5e: {  	_ =	swait.ge [sflag:s19], $0x2000  }
0x5f: {  	[sflag:s19] =	ssyncset.done $0x0  }
0x60: {  	[sflag:s19] =	ssyncadd.s32 $0xFFFFE000  }
0x61: {  	[tilespmem:s12], [sflag:$0x1] =	stream.indirect.gather [hbm4b:s1+s15], $0x40, s24, s15, $0xb8;
	[tilespmem:$0xEA00] =	vst v63  }
0x62: {  	_ =	swait.ge [sflag:s20], $0x2000  }
0x63: {  	[sflag:s20] =	ssyncset.done $0x0  }
0x64: {  	[sflag:s20] =	ssyncadd.s32 $0xFFFFE000  }
0x65: {  	[tilespmem:s16], [sflag:$0x2] =	stream.indirect.gather [hbm4b:s1+s15], $0x40, s25, s15, $0xb8;
	[tilespmem:$0xEA00] =	vst v63  }
0x66: {  	_ =	swait.ge [sflag:s17], $0x2000  }
0x67: {  	[sflag:s17] =	ssyncset.done $0x0  }
0x68: {  	[sflag:s17] =	ssyncadd.s32 $0xFFFFE000  }
0x69: {  	[spmem:s3] =	stream.indirect.scatter.add.bf16 [tilespmem:s12], [sflag:$0x3], $0x40, s26, s15, $0xb8;
	[tilespmem:$0xEA00] =	vst v63  }
0x6a: {  	_ =	swait.ge [sflag:s18], $0x2000  }
0x6b: {  	[sflag:s18] =	ssyncset.done $0x0  }
0x6c: {  	[sflag:s18] =	ssyncadd.s32 $0xFFFFE000  }
0x6d: {  	[spmem:s3] =	stream.indirect.scatter.add.bf16 [tilespmem:s16], [sflag:$0x4], $0x40, s28, s15, $0xb8;
	[tilespmem:$0xEA00] =	vst v63  }
0x6e: {  	_ =	swait.ge [sflag:s19], $0x2000  }
0x6f: {  	[sflag:s19] =	ssyncset.done $0x0  }
0x70: {  	[sflag:s19] =	ssyncadd.s32 $0xFFFFE000  }
0x71: {  	[tilespmem:s12], [sflag:$0x1] =	stream.indirect.gather [hbm4b:s1+s15], $0x40, s29, s15, $0xb8;
	[tilespmem:$0xEA00] =	vst v63  }
0x72: {  	_ =	swait.ge [sflag:s20], $0x2000  }
0x73: {  	[sflag:s20] =	ssyncset.done $0x0  }
0x74: {  	[sflag:s20] =	ssyncadd.s32 $0xFFFFE000  }
0x75: {  	[tilespmem:s16], [sflag:$0x2] =	stream.indirect.gather [hbm4b:s1+s15], $0x40, s30, s15, $0xb8;
	[tilespmem:$0xEA00] =	vst v63  }
0x76: {  	_ =	swait.ge [sflag:s17], $0x2000  }
0x77: {  	[sflag:s17] =	ssyncset.done $0x0  }
0x78: {  	[sflag:s17] =	ssyncadd.s32 $0xFFFFE000  }
0x79: {  	[spmem:s3] =	stream.indirect.scatter.add.bf16 [tilespmem:s12], [sflag:$0x3], $0x40, s31, s15, $0xb8;
	[tilespmem:$0xEA00] =	vst v63  }
0x7a: {  	_ =	swait.ge [sflag:s18], $0x2000  }
0x7b: {  	[sflag:s18] =	ssyncset.done $0x0  }
0x7c: {  	[sflag:s18] =	ssyncadd.s32 $0xFFFFE000  }
0x7d: {  	[spmem:s3] =	stream.indirect.scatter.add.bf16 [tilespmem:s16], [sflag:$0x4], $0x40, s2, s15, $0xb8;
	[tilespmem:$0xEA00] =	vst v63  }
0x7e: {  	_ =	swait.ge [sflag:s19], $0x2000  }
0x7f: {  	[sflag:s19] =	ssyncset.done $0x0  }
0x80: {  	[sflag:s19] =	ssyncadd.s32 $0xFFFFE000  }
0x81: {  	[tilespmem:s12], [sflag:$0x1] =	stream.indirect.gather [hbm4b:s1+s15], $0x40, s0, s15, $0xb8;
	[tilespmem:$0xEA00] =	vst v63  }
0x82: {  	_ =	swait.ge [sflag:s20], $0x2000  }
0x83: {  	[sflag:s20] =	ssyncset.done $0x0  }
0x84: {  	[sflag:s20] =	ssyncadd.s32 $0xFFFFE000  }
0x85: {  	[tilespmem:s16], [sflag:$0x2] =	stream.indirect.gather [hbm4b:s1+s15], $0x40, s6, s15, $0xb8;
	[tilespmem:$0xEA00] =	vst v63  }
0x86: {  	_ =	swait.ge [sflag:s17], $0x2000  }
0x87: {  	[sflag:s17] =	ssyncset.done $0x0  }
0x88: {  	[sflag:s17] =	ssyncadd.s32 $0xFFFFE000  }
0x89: {  	[spmem:s3] =	stream.indirect.scatter.add.bf16 [tilespmem:s12], [sflag:$0x3], $0x40, s7, s15, $0xb8;
	[tilespmem:$0xEA00] =	vst v63  }
0x8a: {  	_ =	swait.ge [sflag:s18], $0x2000  }
0x8b: {  	[sflag:s18] =	ssyncset.done $0x0  }
0x8c: {  	[sflag:s18] =	ssyncadd.s32 $0xFFFFE000  }
0x8d: {  	[spmem:s3] =	stream.indirect.scatter.add.bf16 [tilespmem:s16], [sflag:$0x4], $0x40, s8, s15, $0xb8;
	[tilespmem:$0xEA00] =	vst v63  }
0x8e: {  	_ =	swait.ge [sflag:s19], $0x2000  }
0x8f: {  	[sflag:s19] =	ssyncset.done $0x0  }
0x90: {  	[sflag:s19] =	ssyncadd.s32 $0xFFFFE000  }
0x91: {  	_ =	swait.ge [sflag:s20], $0x2000  }
0x92: {  	s10 =	simm.s32 $0xA0;
	[sflag:s20] =	ssyncset.done $0x0  }
.LBB2_4:
0x93: {  	s5 =	rddreg [dreg:$0x5];
	s11 =	smov.u32 s10  }
0x94: {  	[sflag:s20] =	ssyncadd.s32 $0xFFFFE000;
	s5 =	sadd.s32 s11, s5  }
0x95: {  	[tilespmem:s4], [sflag:$0x5] =	stream.linear.gather [hbm4b:s5+s4], $0x500, $0x38;
	[tilespmem:$0xEA00] =	vst v63  }
0x96: {  	_ =	swait.ge [sflag:s13], $0x500  }
0x97: {  	s5 =	rddreg [dreg:$0x4];
	[sflag:s13] =	ssyncset.done $0x0  }
0x98: {  	[sflag:s13] =	ssyncadd.s32 $0xFFFFFB00;
	s5 =	sadd.s32 s11, s5  }
0x99: {  	[tilespmem:s14], [sflag:$0x5] =	stream.linear.gather [hbm4b:s5+s4], $0x500, $0x38;
	[tilespmem:$0xEA00] =	vst v63  }
0x9a: {  	_ =	swait.ge [sflag:s13], $0x500  }
0x9b: {  	[sflag:s13] =	ssyncset.done $0x0  }
0x9c: {  	[sflag:s13] =	ssyncadd.s32 $0xFFFFFB00  }
0x9d: {  	[tilespmem:s12], [sflag:$0x1] =	stream.indirect.gather [hbm4b:s1+s15], $0x40, s4, s15, $0xb8;
	[tilespmem:$0xEA00] =	vst v63  }
0x9e: {  	_ = 	snop  }
0x9f: {  	[tilespmem:s16], [sflag:$0x2] =	stream.indirect.gather [hbm4b:s1+s15], $0x40, s15, s15, $0xb8;
	[tilespmem:$0xEA00] =	vst v63  }
0xa0: {  	_ =	swait.ge [sflag:s17], $0x2000  }
0xa1: {  	[sflag:s17] =	ssyncset.done $0x0  }
0xa2: {  	[sflag:s17] =	ssyncadd.s32 $0xFFFFE000  }
0xa3: {  	[spmem:s3] =	stream.indirect.scatter.add.bf16 [tilespmem:s12], [sflag:$0x3], $0x40, s14, s15, $0xb8;
	[tilespmem:$0xEA00] =	vst v63  }
0xa4: {  	_ =	swait.ge [sflag:s18], $0x2000  }
0xa5: {  	[sflag:s18] =	ssyncset.done $0x0  }
0xa6: {  	s11 =	rddreg [dreg:$0x6];
	[sflag:s18] =	ssyncadd.s32 $0xFFFFE000  }
0xa7: {  	[spmem:s3] =	stream.indirect.scatter.add.bf16 [tilespmem:s16], [sflag:$0x4], $0x40, s11, s15, $0xb8;
	[tilespmem:$0xEA00] =	vst v63  }
0xa8: {  	_ =	swait.ge [sflag:s19], $0x2000  }
0xa9: {  	[sflag:s19] =	ssyncset.done $0x0  }
0xaa: {  	s11 =	rddreg [dreg:$0x7];
	[sflag:s19] =	ssyncadd.s32 $0xFFFFE000  }
0xab: {  	[tilespmem:s12], [sflag:$0x1] =	stream.indirect.gather [hbm4b:s1+s15], $0x40, s11, s15, $0xb8;
	[tilespmem:$0xEA00] =	vst v63  }
0xac: {  	_ =	swait.ge [sflag:s20], $0x2000  }
0xad: {  	[sflag:s20] =	ssyncset.done $0x0  }
0xae: {  	[sflag:s20] =	ssyncadd.s32 $0xFFFFE000  }
0xaf: {  	[tilespmem:s16], [sflag:$0x2] =	stream.indirect.gather [hbm4b:s1+s15], $0x40, s21, s15, $0xb8;
	[tilespmem:$0xEA00] =	vst v63  }
0xb0: {  	_ =	swait.ge [sflag:s17], $0x2000  }
0xb1: {  	[sflag:s17] =	ssyncset.done $0x0  }
0xb2: {  	[sflag:s17] =	ssyncadd.s32 $0xFFFFE000  }
0xb3: {  	[spmem:s3] =	stream.indirect.scatter.add.bf16 [tilespmem:s12], [sflag:$0x3], $0x40, s22, s15, $0xb8;
	[tilespmem:$0xEA00] =	vst v63  }
0xb4: {  	_ =	swait.ge [sflag:s18], $0x2000  }
0xb5: {  	[sflag:s18] =	ssyncset.done $0x0  }
0xb6: {  	[sflag:s18] =	ssyncadd.s32 $0xFFFFE000  }
0xb7: {  	[spmem:s3] =	stream.indirect.scatter.add.bf16 [tilespmem:s16], [sflag:$0x4], $0x40, s23, s15, $0xb8;
	[tilespmem:$0xEA00] =	vst v63  }
0xb8: {  	_ =	swait.ge [sflag:s19], $0x2000  }
0xb9: {  	[sflag:s19] =	ssyncset.done $0x0  }
0xba: {  	[sflag:s19] =	ssyncadd.s32 $0xFFFFE000  }
0xbb: {  	[tilespmem:s12], [sflag:$0x1] =	stream.indirect.gather [hbm4b:s1+s15], $0x40, s24, s15, $0xb8;
	[tilespmem:$0xEA00] =	vst v63  }
0xbc: {  	_ =	swait.ge [sflag:s20], $0x2000  }
0xbd: {  	[sflag:s20] =	ssyncset.done $0x0  }
0xbe: {  	[sflag:s20] =	ssyncadd.s32 $0xFFFFE000  }
0xbf: {  	[tilespmem:s16], [sflag:$0x2] =	stream.indirect.gather [hbm4b:s1+s15], $0x40, s25, s15, $0xb8;
	[tilespmem:$0xEA00] =	vst v63  }
0xc0: {  	_ =	swait.ge [sflag:s17], $0x2000  }
0xc1: {  	[sflag:s17] =	ssyncset.done $0x0  }
0xc2: {  	[sflag:s17] =	ssyncadd.s32 $0xFFFFE000  }
0xc3: {  	[spmem:s3] =	stream.indirect.scatter.add.bf16 [tilespmem:s12], [sflag:$0x3], $0x40, s26, s15, $0xb8;
	[tilespmem:$0xEA00] =	vst v63  }
0xc4: {  	_ =	swait.ge [sflag:s18], $0x2000  }
0xc5: {  	[sflag:s18] =	ssyncset.done $0x0  }
0xc6: {  	[sflag:s18] =	ssyncadd.s32 $0xFFFFE000  }
0xc7: {  	[spmem:s3] =	stream.indirect.scatter.add.bf16 [tilespmem:s16], [sflag:$0x4], $0x40, s28, s15, $0xb8;
	[tilespmem:$0xEA00] =	vst v63  }
0xc8: {  	_ =	swait.ge [sflag:s19], $0x2000  }
0xc9: {  	[sflag:s19] =	ssyncset.done $0x0  }
0xca: {  	[sflag:s19] =	ssyncadd.s32 $0xFFFFE000  }
0xcb: {  	[tilespmem:s12], [sflag:$0x1] =	stream.indirect.gather [hbm4b:s1+s15], $0x40, s29, s15, $0xb8;
	[tilespmem:$0xEA00] =	vst v63  }
0xcc: {  	_ =	swait.ge [sflag:s20], $0x2000  }
0xcd: {  	[sflag:s20] =	ssyncset.done $0x0  }
0xce: {  	[sflag:s20] =	ssyncadd.s32 $0xFFFFE000  }
0xcf: {  	[tilespmem:s16], [sflag:$0x2] =	stream.indirect.gather [hbm4b:s1+s15], $0x40, s30, s15, $0xb8;
	[tilespmem:$0xEA00] =	vst v63  }
0xd0: {  	_ =	swait.ge [sflag:s17], $0x2000  }
0xd1: {  	[sflag:s17] =	ssyncset.done $0x0  }
0xd2: {  	[sflag:s17] =	ssyncadd.s32 $0xFFFFE000  }
0xd3: {  	[spmem:s3] =	stream.indirect.scatter.add.bf16 [tilespmem:s12], [sflag:$0x3], $0x40, s31, s15, $0xb8;
	[tilespmem:$0xEA00] =	vst v63  }
0xd4: {  	_ =	swait.ge [sflag:s18], $0x2000  }
0xd5: {  	[sflag:s18] =	ssyncset.done $0x0  }
0xd6: {  	[sflag:s18] =	ssyncadd.s32 $0xFFFFE000  }
0xd7: {  	[spmem:s3] =	stream.indirect.scatter.add.bf16 [tilespmem:s16], [sflag:$0x4], $0x40, s2, s15, $0xb8;
	[tilespmem:$0xEA00] =	vst v63  }
0xd8: {  	_ =	swait.ge [sflag:s19], $0x2000  }
0xd9: {  	[sflag:s19] =	ssyncset.done $0x0  }
0xda: {  	[sflag:s19] =	ssyncadd.s32 $0xFFFFE000  }
0xdb: {  	[tilespmem:s12], [sflag:$0x1] =	stream.indirect.gather [hbm4b:s1+s15], $0x40, s0, s15, $0xb8;
	[tilespmem:$0xEA00] =	vst v63  }
0xdc: {  	_ =	swait.ge [sflag:s20], $0x2000  }
0xdd: {  	[sflag:s20] =	ssyncset.done $0x0  }
0xde: {  	[sflag:s20] =	ssyncadd.s32 $0xFFFFE000  }
0xdf: {  	[tilespmem:s16], [sflag:$0x2] =	stream.indirect.gather [hbm4b:s1+s15], $0x40, s6, s15, $0xb8;
	[tilespmem:$0xEA00] =	vst v63  }
0xe0: {  	_ =	swait.ge [sflag:s17], $0x2000  }
0xe1: {  	[sflag:s17] =	ssyncset.done $0x0  }
0xe2: {  	[sflag:s17] =	ssyncadd.s32 $0xFFFFE000  }
0xe3: {  	[spmem:s3] =	stream.indirect.scatter.add.bf16 [tilespmem:s12], [sflag:$0x3], $0x40, s7, s15, $0xb8;
	[tilespmem:$0xEA00] =	vst v63  }
0xe4: {  	_ =	swait.ge [sflag:s18], $0x2000  }
0xe5: {  	[sflag:s18] =	ssyncset.done $0x0  }
0xe6: {  	p0 =	sne.s32 s10, $0x460;
	[sflag:s18] =	ssyncadd.s32 $0xFFFFE000  }
0xe7: {  	[spmem:s3] =	stream.indirect.scatter.add.bf16 [tilespmem:s16], [sflag:$0x4], $0x40, s8, s15, $0xb8;
	[tilespmem:$0xEA00] =	vst v63  }
.Ltmp1:
0xe8: {  	_ =	swait.ge [sflag:s19], $0x2000;
	(pc) =	sbr.rel @p0 .LBB2_4-.Ltmp1, $4  }
0xe9: {  	[sflag:s19] =	ssyncset.done $0x0  }
0xea: {  	[sflag:s19] =	ssyncadd.s32 $0xFFFFE000  }
0xeb: {  	_ =	swait.ge [sflag:s20], $0x2000  }
0xec: {  	s10 =	sadd.s32 $0xA0, s10;
	[sflag:s20] =	ssyncset.done $0x0  }
0xed: {  	[sflag:s20] =	ssyncadd.s32 $0xFFFFE000  }
0xee: {  	s5 =	stileid.u32;
	[bflag:$0x0] =	sbarrier.arrive $0xFFFF  }
0xef: {  	s5 =	sshll.u32 s5, $0x6;
	s10 =	rddreg [dreg:$0x8]  }
0xf0: {  	s5 =	sor.u32 $0x1C05, s5;
	s11 =	rddreg [dreg:$0xd];
	s10 =	sshrl.u32 s10, $0x3  }
0xf1: {  	[hbm:s11], [sflag:s5] =	dma.local [spmem:s10], $0x1400  }
0xf2: {  	_ =	swait.ge [sflag:s13], $0x1400  }
0xf3: {  	s9 =	sadd.s32 $0x1, s9;
	s11 =	rddreg [dreg:$0xe]  }
0xf4: {  	p0 =	sne.s32 s9, s11  }
.Ltmp2:
0xf5: {  	_ = 	snop;
	(pc) =	sbr.rel @p0 .LBB2_1-.Ltmp2, $3  }
0xf6: {  	_ =	sdelay $0x1  }
0xf7: {  	[sflag:s13] =	ssyncset.done $0x0  }
0xf8: {  	[sflag:s13] =	ssyncadd.s32 $0xFFFFEC00  }
0xf9: {  	_ =	sfence.sel $0x180000  }
0xfa: {  	[bflag:$0x0] =	sbarrier.arrive $0xFFFF  }
0xfb: {  	_ =	strace $0x9000004A  }
0xfc: {  	s0 =	stileid.u32;
	[bflag:$0x2] =	sbarrier.arrive $0xFFFF  }
0xfd: {  	p0 =	sne.s32 s0, $0x0;
	s0 =	rddreg [dreg:$0x3]  }
0xfe: {  	s0 =	sadd.s32 @!p0 $0x100000, s0  }
0xff: {  	[sflag:s0] =	ssyncadd.tile.s32 @!p0 $0x1;
	_ =	shalt  }
.Lfunc_end2:
_tile_overlayer_lowered:
.L_overlay_start_2:
0x100: {  	(tag) =	ssettag $0x2  }
0x101: {  	s0 =	rddreg [dreg:$0x0];
	s2 =	stileid.u32  }
0x102: {  	s1 =	rddreg [dreg:$0x1];
	p0 =	sne.s32 s2, $0x0  }
0x103: {  	s3 =	rddreg [dreg:$0x2];
	[bflag:$0x3] =	sbarrier.arrive $0xFFFF;
	s2 =	simm.s32 @!p0 $0x1C05  }
0x104: {  	[timem:s3], [sflag:s2] =	dma.local @!p0 [hbm:s0], s1  }
0x105: {  	s0 =	simm.s32 @!p0 $0x5  }
0x106: {  	_ =	swait.ge @!p0 [sflag:s0], s1  }
0x107: {  	s1 =	ssub.s32 @!p0 $0x0, s1;
	[sflag:s0] =	ssyncset.done @!p0 $0x0  }
0x108: {  	[sflag:s0] =	ssyncadd.s32 @!p0 s1  }
0x109: {  	[bflag:$0x3] =	sbarrier.arrive $0xFFFF  }
0x10a: {  	_ =	shalt  }

// kernel: kernel.14.cloned.1.call-start
scs
__scs_entry_jumppad:
0x0: {  	(pc) =	sbr.rel $0x88, $3  }
0x1: {  	(tag) =	ssettag $0x0;
	lr =	simm.s32 $0x1  }
0x2: {  	[smem:$0x3F96] =	sst lr;
	_ =	strace $0xD0000000  }
0x3: {  	_ = 	snop  }
0x4: {  	_ = 	snop  }
0x5: {  	_ = 	snop  }
0x6: {  	_ = 	snop  }
0x7: {  	_ = 	snop  }
__scs_overlays_trampoline_lowered:
0x8: {  	[smem:$0x3FA5] =	sst s0  }
0x9: {  	[smem:$0x3FA6] =	sst s1  }
0xa: {  	[smem:$0x3FA7] =	sst s2  }
0xb: {  	[smem:$0x3FA8] =	sst s3  }
0xc: {  	[smem:$0x3FA9] =	sst s4  }
0xd: {  	[smem:$0x3FAA] =	sst s5  }
0xe: {  	[smem:$0x3FAB] =	sst s6  }
0xf: {  	[smem:$0x3FAC] =	sst s7  }
0x10: {  	[smem:$0x3FAD] =	sst s8  }
0x11: {  	[smem:$0x3FAE] =	sst s9;
	s0 =	simm.s32 @!p0 $0x0  }
0x12: {  	s1 =	sld [smem:$0x3F94];
	s0 =	simm.s32 @p0 $0x1  }
0x13: {  	[smem:$0x3FAF] =	sst s0;
	s0 =	simm.s32 @!p1 $0x0  }
0x14: {  	s2 =	sld [smem:$0x3F93];
	s0 =	simm.s32 @p1 $0x1  }
0x15: {  	[smem:$0x3FB0] =	sst s0;
	s0 =	simm.s32 @!p2 $0x0  }
0x16: {  	s3 =	sld [smem:$0x3FDB];
	s0 =	simm.s32 @p2 $0x1  }
0x17: {  	s4 =	simm.s32 $0x1BF5;
	[smem:$0x3FB2] =	sst s0  }
0x18: {  	s0 =	sld [smem:$0x3F95];
	_ =	swait.ge [sflag:s4], $0x0  }
0x19: {  	s7 =	sld [smem:$0x3F96]  }
0x1a: {  	s8 =	sadd.s32 $0xFFFFE003, lr  }
0x1b: {  	s9 =	sadd.s32 $0xFFFFFEF7, lr;
	s5 =	simm.s32 $0xFFFFFFFF;
	p2 =	slt.u32 s8, $0xFFFFF086  }
0x1c: {  	p1 =	slt.u32 s9, $0xF7A;
	s5 =	simm.s32 @!p2 $0x0  }
0x1d: {  	s5 =	simm.s32 @p1 $0x1;
	p0 =	seq.s32 s7, s2  }
0x1e: {  	s7 =	smul.u32 @!p0 $0xF7A, s2;
	p2 =	seq.s32 @!p0 s5, $0x0  }
0x1f: {  	s9 =	smul.u32 $0xF7A, s1;
	s8 =	simm.s32 @!p0 $0x1BF5;
	p2 =	por !p2, p0  }
0x20: {  	[sflag:s8] =	ssyncset.s32 @!p0 $0xFFFFF086;
	s6 =	sadd.s32 @!p0 s3, s7;
	s7 =	simm.s32 @!p0 $0x108  }
0x21: {  	s3 =	sadd.s32 s3, s9;
	s6 =	sadd.s32 @!p0 $0x88, s6;
	s7 =	simm.s32 @p2 $0x1082  }
0x22: {  	[simem:s7], [sflag:s8] =	dma.local @!p0 [hbm:s6], $0xF7A  }
0x23: {  	s9 =	sor.u32 $0xD0000000, s2;
	s6 =	simm.s32 $0x108;
	_ =	swait.ge @!p0 [sflag:s8], $0x0  }
0x24: {  	s3 =	sadd.s32 $0x88, s3;
	s6 =	simm.s32 @!p1 $0x1082;
	[sflag:s4] =	ssyncset.s32 $0xFFFFF086  }
0x25: {  	[simem:s6], [sflag:s4] =	dma.local [hbm:s3], $0xF7A  }
0x26: {  	[smem:$0x3F96] =	sst s1;
	(tag) =	ssettag s2;
	_ =	strace s9  }
0x27: {  	s1 =	sld [smem:$0x3FA6]  }
0x28: {  	s2 =	sld [smem:$0x3FA7]  }
0x29: {  	s4 =	sld [smem:$0x3FA9]  }
0x2a: {  	p0 =	seq.s32 s5, $0x0;
	s5 =	sld [smem:$0x3FAA]  }
0x2b: {  	s6 =	sld [smem:$0x3FAB]  }
0x2c: {  	s7 =	sld [smem:$0x3FAC]  }
0x2d: {  	s3 =	simm.s32 $0x108;
	s8 =	sld [smem:$0x3FAD]  }
0x2e: {  	s3 =	simm.s32 @!p0 $0x1082;
	s9 =	sld [smem:$0x3FAE]  }
0x2f: {  	lr =	sadd.s32 s0, s3;
	s0 =	sld [smem:$0x3FA5]  }
0x30: {  	s3 =	sld [smem:$0x3FA8]  }
0x31: {  	[smem:$0x3FB1] =	sst s10  }
0x32: {  	s10 =	sld [smem:$0x3FAF];
	_ =	sdelay $0x3  }
0x33: {  	p0 =	seq.s32 s10, $0x1;
	s10 =	sld [smem:$0x3FB1];
	_ =	sdelay $0x3  }
0x34: {  	[smem:$0x3FB1] =	sst s10  }
0x35: {  	s10 =	sld [smem:$0x3FB0];
	_ =	sdelay $0x3  }
0x36: {  	p1 =	seq.s32 s10, $0x1;
	s10 =	sld [smem:$0x3FB1];
	_ =	sdelay $0x3  }
0x37: {  	[smem:$0x3FB1] =	sst s10  }
0x38: {  	s10 =	sld [smem:$0x3FB2]  }
0x39: {  	_ = 	snop;
	(pc) =	sbr.ind lr, $3  }
0x3a: {  	_ = 	snop  }
0x3b: {  	_ = 	snop  }
0x3c: {  	p2 =	seq.s32 s10, $0x1;
	s10 =	sld [smem:$0x3FB1]  }
0x3d: {  	_ =	shalt  }
0x3e: {  	_ =	shalt  }
0x3f: {  	_ =	shalt  }
0x40: {  	_ =	shalt  }
0x41: {  	_ =	shalt  }
0x42: {  	_ =	shalt  }
0x43: {  	_ =	shalt  }
0x44: {  	_ =	shalt  }
0x45: {  	_ =	shalt  }
0x46: {  	_ =	shalt  }
0x47: {  	_ =	shalt  }
0x48: {  	_ =	shalt  }
0x49: {  	_ =	shalt  }
0x4a: {  	_ =	shalt  }
0x4b: {  	_ =	shalt  }
0x4c: {  	_ =	shalt  }
0x4d: {  	_ =	shalt  }
0x4e: {  	_ =	shalt  }
0x4f: {  	_ =	shalt  }
0x50: {  	_ =	shalt  }
0x51: {  	_ =	shalt  }
0x52: {  	_ =	shalt  }
0x53: {  	_ =	shalt  }
0x54: {  	_ =	shalt  }
0x55: {  	_ =	shalt  }
0x56: {  	_ =	shalt  }
0x57: {  	_ =	shalt  }
0x58: {  	_ =	shalt  }
0x59: {  	_ =	shalt  }
0x5a: {  	_ =	shalt  }
0x5b: {  	_ =	shalt  }
0x5c: {  	_ =	shalt  }
0x5d: {  	_ =	shalt  }
0x5e: {  	_ =	shalt  }
0x5f: {  	_ =	shalt  }
0x60: {  	_ =	shalt  }
0x61: {  	_ =	shalt  }
0x62: {  	_ =	shalt  }
0x63: {  	_ =	shalt  }
0x64: {  	_ =	shalt  }
0x65: {  	_ =	shalt  }
0x66: {  	_ =	shalt  }
0x67: {  	_ =	shalt  }
0x68: {  	_ =	shalt  }
0x69: {  	_ =	shalt  }
0x6a: {  	_ =	shalt  }
0x6b: {  	_ =	shalt  }
0x6c: {  	_ =	shalt  }
0x6d: {  	_ =	shalt  }
0x6e: {  	_ =	shalt  }
0x6f: {  	_ =	shalt  }
0x70: {  	_ =	shalt  }
0x71: {  	_ =	shalt  }
0x72: {  	_ =	shalt  }
0x73: {  	_ =	shalt  }
0x74: {  	_ =	shalt  }
0x75: {  	_ =	shalt  }
0x76: {  	_ =	shalt  }
0x77: {  	_ =	shalt  }
0x78: {  	_ =	shalt  }
0x79: {  	_ =	shalt  }
0x7a: {  	_ =	shalt  }
0x7b: {  	_ =	shalt  }
0x7c: {  	_ =	shalt  }
0x7d: {  	_ =	shalt  }
0x7e: {  	_ =	shalt  }
0x7f: {  	_ =	shalt  }
0x80: {  	_ =	shalt  }
0x81: {  	_ =	shalt  }
0x82: {  	_ =	shalt  }
0x83: {  	_ =	shalt  }
0x84: {  	_ =	shalt  }
0x85: {  	_ =	shalt  }
0x86: {  	_ =	shalt  }
0x87: {  	_ =	shalt  }
.Lfunc_end0:
.L_simem_size_0:
called_computation.2_lowered:
.L_overlay_start_0:
0x88: {  	s2 =	sld [smem:$0x3FD9]  }
0x89: {  	s3 =	sld [smem:$0x3FFE];
	_ =	sdelay $0x1  }
0x8a: {  	s1 =	srdreg.scid  }
0x8b: {  	s0 =	sand.u32 $0x1, s1  }
0x8c: {  	s17 =	sshll.u32 s0, $0xA;
	s2 =	sadd.s32 s3, s2  }
0x8d: {  	s2 =	sadd.s32 s2, s17  }
0x8e: {  	[smem:$0x3FBD] =	sst s2  }
0x8f: {  	_ = 	snop  }
0x90: {  	s2 =	sld [smem:$0x3FD0];
	(tm) =	ssettm $0x1  }
0x91: {  	s18 =	sld [smem:$0x3FFB];
	_ =	sdelay $0x3  }
0x92: {  	_ =	strace s18  }
0x93: {  	s3 =	sld [smem:$0x3FFC];
	_ =	sdelay $0x3  }
0x94: {  	_ =	strace s3  }
0x95: {  	s3 =	sld [smem:$0x3FFD];
	_ =	sdelay $0x3  }
0x96: {  	_ =	strace s3  }
0x97: {  	_ =	strace $0x8FFFFFFF  }
0x98: {  	s19 =	sld [smem:$0x3FDB];
	_ =	sdelay $0x1  }
0x99: {  	s4 =	simm.s32 $_scs_section_size  }
0x9a: {  	s5 =	simm.s32 $_size__tile_overlayer_lowered;
	s6 =	simm.s32 $_tile_overlayer_lowered  }
0x9b: {  	s22 =	simm.s32 $0x1BFF;
	s21 =	sshll.u32 s6, $0x1;
	s3 =	sadd.s32 s4, s19  }
0x9c: {  	s7 =	simm.s32 $0x0;
	s20 =	sshll.u32 s5, $0x1;
	s5 =	sadd.s32 s21, s3  }
0x9d: {  	[timem:s7], [sflag:s22] =	dma.local [hbm:s5], s20  }
0x9e: {  	_ =	swait.ge [sflag:s22], s20  }
0x9f: {  	s4 =	ssub.s32 $0x0, s20;
	[sflag:s22] =	ssyncset.done $0x0  }
0xa0: {  	[sflag:s22] =	ssyncadd.s32 s4;
	_ =	sdelay $0x1  }
0xa1: {  	s23 =	simm.s32 $0x1B8B  }
0xa2: {  	_ =	swait.ge [sflag:s23], $0x1  }
0xa3: {  	[sflag:s23] =	ssyncset.done $0x0  }
0xa4: {  	s25 =	simm.s32 $0x1B8E;
	s24 =	sld [smem:$0x3FFE];
	[sflag:s23] =	ssyncadd.s32 $0xFFFFFFFF  }
0xa5: {  	s26 =	simm.s32 $execute0_lowered;
	[smem:$0x3FD2] =	sst s25  }
0xa6: {  	s5 =	sshll.u32 s26, $0x1;
	_ =	strace $0x8000004C;
	[dreg:$0x1] =	wrdreg $0xFFFFFFFF  }
0xa7: {  	s28 =	simm.s32 $_size_execute0_lowered;
	s3 =	sadd.s32 s3, s5;
	[dreg:$0x0] =	wrdreg $0x0  }
0xa8: {  	s5 =	sshll.u32 s28, $0x1;
	[dreg:$0x2] =	wrdreg s3  }
0xa9: {  	[dreg:$0x3] =	wrdreg s5  }
0xaa: {  	[dreg:$0x4] =	wrdreg $0xC0  }
0xab: {  	_ =	task [dreg:s7], $0x5FFFF  }
0xac: {  	[dreg:$0x1] =	wrdreg $0xFFFFFFFF  }
0xad: {  	[dreg:$0x0] =	wrdreg $0x60  }
0xae: {  	[dreg:$0x2] =	wrdreg s2  }
0xaf: {  	[dreg:$0x3] =	wrdreg s24  }
0xb0: {  	[dreg:$0x4] =	wrdreg $0x4A000  }
0xb1: {  	[dreg:$0x5] =	wrdreg $0x9  }
0xb2: {  	_ =	task.clear_ibuf [dreg:s7], $0x6FFFF;
	_ =	strace $0x9000004C  }
0xb3: {  	s29 =	simm.s32 $0x9;
	_ =	strace $0x8000004E  }
0xb4: {  	_ =	swait.ge [sflag:s29], $0x1  }
0xb5: {  	[sflag:s29] =	ssyncadd.s32 $0xFFFFFFFF  }
0xb6: {  	_ =	strace $0x9000004E  }
0xb7: {  	_ =	sfence  }
0xb8: {  	s30 =	sld [smem:$0x0];
	_ =	sdelay $0x2  }
0xb9: {  	s31 =	sshll.u32 s1, $0xD;
	s1 =	sshrl.u32 s1, $0x2  }
0xba: {  	s3 =	sand.u32 $0x4000, s31;
	s1 =	sadd.s32 s1, s30  }
0xbb: {  	s0 =	sor.u32 s3, s0;
	s1 =	sshll.u32 s1, $0x11  }
0xbc: {  	s0 =	sor.u32 s1, s0  }
0xbd: {  	s0 =	sadd.s32 $0x8F2B, s0  }
0xbe: {  	[sflag:s0] =	ssyncadd.remote.s32 $0x1  }
0xbf: {  	_ =	sfence.sel $0xFFFF  }
0xc0: {  	[dreg:$0x0] =	wrdreg $0xFFFFFFFF;
	(pc) =	sbr.abs _section_cstart, $3  }
0xc1: {  	[dreg:$0x1] =	wrdreg $0xFFFFFFFF  }
0xc2: {  	_ =	task.clear_ibuf [dreg:s7], $0x2FFFF;
	_ =	strace $0x9FFFFFFF  }
0xc3: {  	(tm) =	ssettm $0x7FFFFFFF  }
tec
execute0_lowered:
.L_overlay_start_1:
0x0: {  	(tag) =	ssettag $0x1  }
0x1: {  	s0 =	srdreg.scid;
	s1 =	rddreg [dreg:$0x0]  }
0x2: {  	s9 =	stileid.u32;
	s5 =	rddreg [dreg:$0x1]  }
0x3: {  	s3 =	rddreg [dreg:$0x2];
	s4 =	simm.s32 $0x0;
	s12 =	simm.s32 $0xA00  }
0x4: {  	s25 =	simm.s32 $0x580;
	s26 =	simm.s32 $0x100;
	s28 =	simm.s32 $0x780  }
0x5: {  	s29 =	simm.s32 $0x300;
	s30 =	simm.s32 $0x380;
	s6 =	smul.u32 $0x2800, s9  }
0x6: {  	s31 =	simm.s32 $0x800;
	s0 =	sand.u32 $0x1, s0;
	s7 =	smul.u32 $0x14000, s9  }
0x7: {  	[smem:$0x7FF] =	sst s4;
	s14 =	smul.u32 $0x28000, s9;
	s9 =	simm.s32 $0x0  }
0x8: {  	s2 =	smul.u32 $0x28000, s0;
	_ =	strace $0x8000004D;
	[dreg:$0x6] =	wrdreg s25  }
0x9: {  	s8 =	smul.u32 $0x140000, s0;
	s0 =	ssub.s32 $0x2, s0;
	[dreg:$0x7] =	wrdreg s26  }
0xa: {  	s25 =	simm.s32 $0x280;
	s26 =	simm.s32 $0x700;
	s15 =	sshrl.u32 s0, $0x1  }
0xb: {  	s2 =	sadd.s32 s6, s2;
	s13 =	sadd.s32 s7, s8;
	s7 =	sshrl.u32 s7, $0x1  }
0xc: {  	s8 =	sshrl.u32 s14, $0x2;
	s0 =	ssub.s32 s0, s15;
	s14 =	simm.s32 $0x500  }
0xd: {  	s15 =	simm.s32 $0x80;
	s2 =	sshrl.u32 s2, $0x3;
	s6 =	sshrl.u32 s13, $0x4  }
0xe: {  	s16 =	sadd.s32 s7, s3;
	s17 =	sadd.s32 s8, s3;
	s0 =	smax.u32 s0, $0x1  }
0xf: {  	s13 =	simm.s32 $0x5;
	s7 =	simm.s32 $0x900;
	[dreg:$0x8] =	wrdreg s16  }
0x10: {  	s8 =	simm.s32 $0x980;
	s18 =	sadd.s32 $0x2000, s17;
	[dreg:$0xe] =	wrdreg s0  }
0x11: {  	s2 =	sadd.s32 s2, s5;
	s19 =	sadd.s32 $0x4000, s17;
	[dreg:$0x9] =	wrdreg s18  }
0x12: {  	s6 =	sadd.s32 s6, s5;
	s20 =	sadd.s32 $0x6000, s17;
	[dreg:$0xa] =	wrdreg s19  }
0x13: {  	s21 =	sadd.s32 $0x8000, s17;
	s16 =	simm.s32 $0x2A00;
	[dreg:$0xb] =	wrdreg s20  }
0x14: {  	s17 =	simm.s32 $0x1;
	s0 =	simm.s32 $0x400;
	[dreg:$0xc] =	wrdreg s21  }
0x15: {  	s22 =	sadd.s32 $0x16600, s6;
	s23 =	sadd.s32 $0x2600, s2;
	s24 =	sadd.s32 $0xC600, s2  }
0x16: {  	s18 =	simm.s32 $0x2;
	s19 =	simm.s32 $0x3;
	[dreg:$0xd] =	wrdreg s22  }
0x17: {  	s20 =	simm.s32 $0x4;
	s21 =	simm.s32 $0x180;
	[dreg:$0x4] =	wrdreg s23  }
0x18: {  	s2 =	simm.s32 $0x880;
	s6 =	simm.s32 $0x480;
	[dreg:$0x5] =	wrdreg s24  }
0x19: {  	v0 =	vimm.bf16 $0.0e+00;
	s22 =	simm.s32 $0x600;
	s23 =	simm.s32 $0x680;
	s24 =	simm.s32 $0x200  }
.LBB2_1:
0x1a: {  	s11 =	simm.s32 $0x100;
	s10 =	simm.s32 $0x0  }
.LBB2_2:
0x1b: {  	p0 =	sne.s32 s11, $0x7F00;
	[tilespmem:s10+$0xA30] =	vst v0;
	s5 =	smov.u32 s11;
	s11 =	sadd.s32 $0x100, s11  }
.Ltmp0:
0x1c: {  	[tilespmem:s10+$0xA20] =	vst v0;
	(pc) =	sbr.rel @p0 .LBB2_2-.Ltmp0, $3  }
0x1d: {  	[tilespmem:s10+$0xA00] =	vst v0  }
0x1e: {  	[tilespmem:s10+$0xA10] =	vst v0;
	_ =	sdelay $0x1  }
0x1f: {  	s10 =	sshra.s32 s5, $0x2  }
0x20: {  	[tilespmem:s10+$0xA30] =	vst v0  }
0x21: {  	[tilespmem:s10+$0xA20] =	vst v0  }
0x22: {  	[tilespmem:s10+$0xA00] =	vst v0  }
0x23: {  	[tilespmem:s10+$0xA10] =	vst v0;
	s5 =	rddreg [dreg:$0x8]  }
0x24: {  	[spmem:s5] =	stream.linear.scatter [tilespmem:s12], [sflag:$0x5], $0x2000, $0x38;
	[tilespmem:$0xEA00] =	vst v63  }
0x25: {  	_ =	swait.ge [sflag:s13], $0x2000  }
0x26: {  	[sflag:s13] =	ssyncset.done $0x0  }
0x27: {  	s10 =	rddreg [dreg:$0x9];
	[sflag:s13] =	ssyncadd.s32 $0xFFFFE000  }
0x28: {  	[spmem:s10] =	stream.linear.scatter [tilespmem:s12], [sflag:$0x5], $0x2000, $0x38;
	[tilespmem:$0xEA00] =	vst v63  }
0x29: {  	_ =	swait.ge [sflag:s13], $0x2000  }
0x2a: {  	[sflag:s13] =	ssyncset.done $0x0  }
0x2b: {  	s11 =	rddreg [dreg:$0xa];
	[sflag:s13] =	ssyncadd.s32 $0xFFFFE000  }
0x2c: {  	[spmem:s11] =	stream.linear.scatter [tilespmem:s12], [sflag:$0x5], $0x2000, $0x38;
	[tilespmem:$0xEA00] =	vst v63  }
0x2d: {  	_ =	swait.ge [sflag:s13], $0x2000  }
0x2e: {  	[sflag:s13] =	ssyncset.done $0x0  }
0x2f: {  	s10 =	rddreg [dreg:$0xb];
	[sflag:s13] =	ssyncadd.s32 $0xFFFFE000  }
0x30: {  	[spmem:s10] =	stream.linear.scatter [tilespmem:s12], [sflag:$0x5], $0x2000, $0x38;
	[tilespmem:$0xEA00] =	vst v63  }
0x31: {  	_ =	swait.ge [sflag:s13], $0x2000  }
0x32: {  	[sflag:s13] =	ssyncset.done $0x0  }
0x33: {  	s11 =	rddreg [dreg:$0xc];
	[sflag:s13] =	ssyncadd.s32 $0xFFFFE000  }
0x34: {  	[spmem:s11] =	stream.linear.scatter [tilespmem:s12], [sflag:$0x5], $0x2000, $0x38;
	[tilespmem:$0xEA00] =	vst v63  }
0x35: {  	_ =	swait.ge [sflag:s13], $0x2000  }
0x36: {  	[sflag:s13] =	ssyncset.done $0x0  }
0x37: {  	[sflag:s13] =	ssyncadd.s32 $0xFFFFE000  }
0x38: {  	[bflag:$0x0] =	sbarrier.arrive $0xFFFF  }
0x39: {  	s10 =	rddreg [dreg:$0x5]  }
0x3a: {  	s5 =	sadd.s32 $0x0, s10  }
0x3b: {  	[tilespmem:s4], [sflag:$0x5] =	stream.linear.gather [hbm4b:s5+s4], $0x500, $0x38;
	[tilespmem:$0xEA00] =	vst v63  }
0x3c: {  	_ =	swait.ge [sflag:s13], $0x500  }
0x3d: {  	s11 =	rddreg [dreg:$0x4];
	[sflag:s13] =	ssyncset.done $0x0  }
0x3e: {  	[sflag:s13] =	ssyncadd.s32 $0xFFFFFB00;
	s5 =	sadd.s32 $0x0, s11  }
0x3f: {  	[tilespmem:s14], [sflag:$0x5] =	stream.linear.gather [hbm4b:s5+s4], $0x500, $0x38;
	[tilespmem:$0xEA00] =	vst v63  }
0x40: {  	_ =	swait.ge [sflag:s13], $0x500  }
0x41: {  	[sflag:s13] =	ssyncset.done $0x0  }
0x42: {  	[sflag:s13] =	ssyncadd.s32 $0xFFFFFB00  }
0x43: {  	[tilespmem:s12], [sflag:$0x1] =	stream.indirect.gather [hbm4b:s1+s15], $0x40, s4, s15, $0xb8;
	[tilespmem:$0xEA00] =	vst v63  }
0x44: {  	_ = 	snop  }
0x45: {  	[tilespmem:s16], [sflag:$0x2] =	stream.indirect.gather [hbm4b:s1+s15], $0x40, s15, s15, $0xb8;
	[tilespmem:$0xEA00] =	vst v63  }
0x46: {  	_ =	swait.ge [sflag:s17], $0x2000  }
0x47: {  	[sflag:s17] =	ssyncset.done $0x0  }
0x48: {  	[sflag:s17] =	ssyncadd.s32 $0xFFFFE000  }
0x49: {  	[spmem:s3] =	stream.indirect.scatter.add.bf16 [tilespmem:s12], [sflag:$0x3], $0x40, s14, s15, $0xb8;
	[tilespmem:$0xEA00] =	vst v63  }
0x4a: {  	_ =	swait.ge [sflag:s18], $0x2000  }
0x4b: {  	[sflag:s18] =	ssyncset.done $0x0  }
0x4c: {  	s10 =	rddreg [dreg:$0x6];
	[sflag:s18] =	ssyncadd.s32 $0xFFFFE000  }
0x4d: {  	[spmem:s3] =	stream.indirect.scatter.add.bf16 [tilespmem:s16], [sflag:$0x4], $0x40, s10, s15, $0xb8;
	[tilespmem:$0xEA00] =	vst v63  }
0x4e: {  	_ =	swait.ge [sflag:s19], $0x2000  }
0x4f: {  	[sflag:s19] =	ssyncset.done $0x0  }
0x50: {  	s11 =	rddreg [dreg:$0x7];
	[sflag:s19] =	ssyncadd.s32 $0xFFFFE000  }
0x51: {  	[tilespmem:s12], [sflag:$0x1] =	stream.indirect.gather [hbm4b:s1+s15], $0x40, s11, s15, $0xb8;
	[tilespmem:$0xEA00] =	vst v63  }
0x52: {  	_ =	swait.ge [sflag:s20], $0x2000  }
0x53: {  	[sflag:s20] =	ssyncset.done $0x0  }
0x54: {  	[sflag:s20] =	ssyncadd.s32 $0xFFFFE000  }
0x55: {  	[tilespmem:s16], [sflag:$0x2] =	stream.indirect.gather [hbm4b:s1+s15], $0x40, s21, s15, $0xb8;
	[tilespmem:$0xEA00] =	vst v63  }
0x56: {  	_ =	swait.ge [sflag:s17], $0x2000  }
0x57: {  	[sflag:s17] =	ssyncset.done $0x0  }
0x58: {  	[sflag:s17] =	ssyncadd.s32 $0xFFFFE000  }
0x59: {  	[spmem:s3] =	stream.indirect.scatter.add.bf16 [tilespmem:s12], [sflag:$0x3], $0x40, s22, s15, $0xb8;
	[tilespmem:$0xEA00] =	vst v63  }
0x5a: {  	_ =	swait.ge [sflag:s18], $0x2000  }
0x5b: {  	[sflag:s18] =	ssyncset.done $0x0  }
0x5c: {  	[sflag:s18] =	ssyncadd.s32 $0xFFFFE000  }
0x5d: {  	[spmem:s3] =	stream.indirect.scatter.add.bf16 [tilespmem:s16], [sflag:$0x4], $0x40, s23, s15, $0xb8;
	[tilespmem:$0xEA00] =	vst v63  }
0x5e: {  	_ =	swait.ge [sflag:s19], $0x2000  }
0x5f: {  	[sflag:s19] =	ssyncset.done $0x0  }
0x60: {  	[sflag:s19] =	ssyncadd.s32 $0xFFFFE000  }
0x61: {  	[tilespmem:s12], [sflag:$0x1] =	stream.indirect.gather [hbm4b:s1+s15], $0x40, s24, s15, $0xb8;
	[tilespmem:$0xEA00] =	vst v63  }
0x62: {  	_ =	swait.ge [sflag:s20], $0x2000  }
0x63: {  	[sflag:s20] =	ssyncset.done $0x0  }
0x64: {  	[sflag:s20] =	ssyncadd.s32 $0xFFFFE000  }
0x65: {  	[tilespmem:s16], [sflag:$0x2] =	stream.indirect.gather [hbm4b:s1+s15], $0x40, s25, s15, $0xb8;
	[tilespmem:$0xEA00] =	vst v63  }
0x66: {  	_ =	swait.ge [sflag:s17], $0x2000  }
0x67: {  	[sflag:s17] =	ssyncset.done $0x0  }
0x68: {  	[sflag:s17] =	ssyncadd.s32 $0xFFFFE000  }
0x69: {  	[spmem:s3] =	stream.indirect.scatter.add.bf16 [tilespmem:s12], [sflag:$0x3], $0x40, s26, s15, $0xb8;
	[tilespmem:$0xEA00] =	vst v63  }
0x6a: {  	_ =	swait.ge [sflag:s18], $0x2000  }
0x6b: {  	[sflag:s18] =	ssyncset.done $0x0  }
0x6c: {  	[sflag:s18] =	ssyncadd.s32 $0xFFFFE000  }
0x6d: {  	[spmem:s3] =	stream.indirect.scatter.add.bf16 [tilespmem:s16], [sflag:$0x4], $0x40, s28, s15, $0xb8;
	[tilespmem:$0xEA00] =	vst v63  }
0x6e: {  	_ =	swait.ge [sflag:s19], $0x2000  }
0x6f: {  	[sflag:s19] =	ssyncset.done $0x0  }
0x70: {  	[sflag:s19] =	ssyncadd.s32 $0xFFFFE000  }
0x71: {  	[tilespmem:s12], [sflag:$0x1] =	stream.indirect.gather [hbm4b:s1+s15], $0x40, s29, s15, $0xb8;
	[tilespmem:$0xEA00] =	vst v63  }
0x72: {  	_ =	swait.ge [sflag:s20], $0x2000  }
0x73: {  	[sflag:s20] =	ssyncset.done $0x0  }
0x74: {  	[sflag:s20] =	ssyncadd.s32 $0xFFFFE000  }
0x75: {  	[tilespmem:s16], [sflag:$0x2] =	stream.indirect.gather [hbm4b:s1+s15], $0x40, s30, s15, $0xb8;
	[tilespmem:$0xEA00] =	vst v63  }
0x76: {  	_ =	swait.ge [sflag:s17], $0x2000  }
0x77: {  	[sflag:s17] =	ssyncset.done $0x0  }
0x78: {  	[sflag:s17] =	ssyncadd.s32 $0xFFFFE000  }
0x79: {  	[spmem:s3] =	stream.indirect.scatter.add.bf16 [tilespmem:s12], [sflag:$0x3], $0x40, s31, s15, $0xb8;
	[tilespmem:$0xEA00] =	vst v63  }
0x7a: {  	_ =	swait.ge [sflag:s18], $0x2000  }
0x7b: {  	[sflag:s18] =	ssyncset.done $0x0  }
0x7c: {  	[sflag:s18] =	ssyncadd.s32 $0xFFFFE000  }
0x7d: {  	[spmem:s3] =	stream.indirect.scatter.add.bf16 [tilespmem:s16], [sflag:$0x4], $0x40, s2, s15, $0xb8;
	[tilespmem:$0xEA00] =	vst v63  }
0x7e: {  	_ =	swait.ge [sflag:s19], $0x2000  }
0x7f: {  	[sflag:s19] =	ssyncset.done $0x0  }
0x80: {  	[sflag:s19] =	ssyncadd.s32 $0xFFFFE000  }
0x81: {  	[tilespmem:s12], [sflag:$0x1] =	stream.indirect.gather [hbm4b:s1+s15], $0x40, s0, s15, $0xb8;
	[tilespmem:$0xEA00] =	vst v63  }
0x82: {  	_ =	swait.ge [sflag:s20], $0x2000  }
0x83: {  	[sflag:s20] =	ssyncset.done $0x0  }
0x84: {  	[sflag:s20] =	ssyncadd.s32 $0xFFFFE000  }
0x85: {  	[tilespmem:s16], [sflag:$0x2] =	stream.indirect.gather [hbm4b:s1+s15], $0x40, s6, s15, $0xb8;
	[tilespmem:$0xEA00] =	vst v63  }
0x86: {  	_ =	swait.ge [sflag:s17], $0x2000  }
0x87: {  	[sflag:s17] =	ssyncset.done $0x0  }
0x88: {  	[sflag:s17] =	ssyncadd.s32 $0xFFFFE000  }
0x89: {  	[spmem:s3] =	stream.indirect.scatter.add.bf16 [tilespmem:s12], [sflag:$0x3], $0x40, s7, s15, $0xb8;
	[tilespmem:$0xEA00] =	vst v63  }
0x8a: {  	_ =	swait.ge [sflag:s18], $0x2000  }
0x8b: {  	[sflag:s18] =	ssyncset.done $0x0  }
0x8c: {  	[sflag:s18] =	ssyncadd.s32 $0xFFFFE000  }
0x8d: {  	[spmem:s3] =	stream.indirect.scatter.add.bf16 [tilespmem:s16], [sflag:$0x4], $0x40, s8, s15, $0xb8;
	[tilespmem:$0xEA00] =	vst v63  }
0x8e: {  	_ =	swait.ge [sflag:s19], $0x2000  }
0x8f: {  	[sflag:s19] =	ssyncset.done $0x0  }
0x90: {  	[sflag:s19] =	ssyncadd.s32 $0xFFFFE000  }
0x91: {  	_ =	swait.ge [sflag:s20], $0x2000  }
0x92: {  	s10 =	simm.s32 $0xA0;
	[sflag:s20] =	ssyncset.done $0x0  }
.LBB2_4:
0x93: {  	s5 =	rddreg [dreg:$0x5];
	s11 =	smov.u32 s10  }
0x94: {  	[sflag:s20] =	ssyncadd.s32 $0xFFFFE000;
	s5 =	sadd.s32 s11, s5  }
0x95: {  	[tilespmem:s4], [sflag:$0x5] =	stream.linear.gather [hbm4b:s5+s4], $0x500, $0x38;
	[tilespmem:$0xEA00] =	vst v63  }
0x96: {  	_ =	swait.ge [sflag:s13], $0x500  }
0x97: {  	s5 =	rddreg [dreg:$0x4];
	[sflag:s13] =	ssyncset.done $0x0  }
0x98: {  	[sflag:s13] =	ssyncadd.s32 $0xFFFFFB00;
	s5 =	sadd.s32 s11, s5  }
0x99: {  	[tilespmem:s14], [sflag:$0x5] =	stream.linear.gather [hbm4b:s5+s4], $0x500, $0x38;
	[tilespmem:$0xEA00] =	vst v63  }
0x9a: {  	_ =	swait.ge [sflag:s13], $0x500  }
0x9b: {  	[sflag:s13] =	ssyncset.done $0x0  }
0x9c: {  	[sflag:s13] =	ssyncadd.s32 $0xFFFFFB00  }
0x9d: {  	[tilespmem:s12], [sflag:$0x1] =	stream.indirect.gather [hbm4b:s1+s15], $0x40, s4, s15, $0xb8;
	[tilespmem:$0xEA00] =	vst v63  }
0x9e: {  	_ = 	snop  }
0x9f: {  	[tilespmem:s16], [sflag:$0x2] =	stream.indirect.gather [hbm4b:s1+s15], $0x40, s15, s15, $0xb8;
	[tilespmem:$0xEA00] =	vst v63  }
0xa0: {  	_ =	swait.ge [sflag:s17], $0x2000  }
0xa1: {  	[sflag:s17] =	ssyncset.done $0x0  }
0xa2: {  	[sflag:s17] =	ssyncadd.s32 $0xFFFFE000  }
0xa3: {  	[spmem:s3] =	stream.indirect.scatter.add.bf16 [tilespmem:s12], [sflag:$0x3], $0x40, s14, s15, $0xb8;
	[tilespmem:$0xEA00] =	vst v63  }
0xa4: {  	_ =	swait.ge [sflag:s18], $0x2000  }
0xa5: {  	[sflag:s18] =	ssyncset.done $0x0  }
0xa6: {  	s11 =	rddreg [dreg:$0x6];
	[sflag:s18] =	ssyncadd.s32 $0xFFFFE000  }
0xa7: {  	[spmem:s3] =	stream.indirect.scatter.add.bf16 [tilespmem:s16], [sflag:$0x4], $0x40, s11, s15, $0xb8;
	[tilespmem:$0xEA00] =	vst v63  }
0xa8: {  	_ =	swait.ge [sflag:s19], $0x2000  }
0xa9: {  	[sflag:s19] =	ssyncset.done $0x0  }
0xaa: {  	s11 =	rddreg [dreg:$0x7];
	[sflag:s19] =	ssyncadd.s32 $0xFFFFE000  }
0xab: {  	[tilespmem:s12], [sflag:$0x1] =	stream.indirect.gather [hbm4b:s1+s15], $0x40, s11, s15, $0xb8;
	[tilespmem:$0xEA00] =	vst v63  }
0xac: {  	_ =	swait.ge [sflag:s20], $0x2000  }
0xad: {  	[sflag:s20] =	ssyncset.done $0x0  }
0xae: {  	[sflag:s20] =	ssyncadd.s32 $0xFFFFE000  }
0xaf: {  	[tilespmem:s16], [sflag:$0x2] =	stream.indirect.gather [hbm4b:s1+s15], $0x40, s21, s15, $0xb8;
	[tilespmem:$0xEA00] =	vst v63  }
0xb0: {  	_ =	swait.ge [sflag:s17], $0x2000  }
0xb1: {  	[sflag:s17] =	ssyncset.done $0x0  }
0xb2: {  	[sflag:s17] =	ssyncadd.s32 $0xFFFFE000  }
0xb3: {  	[spmem:s3] =	stream.indirect.scatter.add.bf16 [tilespmem:s12], [sflag:$0x3], $0x40, s22, s15, $0xb8;
	[tilespmem:$0xEA00] =	vst v63  }
0xb4: {  	_ =	swait.ge [sflag:s18], $0x2000  }
0xb5: {  	[sflag:s18] =	ssyncset.done $0x0  }
0xb6: {  	[sflag:s18] =	ssyncadd.s32 $0xFFFFE000  }
0xb7: {  	[spmem:s3] =	stream.indirect.scatter.add.bf16 [tilespmem:s16], [sflag:$0x4], $0x40, s23, s15, $0xb8;
	[tilespmem:$0xEA00] =	vst v63  }
0xb8: {  	_ =	swait.ge [sflag:s19], $0x2000  }
0xb9: {  	[sflag:s19] =	ssyncset.done $0x0  }
0xba: {  	[sflag:s19] =	ssyncadd.s32 $0xFFFFE000  }
0xbb: {  	[tilespmem:s12], [sflag:$0x1] =	stream.indirect.gather [hbm4b:s1+s15], $0x40, s24, s15, $0xb8;
	[tilespmem:$0xEA00] =	vst v63  }
0xbc: {  	_ =	swait.ge [sflag:s20], $0x2000  }
0xbd: {  	[sflag:s20] =	ssyncset.done $0x0  }
0xbe: {  	[sflag:s20] =	ssyncadd.s32 $0xFFFFE000  }
0xbf: {  	[tilespmem:s16], [sflag:$0x2] =	stream.indirect.gather [hbm4b:s1+s15], $0x40, s25, s15, $0xb8;
	[tilespmem:$0xEA00] =	vst v63  }
0xc0: {  	_ =	swait.ge [sflag:s17], $0x2000  }
0xc1: {  	[sflag:s17] =	ssyncset.done $0x0  }
0xc2: {  	[sflag:s17] =	ssyncadd.s32 $0xFFFFE000  }
0xc3: {  	[spmem:s3] =	stream.indirect.scatter.add.bf16 [tilespmem:s12], [sflag:$0x3], $0x40, s26, s15, $0xb8;
	[tilespmem:$0xEA00] =	vst v63  }
0xc4: {  	_ =	swait.ge [sflag:s18], $0x2000  }
0xc5: {  	[sflag:s18] =	ssyncset.done $0x0  }
0xc6: {  	[sflag:s18] =	ssyncadd.s32 $0xFFFFE000  }
0xc7: {  	[spmem:s3] =	stream.indirect.scatter.add.bf16 [tilespmem:s16], [sflag:$0x4], $0x40, s28, s15, $0xb8;
	[tilespmem:$0xEA00] =	vst v63  }
0xc8: {  	_ =	swait.ge [sflag:s19], $0x2000  }
0xc9: {  	[sflag:s19] =	ssyncset.done $0x0  }
0xca: {  	[sflag:s19] =	ssyncadd.s32 $0xFFFFE000  }
0xcb: {  	[tilespmem:s12], [sflag:$0x1] =	stream.indirect.gather [hbm4b:s1+s15], $0x40, s29, s15, $0xb8;
	[tilespmem:$0xEA00] =	vst v63  }
0xcc: {  	_ =	swait.ge [sflag:s20], $0x2000  }
0xcd: {  	[sflag:s20] =	ssyncset.done $0x0  }
0xce: {  	[sflag:s20] =	ssyncadd.s32 $0xFFFFE000  }
0xcf: {  	[tilespmem:s16], [sflag:$0x2] =	stream.indirect.gather [hbm4b:s1+s15], $0x40, s30, s15, $0xb8;
	[tilespmem:$0xEA00] =	vst v63  }
0xd0: {  	_ =	swait.ge [sflag:s17], $0x2000  }
0xd1: {  	[sflag:s17] =	ssyncset.done $0x0  }
0xd2: {  	[sflag:s17] =	ssyncadd.s32 $0xFFFFE000  }
0xd3: {  	[spmem:s3] =	stream.indirect.scatter.add.bf16 [tilespmem:s12], [sflag:$0x3], $0x40, s31, s15, $0xb8;
	[tilespmem:$0xEA00] =	vst v63  }
0xd4: {  	_ =	swait.ge [sflag:s18], $0x2000  }
0xd5: {  	[sflag:s18] =	ssyncset.done $0x0  }
0xd6: {  	[sflag:s18] =	ssyncadd.s32 $0xFFFFE000  }
0xd7: {  	[spmem:s3] =	stream.indirect.scatter.add.bf16 [tilespmem:s16], [sflag:$0x4], $0x40, s2, s15, $0xb8;
	[tilespmem:$0xEA00] =	vst v63  }
0xd8: {  	_ =	swait.ge [sflag:s19], $0x2000  }
0xd9: {  	[sflag:s19] =	ssyncset.done $0x0  }
0xda: {  	[sflag:s19] =	ssyncadd.s32 $0xFFFFE000  }
0xdb: {  	[tilespmem:s12], [sflag:$0x1] =	stream.indirect.gather [hbm4b:s1+s15], $0x40, s0, s15, $0xb8;
	[tilespmem:$0xEA00] =	vst v63  }
0xdc: {  	_ =	swait.ge [sflag:s20], $0x2000  }
0xdd: {  	[sflag:s20] =	ssyncset.done $0x0  }
0xde: {  	[sflag:s20] =	ssyncadd.s32 $0xFFFFE000  }
0xdf: {  	[tilespmem:s16], [sflag:$0x2] =	stream.indirect.gather [hbm4b:s1+s15], $0x40, s6, s15, $0xb8;
	[tilespmem:$0xEA00] =	vst v63  }
0xe0: {  	_ =	swait.ge [sflag:s17], $0x2000  }
0xe1: {  	[sflag:s17] =	ssyncset.done $0x0  }
0xe2: {  	[sflag:s17] =	ssyncadd.s32 $0xFFFFE000  }
0xe3: {  	[spmem:s3] =	stream.indirect.scatter.add.bf16 [tilespmem:s12], [sflag:$0x3], $0x40, s7, s15, $0xb8;
	[tilespmem:$0xEA00] =	vst v63  }
0xe4: {  	_ =	swait.ge [sflag:s18], $0x2000  }
0xe5: {  	[sflag:s18] =	ssyncset.done $0x0  }
0xe6: {  	p0 =	sne.s32 s10, $0x460;
	[sflag:s18] =	ssyncadd.s32 $0xFFFFE000  }
0xe7: {  	[spmem:s3] =	stream.indirect.scatter.add.bf16 [tilespmem:s16], [sflag:$0x4], $0x40, s8, s15, $0xb8;
	[tilespmem:$0xEA00] =	vst v63  }
.Ltmp1:
0xe8: {  	_ =	swait.ge [sflag:s19], $0x2000;
	(pc) =	sbr.rel @p0 .LBB2_4-.Ltmp1, $4  }
0xe9: {  	[sflag:s19] =	ssyncset.done $0x0  }
0xea: {  	[sflag:s19] =	ssyncadd.s32 $0xFFFFE000  }
0xeb: {  	_ =	swait.ge [sflag:s20], $0x2000  }
0xec: {  	s10 =	sadd.s32 $0xA0, s10;
	[sflag:s20] =	ssyncset.done $0x0  }
0xed: {  	[sflag:s20] =	ssyncadd.s32 $0xFFFFE000  }
0xee: {  	s5 =	stileid.u32;
	[bflag:$0x0] =	sbarrier.arrive $0xFFFF  }
0xef: {  	s5 =	sshll.u32 s5, $0x6;
	s10 =	rddreg [dreg:$0x8]  }
0xf0: {  	s5 =	sor.u32 $0x1C05, s5;
	s11 =	rddreg [dreg:$0xd];
	s10 =	sshrl.u32 s10, $0x3  }
0xf1: {  	[hbm:s11], [sflag:s5] =	dma.local [spmem:s10], $0x1400  }
0xf2: {  	_ =	swait.ge [sflag:s13], $0x1400  }
0xf3: {  	s9 =	sadd.s32 $0x1, s9;
	s11 =	rddreg [dreg:$0xe]  }
0xf4: {  	p0 =	sne.s32 s9, s11  }
.Ltmp2:
0xf5: {  	_ = 	snop;
	(pc) =	sbr.rel @p0 .LBB2_1-.Ltmp2, $3  }
0xf6: {  	_ =	sdelay $0x1  }
0xf7: {  	[sflag:s13] =	ssyncset.done $0x0  }
0xf8: {  	[sflag:s13] =	ssyncadd.s32 $0xFFFFEC00  }
0xf9: {  	_ =	sfence.sel $0x180000  }
0xfa: {  	[bflag:$0x0] =	sbarrier.arrive $0xFFFF  }
0xfb: {  	_ =	strace $0x9000004D  }
0xfc: {  	s0 =	stileid.u32;
	[bflag:$0x2] =	sbarrier.arrive $0xFFFF  }
0xfd: {  	p0 =	sne.s32 s0, $0x0;
	s0 =	rddreg [dreg:$0x3]  }
0xfe: {  	s0 =	sadd.s32 @!p0 $0x100000, s0  }
0xff: {  	[sflag:s0] =	ssyncadd.tile.s32 @!p0 $0x1;
	_ =	shalt  }
.Lfunc_end2:
_tile_overlayer_lowered:
.L_overlay_start_2:
0x100: {  	(tag) =	ssettag $0x2  }
0x101: {  	s0 =	rddreg [dreg:$0x0];
	s2 =	stileid.u32  }
0x102: {  	s1 =	rddreg [dreg:$0x1];
	p0 =	sne.s32 s2, $0x0  }
0x103: {  	s3 =	rddreg [dreg:$0x2];
	[bflag:$0x3] =	sbarrier.arrive $0xFFFF;
	s2 =	simm.s32 @!p0 $0x1C05  }
0x104: {  	[timem:s3], [sflag:s2] =	dma.local @!p0 [hbm:s0], s1  }
0x105: {  	s0 =	simm.s32 @!p0 $0x5  }
0x106: {  	_ =	swait.ge @!p0 [sflag:s0], s1  }
0x107: {  	s1 =	ssub.s32 @!p0 $0x0, s1;
	[sflag:s0] =	ssyncset.done @!p0 $0x0  }
0x108: {  	[sflag:s0] =	ssyncadd.s32 @!p0 s1  }
0x109: {  	[bflag:$0x3] =	sbarrier.arrive $0xFFFF  }
0x10a: {  	_ =	shalt  }

// kernel: kernel.8.cloned.1.call-start
scs
__scs_entry_jumppad:
0x0: {  	(pc) =	sbr.rel $0x88, $3  }
0x1: {  	(tag) =	ssettag $0x0;
	lr =	simm.s32 $0x1  }
0x2: {  	[smem:$0x3F96] =	sst lr;
	_ =	strace $0xD0000000  }
0x3: {  	_ = 	snop  }
0x4: {  	_ = 	snop  }
0x5: {  	_ = 	snop  }
0x6: {  	_ = 	snop  }
0x7: {  	_ = 	snop  }
__scs_overlays_trampoline_lowered:
0x8: {  	[smem:$0x3FA5] =	sst s0  }
0x9: {  	[smem:$0x3FA6] =	sst s1  }
0xa: {  	[smem:$0x3FA7] =	sst s2  }
0xb: {  	[smem:$0x3FA8] =	sst s3  }
0xc: {  	[smem:$0x3FA9] =	sst s4  }
0xd: {  	[smem:$0x3FAA] =	sst s5  }
0xe: {  	[smem:$0x3FAB] =	sst s6  }
0xf: {  	[smem:$0x3FAC] =	sst s7  }
0x10: {  	[smem:$0x3FAD] =	sst s8  }
0x11: {  	[smem:$0x3FAE] =	sst s9;
	s0 =	simm.s32 @!p0 $0x0  }
0x12: {  	s1 =	sld [smem:$0x3F94];
	s0 =	simm.s32 @p0 $0x1  }
0x13: {  	[smem:$0x3FAF] =	sst s0;
	s0 =	simm.s32 @!p1 $0x0  }
0x14: {  	s2 =	sld [smem:$0x3F93];
	s0 =	simm.s32 @p1 $0x1  }
0x15: {  	[smem:$0x3FB0] =	sst s0;
	s0 =	simm.s32 @!p2 $0x0  }
0x16: {  	s3 =	sld [smem:$0x3FDB];
	s0 =	simm.s32 @p2 $0x1  }
0x17: {  	s4 =	simm.s32 $0x1BF5;
	[smem:$0x3FB2] =	sst s0  }
0x18: {  	s0 =	sld [smem:$0x3F95];
	_ =	swait.ge [sflag:s4], $0x0  }
0x19: {  	s7 =	sld [smem:$0x3F96]  }
0x1a: {  	s8 =	sadd.s32 $0xFFFFE003, lr  }
0x1b: {  	s9 =	sadd.s32 $0xFFFFFEF7, lr;
	s5 =	simm.s32 $0xFFFFFFFF;
	p2 =	slt.u32 s8, $0xFFFFF086  }
0x1c: {  	p1 =	slt.u32 s9, $0xF7A;
	s5 =	simm.s32 @!p2 $0x0  }
0x1d: {  	s5 =	simm.s32 @p1 $0x1;
	p0 =	seq.s32 s7, s2  }
0x1e: {  	s7 =	smul.u32 @!p0 $0xF7A, s2;
	p2 =	seq.s32 @!p0 s5, $0x0  }
0x1f: {  	s9 =	smul.u32 $0xF7A, s1;
	s8 =	simm.s32 @!p0 $0x1BF5;
	p2 =	por !p2, p0  }
0x20: {  	[sflag:s8] =	ssyncset.s32 @!p0 $0xFFFFF086;
	s6 =	sadd.s32 @!p0 s3, s7;
	s7 =	simm.s32 @!p0 $0x108  }
0x21: {  	s3 =	sadd.s32 s3, s9;
	s6 =	sadd.s32 @!p0 $0x88, s6;
	s7 =	simm.s32 @p2 $0x1082  }
0x22: {  	[simem:s7], [sflag:s8] =	dma.local @!p0 [hbm:s6], $0xF7A  }
0x23: {  	s9 =	sor.u32 $0xD0000000, s2;
	s6 =	simm.s32 $0x108;
	_ =	swait.ge @!p0 [sflag:s8], $0x0  }
0x24: {  	s3 =	sadd.s32 $0x88, s3;
	s6 =	simm.s32 @!p1 $0x1082;
	[sflag:s4] =	ssyncset.s32 $0xFFFFF086  }
0x25: {  	[simem:s6], [sflag:s4] =	dma.local [hbm:s3], $0xF7A  }
0x26: {  	[smem:$0x3F96] =	sst s1;
	(tag) =	ssettag s2;
	_ =	strace s9  }
0x27: {  	s1 =	sld [smem:$0x3FA6]  }
0x28: {  	s2 =	sld [smem:$0x3FA7]  }
0x29: {  	s4 =	sld [smem:$0x3FA9]  }
0x2a: {  	p0 =	seq.s32 s5, $0x0;
	s5 =	sld [smem:$0x3FAA]  }
0x2b: {  	s6 =	sld [smem:$0x3FAB]  }
0x2c: {  	s7 =	sld [smem:$0x3FAC]  }
0x2d: {  	s3 =	simm.s32 $0x108;
	s8 =	sld [smem:$0x3FAD]  }
0x2e: {  	s3 =	simm.s32 @!p0 $0x1082;
	s9 =	sld [smem:$0x3FAE]  }
0x2f: {  	lr =	sadd.s32 s0, s3;
	s0 =	sld [smem:$0x3FA5]  }
0x30: {  	s3 =	sld [smem:$0x3FA8]  }
0x31: {  	[smem:$0x3FB1] =	sst s10  }
0x32: {  	s10 =	sld [smem:$0x3FAF];
	_ =	sdelay $0x3  }
0x33: {  	p0 =	seq.s32 s10, $0x1;
	s10 =	sld [smem:$0x3FB1];
	_ =	sdelay $0x3  }
0x34: {  	[smem:$0x3FB1] =	sst s10  }
0x35: {  	s10 =	sld [smem:$0x3FB0];
	_ =	sdelay $0x3  }
0x36: {  	p1 =	seq.s32 s10, $0x1;
	s10 =	sld [smem:$0x3FB1];
	_ =	sdelay $0x3  }
0x37: {  	[smem:$0x3FB1] =	sst s10  }
0x38: {  	s10 =	sld [smem:$0x3FB2]  }
0x39: {  	_ = 	snop;
	(pc) =	sbr.ind lr, $3  }
0x3a: {  	_ = 	snop  }
0x3b: {  	_ = 	snop  }
0x3c: {  	p2 =	seq.s32 s10, $0x1;
	s10 =	sld [smem:$0x3FB1]  }
0x3d: {  	_ =	shalt  }
0x3e: {  	_ =	shalt  }
0x3f: {  	_ =	shalt  }
0x40: {  	_ =	shalt  }
0x41: {  	_ =	shalt  }
0x42: {  	_ =	shalt  }
0x43: {  	_ =	shalt  }
0x44: {  	_ =	shalt  }
0x45: {  	_ =	shalt  }
0x46: {  	_ =	shalt  }
0x47: {  	_ =	shalt  }
0x48: {  	_ =	shalt  }
0x49: {  	_ =	shalt  }
0x4a: {  	_ =	shalt  }
0x4b: {  	_ =	shalt  }
0x4c: {  	_ =	shalt  }
0x4d: {  	_ =	shalt  }
0x4e: {  	_ =	shalt  }
0x4f: {  	_ =	shalt  }
0x50: {  	_ =	shalt  }
0x51: {  	_ =	shalt  }
0x52: {  	_ =	shalt  }
0x53: {  	_ =	shalt  }
0x54: {  	_ =	shalt  }
0x55: {  	_ =	shalt  }
0x56: {  	_ =	shalt  }
0x57: {  	_ =	shalt  }
0x58: {  	_ =	shalt  }
0x59: {  	_ =	shalt  }
0x5a: {  	_ =	shalt  }
0x5b: {  	_ =	shalt  }
0x5c: {  	_ =	shalt  }
0x5d: {  	_ =	shalt  }
0x5e: {  	_ =	shalt  }
0x5f: {  	_ =	shalt  }
0x60: {  	_ =	shalt  }
0x61: {  	_ =	shalt  }
0x62: {  	_ =	shalt  }
0x63: {  	_ =	shalt  }
0x64: {  	_ =	shalt  }
0x65: {  	_ =	shalt  }
0x66: {  	_ =	shalt  }
0x67: {  	_ =	shalt  }
0x68: {  	_ =	shalt  }
0x69: {  	_ =	shalt  }
0x6a: {  	_ =	shalt  }
0x6b: {  	_ =	shalt  }
0x6c: {  	_ =	shalt  }
0x6d: {  	_ =	shalt  }
0x6e: {  	_ =	shalt  }
0x6f: {  	_ =	shalt  }
0x70: {  	_ =	shalt  }
0x71: {  	_ =	shalt  }
0x72: {  	_ =	shalt  }
0x73: {  	_ =	shalt  }
0x74: {  	_ =	shalt  }
0x75: {  	_ =	shalt  }
0x76: {  	_ =	shalt  }
0x77: {  	_ =	shalt  }
0x78: {  	_ =	shalt  }
0x79: {  	_ =	shalt  }
0x7a: {  	_ =	shalt  }
0x7b: {  	_ =	shalt  }
0x7c: {  	_ =	shalt  }
0x7d: {  	_ =	shalt  }
0x7e: {  	_ =	shalt  }
0x7f: {  	_ =	shalt  }
0x80: {  	_ =	shalt  }
0x81: {  	_ =	shalt  }
0x82: {  	_ =	shalt  }
0x83: {  	_ =	shalt  }
0x84: {  	_ =	shalt  }
0x85: {  	_ =	shalt  }
0x86: {  	_ =	shalt  }
0x87: {  	_ =	shalt  }
.Lfunc_end0:
.L_simem_size_0:
called_computation_lowered:
.L_overlay_start_0:
0x88: {  	s2 =	sld [smem:$0x3FD9]  }
0x89: {  	s3 =	sld [smem:$0x3FFE];
	_ =	sdelay $0x1  }
0x8a: {  	s1 =	srdreg.scid  }
0x8b: {  	s0 =	sand.u32 $0x1, s1  }
0x8c: {  	s17 =	sshll.u32 s0, $0xA;
	s2 =	sadd.s32 s3, s2  }
0x8d: {  	s2 =	sadd.s32 s2, s17  }
0x8e: {  	[smem:$0x3FBD] =	sst s2  }
0x8f: {  	_ = 	snop  }
0x90: {  	s2 =	sld [smem:$0x3FD0];
	(tm) =	ssettm $0x1  }
0x91: {  	s18 =	sld [smem:$0x3FFB];
	_ =	sdelay $0x3  }
0x92: {  	_ =	strace s18  }
0x93: {  	s3 =	sld [smem:$0x3FFC];
	_ =	sdelay $0x3  }
0x94: {  	_ =	strace s3  }
0x95: {  	s3 =	sld [smem:$0x3FFD];
	_ =	sdelay $0x3  }
0x96: {  	_ =	strace s3  }
0x97: {  	_ =	strace $0x8FFFFFFF  }
0x98: {  	s19 =	sld [smem:$0x3FDB];
	_ =	sdelay $0x1  }
0x99: {  	s4 =	simm.s32 $_scs_section_size  }
0x9a: {  	s5 =	simm.s32 $_size__tile_overlayer_lowered;
	s6 =	simm.s32 $_tile_overlayer_lowered  }
0x9b: {  	s22 =	simm.s32 $0x1BFF;
	s21 =	sshll.u32 s6, $0x1;
	s3 =	sadd.s32 s4, s19  }
0x9c: {  	s7 =	simm.s32 $0x0;
	s20 =	sshll.u32 s5, $0x1;
	s5 =	sadd.s32 s21, s3  }
0x9d: {  	[timem:s7], [sflag:s22] =	dma.local [hbm:s5], s20  }
0x9e: {  	_ =	swait.ge [sflag:s22], s20  }
0x9f: {  	s4 =	ssub.s32 $0x0, s20;
	[sflag:s22] =	ssyncset.done $0x0  }
0xa0: {  	[sflag:s22] =	ssyncadd.s32 s4;
	_ =	sdelay $0x1  }
0xa1: {  	s23 =	simm.s32 $0x1B8B  }
0xa2: {  	_ =	swait.ge [sflag:s23], $0x1  }
0xa3: {  	[sflag:s23] =	ssyncset.done $0x0  }
0xa4: {  	s25 =	simm.s32 $0x1B8E;
	s24 =	sld [smem:$0x3FFE];
	[sflag:s23] =	ssyncadd.s32 $0xFFFFFFFF  }
0xa5: {  	s26 =	simm.s32 $execute0_lowered;
	[smem:$0x3FD2] =	sst s25  }
0xa6: {  	s5 =	sshll.u32 s26, $0x1;
	_ =	strace $0x80000046;
	[dreg:$0x1] =	wrdreg $0xFFFFFFFF  }
0xa7: {  	s28 =	simm.s32 $_size_execute0_lowered;
	s3 =	sadd.s32 s3, s5;
	[dreg:$0x0] =	wrdreg $0x0  }
0xa8: {  	s5 =	sshll.u32 s28, $0x1;
	[dreg:$0x2] =	wrdreg s3  }
0xa9: {  	[dreg:$0x3] =	wrdreg s5  }
0xaa: {  	[dreg:$0x4] =	wrdreg $0xC0  }
0xab: {  	_ =	task [dreg:s7], $0x5FFFF  }
0xac: {  	[dreg:$0x1] =	wrdreg $0xFFFFFFFF  }
0xad: {  	[dreg:$0x0] =	wrdreg $0x60  }
0xae: {  	[dreg:$0x2] =	wrdreg s2  }
0xaf: {  	[dreg:$0x3] =	wrdreg s24  }
0xb0: {  	[dreg:$0x4] =	wrdreg $0x5A000  }
0xb1: {  	[dreg:$0x5] =	wrdreg $0x9  }
0xb2: {  	_ =	task.clear_ibuf [dreg:s7], $0x6FFFF;
	_ =	strace $0x90000046  }
0xb3: {  	s29 =	simm.s32 $0x9;
	_ =	strace $0x80000048  }
0xb4: {  	_ =	swait.ge [sflag:s29], $0x1  }
0xb5: {  	[sflag:s29] =	ssyncadd.s32 $0xFFFFFFFF  }
0xb6: {  	_ =	strace $0x90000048  }
0xb7: {  	_ =	sfence  }
0xb8: {  	s30 =	sld [smem:$0x0];
	_ =	sdelay $0x2  }
0xb9: {  	s31 =	sshll.u32 s1, $0xD;
	s1 =	sshrl.u32 s1, $0x2  }
0xba: {  	s3 =	sand.u32 $0x4000, s31;
	s1 =	sadd.s32 s1, s30  }
0xbb: {  	s0 =	sor.u32 s3, s0;
	s1 =	sshll.u32 s1, $0x11  }
0xbc: {  	s0 =	sor.u32 s1, s0  }
0xbd: {  	s0 =	sadd.s32 $0x8F2B, s0  }
0xbe: {  	[sflag:s0] =	ssyncadd.remote.s32 $0x1  }
0xbf: {  	_ =	sfence.sel $0xFFFF  }
0xc0: {  	[dreg:$0x0] =	wrdreg $0xFFFFFFFF;
	(pc) =	sbr.abs _section_cstart, $3  }
0xc1: {  	[dreg:$0x1] =	wrdreg $0xFFFFFFFF  }
0xc2: {  	_ =	task.clear_ibuf [dreg:s7], $0x2FFFF;
	_ =	strace $0x9FFFFFFF  }
0xc3: {  	(tm) =	ssettm $0x7FFFFFFF  }
tec
execute0_lowered:
.L_overlay_start_1:
0x0: {  	(tag) =	ssettag $0x1  }
0x1: {  	s0 =	srdreg.scid;
	s1 =	rddreg [dreg:$0x0]  }
0x2: {  	s9 =	stileid.u32;
	s5 =	rddreg [dreg:$0x1]  }
0x3: {  	s3 =	rddreg [dreg:$0x2];
	s4 =	simm.s32 $0x0;
	s12 =	simm.s32 $0xA00  }
0x4: {  	s25 =	simm.s32 $0x580;
	s26 =	simm.s32 $0x180;
	s28 =	simm.s32 $0x780  }
0x5: {  	s29 =	simm.s32 $0x300;
	s30 =	simm.s32 $0x380;
	s6 =	smul.u32 $0x2800, s9  }
0x6: {  	s31 =	simm.s32 $0x800;
	s0 =	sand.u32 $0x1, s0;
	s7 =	smul.u32 $0x19000, s9  }
0x7: {  	[smem:$0x7FF] =	sst s4;
	s14 =	smul.u32 $0x32000, s9;
	s9 =	simm.s32 $0x0  }
0x8: {  	s2 =	smul.u32 $0x28000, s0;
	_ =	strace $0x80000047;
	[dreg:$0x6] =	wrdreg s25  }
0x9: {  	s8 =	smul.u32 $0x190000, s0;
	s0 =	ssub.s32 $0x2, s0;
	[dreg:$0x7] =	wrdreg s26  }
0xa: {  	s25 =	simm.s32 $0x280;
	s26 =	simm.s32 $0x700;
	s15 =	sshrl.u32 s0, $0x1  }
0xb: {  	s2 =	sadd.s32 s6, s2;
	s13 =	sadd.s32 s7, s8;
	s7 =	sshrl.u32 s7, $0x1  }
0xc: {  	s8 =	sshrl.u32 s14, $0x2;
	s0 =	ssub.s32 s0, s15;
	s14 =	simm.s32 $0x500  }
0xd: {  	s15 =	simm.s32 $0x80;
	s2 =	sshrl.u32 s2, $0x3;
	s6 =	sshrl.u32 s13, $0x4  }
0xe: {  	s16 =	sadd.s32 s7, s3;
	s17 =	sadd.s32 s8, s3;
	s0 =	smax.u32 s0, $0x1  }
0xf: {  	s13 =	simm.s32 $0x5;
	s7 =	simm.s32 $0x900;
	[dreg:$0x8] =	wrdreg s16  }
0x10: {  	s8 =	simm.s32 $0x980;
	s18 =	sadd.s32 $0x2800, s17;
	[dreg:$0xe] =	wrdreg s0  }
0x11: {  	s2 =	sadd.s32 s2, s5;
	s19 =	sadd.s32 $0x5000, s17;
	[dreg:$0x9] =	wrdreg s18  }
0x12: {  	s6 =	sadd.s32 s6, s5;
	s20 =	sadd.s32 $0x7800, s17;
	[dreg:$0xa] =	wrdreg s19  }
0x13: {  	s21 =	sadd.s32 $0xA000, s17;
	s16 =	simm.s32 $0x3200;
	[dreg:$0xb] =	wrdreg s20  }
0x14: {  	s17 =	simm.s32 $0x1;
	s0 =	simm.s32 $0x400;
	[dreg:$0xc] =	wrdreg s21  }
0x15: {  	s22 =	sadd.s32 $0x16600, s6;
	s23 =	sadd.s32 $0x2600, s2;
	s24 =	sadd.s32 $0xC600, s2  }
0x16: {  	s18 =	simm.s32 $0x2;
	s19 =	simm.s32 $0x3;
	[dreg:$0xd] =	wrdreg s22  }
0x17: {  	s20 =	simm.s32 $0x100;
	s21 =	simm.s32 $0x4;
	[dreg:$0x4] =	wrdreg s23  }
0x18: {  	s2 =	simm.s32 $0x880;
	s6 =	simm.s32 $0x480;
	[dreg:$0x5] =	wrdreg s24  }
0x19: {  	v0 =	vimm.bf16 $0.0e+00;
	s22 =	simm.s32 $0x600;
	s23 =	simm.s32 $0x680;
	s24 =	simm.s32 $0x200  }
.LBB2_1:
0x1a: {  	s11 =	simm.s32 $0x240;
	s10 =	simm.s32 $0x40  }
.LBB2_2:
0x1b: {  	p0 =	sne.s32 s11, $0x9FC0;
	[tilespmem:s10+$0xA00] =	vst v0;
	s5 =	smov.u32 s11;
	s11 =	sadd.s32 $0x140, s11  }
.Ltmp0:
0x1c: {  	[tilespmem:s10+$0x9F0] =	vst v0;
	(pc) =	sbr.rel @p0 .LBB2_2-.Ltmp0, $4  }
0x1d: {  	[tilespmem:s10+$0x9E0] =	vst v0  }
0x1e: {  	[tilespmem:s10+$0x9C0] =	vst v0  }
0x1f: {  	[tilespmem:s10+$0x9D0] =	vst v0  }
0x20: {  	s10 =	sshra.s32 s5, $0x2  }
0x21: {  	[tilespmem:s10+$0xA00] =	vst v0  }
0x22: {  	[tilespmem:s10+$0x9F0] =	vst v0  }
0x23: {  	[tilespmem:s10+$0x9E0] =	vst v0  }
0x24: {  	[tilespmem:s10+$0x9C0] =	vst v0  }
0x25: {  	[tilespmem:s10+$0x9D0] =	vst v0;
	s5 =	rddreg [dreg:$0x8]  }
0x26: {  	[spmem:s5] =	stream.linear.scatter [tilespmem:s12], [sflag:$0x5], $0x2800, $0x38;
	[tilespmem:$0x12200] =	vst v63  }
0x27: {  	_ =	swait.ge [sflag:s13], $0x2800  }
0x28: {  	[sflag:s13] =	ssyncset.done $0x0  }
0x29: {  	s10 =	rddreg [dreg:$0x9];
	[sflag:s13] =	ssyncadd.s32 $0xFFFFD800  }
0x2a: {  	[spmem:s10] =	stream.linear.scatter [tilespmem:s12], [sflag:$0x5], $0x2800, $0x38;
	[tilespmem:$0x12200] =	vst v63  }
0x2b: {  	_ =	swait.ge [sflag:s13], $0x2800  }
0x2c: {  	[sflag:s13] =	ssyncset.done $0x0  }
0x2d: {  	s11 =	rddreg [dreg:$0xa];
	[sflag:s13] =	ssyncadd.s32 $0xFFFFD800  }
0x2e: {  	[spmem:s11] =	stream.linear.scatter [tilespmem:s12], [sflag:$0x5], $0x2800, $0x38;
	[tilespmem:$0x12200] =	vst v63  }
0x2f: {  	_ =	swait.ge [sflag:s13], $0x2800  }
0x30: {  	[sflag:s13] =	ssyncset.done $0x0  }
0x31: {  	s10 =	rddreg [dreg:$0xb];
	[sflag:s13] =	ssyncadd.s32 $0xFFFFD800  }
0x32: {  	[spmem:s10] =	stream.linear.scatter [tilespmem:s12], [sflag:$0x5], $0x2800, $0x38;
	[tilespmem:$0x12200] =	vst v63  }
0x33: {  	_ =	swait.ge [sflag:s13], $0x2800  }
0x34: {  	[sflag:s13] =	ssyncset.done $0x0  }
0x35: {  	s11 =	rddreg [dreg:$0xc];
	[sflag:s13] =	ssyncadd.s32 $0xFFFFD800  }
0x36: {  	[spmem:s11] =	stream.linear.scatter [tilespmem:s12], [sflag:$0x5], $0x2800, $0x38;
	[tilespmem:$0x12200] =	vst v63  }
0x37: {  	_ =	swait.ge [sflag:s13], $0x2800  }
0x38: {  	[sflag:s13] =	ssyncset.done $0x0  }
0x39: {  	[sflag:s13] =	ssyncadd.s32 $0xFFFFD800  }
0x3a: {  	[bflag:$0x0] =	sbarrier.arrive $0xFFFF  }
0x3b: {  	s10 =	rddreg [dreg:$0x5]  }
0x3c: {  	s5 =	sadd.s32 $0x0, s10  }
0x3d: {  	[tilespmem:s4], [sflag:$0x5] =	stream.linear.gather [hbm4b:s5+s4], $0x500, $0x38;
	[tilespmem:$0x12200] =	vst v63  }
0x3e: {  	_ =	swait.ge [sflag:s13], $0x500  }
0x3f: {  	s11 =	rddreg [dreg:$0x4];
	[sflag:s13] =	ssyncset.done $0x0  }
0x40: {  	[sflag:s13] =	ssyncadd.s32 $0xFFFFFB00;
	s5 =	sadd.s32 $0x0, s11  }
0x41: {  	[tilespmem:s14], [sflag:$0x5] =	stream.linear.gather [hbm4b:s5+s4], $0x500, $0x38;
	[tilespmem:$0x12200] =	vst v63  }
0x42: {  	_ =	swait.ge [sflag:s13], $0x500  }
0x43: {  	[sflag:s13] =	ssyncset.done $0x0  }
0x44: {  	[sflag:s13] =	ssyncadd.s32 $0xFFFFFB00  }
0x45: {  	[tilespmem:s12], [sflag:$0x1] =	stream.indirect.gather [hbm4b:s1+s15], $0x50, s4, s15, $0xb8;
	[tilespmem:$0x12200] =	vst v63  }
0x46: {  	_ = 	snop  }
0x47: {  	[tilespmem:s16], [sflag:$0x2] =	stream.indirect.gather [hbm4b:s1+s15], $0x50, s15, s15, $0xb8;
	[tilespmem:$0x12200] =	vst v63  }
0x48: {  	_ =	swait.ge [sflag:s17], $0x2800  }
0x49: {  	[sflag:s17] =	ssyncset.done $0x0  }
0x4a: {  	[sflag:s17] =	ssyncadd.s32 $0xFFFFD800  }
0x4b: {  	[spmem:s3] =	stream.indirect.scatter.add.bf16 [tilespmem:s12], [sflag:$0x3], $0x50, s14, s15, $0xb8;
	[tilespmem:$0x12200] =	vst v63  }
0x4c: {  	_ =	swait.ge [sflag:s18], $0x2800  }
0x4d: {  	[sflag:s18] =	ssyncset.done $0x0  }
0x4e: {  	s10 =	rddreg [dreg:$0x6];
	[sflag:s18] =	ssyncadd.s32 $0xFFFFD800  }
0x4f: {  	[spmem:s3] =	stream.indirect.scatter.add.bf16 [tilespmem:s16], [sflag:$0x4], $0x50, s10, s15, $0xb8;
	[tilespmem:$0x12200] =	vst v63  }
0x50: {  	_ =	swait.ge [sflag:s19], $0x2800  }
0x51: {  	[sflag:s19] =	ssyncset.done $0x0  }
0x52: {  	[sflag:s19] =	ssyncadd.s32 $0xFFFFD800  }
0x53: {  	[tilespmem:s12], [sflag:$0x1] =	stream.indirect.gather [hbm4b:s1+s15], $0x50, s20, s15, $0xb8;
	[tilespmem:$0x12200] =	vst v63  }
0x54: {  	_ =	swait.ge [sflag:s21], $0x2800  }
0x55: {  	[sflag:s21] =	ssyncset.done $0x0  }
0x56: {  	s11 =	rddreg [dreg:$0x7];
	[sflag:s21] =	ssyncadd.s32 $0xFFFFD800  }
0x57: {  	[tilespmem:s16], [sflag:$0x2] =	stream.indirect.gather [hbm4b:s1+s15], $0x50, s11, s15, $0xb8;
	[tilespmem:$0x12200] =	vst v63  }
0x58: {  	_ =	swait.ge [sflag:s17], $0x2800  }
0x59: {  	[sflag:s17] =	ssyncset.done $0x0  }
0x5a: {  	[sflag:s17] =	ssyncadd.s32 $0xFFFFD800  }
0x5b: {  	[spmem:s3] =	stream.indirect.scatter.add.bf16 [tilespmem:s12], [sflag:$0x3], $0x50, s22, s15, $0xb8;
	[tilespmem:$0x12200] =	vst v63  }
0x5c: {  	_ =	swait.ge [sflag:s18], $0x2800  }
0x5d: {  	[sflag:s18] =	ssyncset.done $0x0  }
0x5e: {  	[sflag:s18] =	ssyncadd.s32 $0xFFFFD800  }
0x5f: {  	[spmem:s3] =	stream.indirect.scatter.add.bf16 [tilespmem:s16], [sflag:$0x4], $0x50, s23, s15, $0xb8;
	[tilespmem:$0x12200] =	vst v63  }
0x60: {  	_ =	swait.ge [sflag:s19], $0x2800  }
0x61: {  	[sflag:s19] =	ssyncset.done $0x0  }
0x62: {  	[sflag:s19] =	ssyncadd.s32 $0xFFFFD800  }
0x63: {  	[tilespmem:s12], [sflag:$0x1] =	stream.indirect.gather [hbm4b:s1+s15], $0x50, s24, s15, $0xb8;
	[tilespmem:$0x12200] =	vst v63  }
0x64: {  	_ =	swait.ge [sflag:s21], $0x2800  }
0x65: {  	[sflag:s21] =	ssyncset.done $0x0  }
0x66: {  	[sflag:s21] =	ssyncadd.s32 $0xFFFFD800  }
0x67: {  	[tilespmem:s16], [sflag:$0x2] =	stream.indirect.gather [hbm4b:s1+s15], $0x50, s25, s15, $0xb8;
	[tilespmem:$0x12200] =	vst v63  }
0x68: {  	_ =	swait.ge [sflag:s17], $0x2800  }
0x69: {  	[sflag:s17] =	ssyncset.done $0x0  }
0x6a: {  	[sflag:s17] =	ssyncadd.s32 $0xFFFFD800  }
0x6b: {  	[spmem:s3] =	stream.indirect.scatter.add.bf16 [tilespmem:s12], [sflag:$0x3], $0x50, s26, s15, $0xb8;
	[tilespmem:$0x12200] =	vst v63  }
0x6c: {  	_ =	swait.ge [sflag:s18], $0x2800  }
0x6d: {  	[sflag:s18] =	ssyncset.done $0x0  }
0x6e: {  	[sflag:s18] =	ssyncadd.s32 $0xFFFFD800  }
0x6f: {  	[spmem:s3] =	stream.indirect.scatter.add.bf16 [tilespmem:s16], [sflag:$0x4], $0x50, s28, s15, $0xb8;
	[tilespmem:$0x12200] =	vst v63  }
0x70: {  	_ =	swait.ge [sflag:s19], $0x2800  }
0x71: {  	[sflag:s19] =	ssyncset.done $0x0  }
0x72: {  	[sflag:s19] =	ssyncadd.s32 $0xFFFFD800  }
0x73: {  	[tilespmem:s12], [sflag:$0x1] =	stream.indirect.gather [hbm4b:s1+s15], $0x50, s29, s15, $0xb8;
	[tilespmem:$0x12200] =	vst v63  }
0x74: {  	_ =	swait.ge [sflag:s21], $0x2800  }
0x75: {  	[sflag:s21] =	ssyncset.done $0x0  }
0x76: {  	[sflag:s21] =	ssyncadd.s32 $0xFFFFD800  }
0x77: {  	[tilespmem:s16], [sflag:$0x2] =	stream.indirect.gather [hbm4b:s1+s15], $0x50, s30, s15, $0xb8;
	[tilespmem:$0x12200] =	vst v63  }
0x78: {  	_ =	swait.ge [sflag:s17], $0x2800  }
0x79: {  	[sflag:s17] =	ssyncset.done $0x0  }
0x7a: {  	[sflag:s17] =	ssyncadd.s32 $0xFFFFD800  }
0x7b: {  	[spmem:s3] =	stream.indirect.scatter.add.bf16 [tilespmem:s12], [sflag:$0x3], $0x50, s31, s15, $0xb8;
	[tilespmem:$0x12200] =	vst v63  }
0x7c: {  	_ =	swait.ge [sflag:s18], $0x2800  }
0x7d: {  	[sflag:s18] =	ssyncset.done $0x0  }
0x7e: {  	[sflag:s18] =	ssyncadd.s32 $0xFFFFD800  }
0x7f: {  	[spmem:s3] =	stream.indirect.scatter.add.bf16 [tilespmem:s16], [sflag:$0x4], $0x50, s2, s15, $0xb8;
	[tilespmem:$0x12200] =	vst v63  }
0x80: {  	_ =	swait.ge [sflag:s19], $0x2800  }
0x81: {  	[sflag:s19] =	ssyncset.done $0x0  }
0x82: {  	[sflag:s19] =	ssyncadd.s32 $0xFFFFD800  }
0x83: {  	[tilespmem:s12], [sflag:$0x1] =	stream.indirect.gather [hbm4b:s1+s15], $0x50, s0, s15, $0xb8;
	[tilespmem:$0x12200] =	vst v63  }
0x84: {  	_ =	swait.ge [sflag:s21], $0x2800  }
0x85: {  	[sflag:s21] =	ssyncset.done $0x0  }
0x86: {  	[sflag:s21] =	ssyncadd.s32 $0xFFFFD800  }
0x87: {  	[tilespmem:s16], [sflag:$0x2] =	stream.indirect.gather [hbm4b:s1+s15], $0x50, s6, s15, $0xb8;
	[tilespmem:$0x12200] =	vst v63  }
0x88: {  	_ =	swait.ge [sflag:s17], $0x2800  }
0x89: {  	[sflag:s17] =	ssyncset.done $0x0  }
0x8a: {  	[sflag:s17] =	ssyncadd.s32 $0xFFFFD800  }
0x8b: {  	[spmem:s3] =	stream.indirect.scatter.add.bf16 [tilespmem:s12], [sflag:$0x3], $0x50, s7, s15, $0xb8;
	[tilespmem:$0x12200] =	vst v63  }
0x8c: {  	_ =	swait.ge [sflag:s18], $0x2800  }
0x8d: {  	[sflag:s18] =	ssyncset.done $0x0  }
0x8e: {  	[sflag:s18] =	ssyncadd.s32 $0xFFFFD800  }
0x8f: {  	[spmem:s3] =	stream.indirect.scatter.add.bf16 [tilespmem:s16], [sflag:$0x4], $0x50, s8, s15, $0xb8;
	[tilespmem:$0x12200] =	vst v63  }
0x90: {  	_ =	swait.ge [sflag:s19], $0x2800  }
0x91: {  	[sflag:s19] =	ssyncset.done $0x0  }
0x92: {  	[sflag:s19] =	ssyncadd.s32 $0xFFFFD800  }
0x93: {  	_ =	swait.ge [sflag:s21], $0x2800  }
0x94: {  	s10 =	simm.s32 $0xA0;
	[sflag:s21] =	ssyncset.done $0x0  }
.LBB2_4:
0x95: {  	s5 =	rddreg [dreg:$0x5];
	s11 =	smov.u32 s10  }
0x96: {  	[sflag:s21] =	ssyncadd.s32 $0xFFFFD800;
	s5 =	sadd.s32 s11, s5  }
0x97: {  	[tilespmem:s4], [sflag:$0x5] =	stream.linear.gather [hbm4b:s5+s4], $0x500, $0x38;
	[tilespmem:$0x12200] =	vst v63  }
0x98: {  	_ =	swait.ge [sflag:s13], $0x500  }
0x99: {  	s5 =	rddreg [dreg:$0x4];
	[sflag:s13] =	ssyncset.done $0x0  }
0x9a: {  	[sflag:s13] =	ssyncadd.s32 $0xFFFFFB00;
	s5 =	sadd.s32 s11, s5  }
0x9b: {  	[tilespmem:s14], [sflag:$0x5] =	stream.linear.gather [hbm4b:s5+s4], $0x500, $0x38;
	[tilespmem:$0x12200] =	vst v63  }
0x9c: {  	_ =	swait.ge [sflag:s13], $0x500  }
0x9d: {  	[sflag:s13] =	ssyncset.done $0x0  }
0x9e: {  	[sflag:s13] =	ssyncadd.s32 $0xFFFFFB00  }
0x9f: {  	[tilespmem:s12], [sflag:$0x1] =	stream.indirect.gather [hbm4b:s1+s15], $0x50, s4, s15, $0xb8;
	[tilespmem:$0x12200] =	vst v63  }
0xa0: {  	_ = 	snop  }
0xa1: {  	[tilespmem:s16], [sflag:$0x2] =	stream.indirect.gather [hbm4b:s1+s15], $0x50, s15, s15, $0xb8;
	[tilespmem:$0x12200] =	vst v63  }
0xa2: {  	_ =	swait.ge [sflag:s17], $0x2800  }
0xa3: {  	[sflag:s17] =	ssyncset.done $0x0  }
0xa4: {  	[sflag:s17] =	ssyncadd.s32 $0xFFFFD800  }
0xa5: {  	[spmem:s3] =	stream.indirect.scatter.add.bf16 [tilespmem:s12], [sflag:$0x3], $0x50, s14, s15, $0xb8;
	[tilespmem:$0x12200] =	vst v63  }
0xa6: {  	_ =	swait.ge [sflag:s18], $0x2800  }
0xa7: {  	[sflag:s18] =	ssyncset.done $0x0  }
0xa8: {  	s11 =	rddreg [dreg:$0x6];
	[sflag:s18] =	ssyncadd.s32 $0xFFFFD800  }
0xa9: {  	[spmem:s3] =	stream.indirect.scatter.add.bf16 [tilespmem:s16], [sflag:$0x4], $0x50, s11, s15, $0xb8;
	[tilespmem:$0x12200] =	vst v63  }
0xaa: {  	_ =	swait.ge [sflag:s19], $0x2800  }
0xab: {  	[sflag:s19] =	ssyncset.done $0x0  }
0xac: {  	[sflag:s19] =	ssyncadd.s32 $0xFFFFD800  }
0xad: {  	[tilespmem:s12], [sflag:$0x1] =	stream.indirect.gather [hbm4b:s1+s15], $0x50, s20, s15, $0xb8;
	[tilespmem:$0x12200] =	vst v63  }
0xae: {  	_ =	swait.ge [sflag:s21], $0x2800  }
0xaf: {  	[sflag:s21] =	ssyncset.done $0x0  }
0xb0: {  	s11 =	rddreg [dreg:$0x7];
	[sflag:s21] =	ssyncadd.s32 $0xFFFFD800  }
0xb1: {  	[tilespmem:s16], [sflag:$0x2] =	stream.indirect.gather [hbm4b:s1+s15], $0x50, s11, s15, $0xb8;
	[tilespmem:$0x12200] =	vst v63  }
0xb2: {  	_ =	swait.ge [sflag:s17], $0x2800  }
0xb3: {  	[sflag:s17] =	ssyncset.done $0x0  }
0xb4: {  	[sflag:s17] =	ssyncadd.s32 $0xFFFFD800  }
0xb5: {  	[spmem:s3] =	stream.indirect.scatter.add.bf16 [tilespmem:s12], [sflag:$0x3], $0x50, s22, s15, $0xb8;
	[tilespmem:$0x12200] =	vst v63  }
0xb6: {  	_ =	swait.ge [sflag:s18], $0x2800  }
0xb7: {  	[sflag:s18] =	ssyncset.done $0x0  }
0xb8: {  	[sflag:s18] =	ssyncadd.s32 $0xFFFFD800  }
0xb9: {  	[spmem:s3] =	stream.indirect.scatter.add.bf16 [tilespmem:s16], [sflag:$0x4], $0x50, s23, s15, $0xb8;
	[tilespmem:$0x12200] =	vst v63  }
0xba: {  	_ =	swait.ge [sflag:s19], $0x2800  }
0xbb: {  	[sflag:s19] =	ssyncset.done $0x0  }
0xbc: {  	[sflag:s19] =	ssyncadd.s32 $0xFFFFD800  }
0xbd: {  	[tilespmem:s12], [sflag:$0x1] =	stream.indirect.gather [hbm4b:s1+s15], $0x50, s24, s15, $0xb8;
	[tilespmem:$0x12200] =	vst v63  }
0xbe: {  	_ =	swait.ge [sflag:s21], $0x2800  }
0xbf: {  	[sflag:s21] =	ssyncset.done $0x0  }
0xc0: {  	[sflag:s21] =	ssyncadd.s32 $0xFFFFD800  }
0xc1: {  	[tilespmem:s16], [sflag:$0x2] =	stream.indirect.gather [hbm4b:s1+s15], $0x50, s25, s15, $0xb8;
	[tilespmem:$0x12200] =	vst v63  }
0xc2: {  	_ =	swait.ge [sflag:s17], $0x2800  }
0xc3: {  	[sflag:s17] =	ssyncset.done $0x0  }
0xc4: {  	[sflag:s17] =	ssyncadd.s32 $0xFFFFD800  }
0xc5: {  	[spmem:s3] =	stream.indirect.scatter.add.bf16 [tilespmem:s12], [sflag:$0x3], $0x50, s26, s15, $0xb8;
	[tilespmem:$0x12200] =	vst v63  }
0xc6: {  	_ =	swait.ge [sflag:s18], $0x2800  }
0xc7: {  	[sflag:s18] =	ssyncset.done $0x0  }
0xc8: {  	[sflag:s18] =	ssyncadd.s32 $0xFFFFD800  }
0xc9: {  	[spmem:s3] =	stream.indirect.scatter.add.bf16 [tilespmem:s16], [sflag:$0x4], $0x50, s28, s15, $0xb8;
	[tilespmem:$0x12200] =	vst v63  }
0xca: {  	_ =	swait.ge [sflag:s19], $0x2800  }
0xcb: {  	[sflag:s19] =	ssyncset.done $0x0  }
0xcc: {  	[sflag:s19] =	ssyncadd.s32 $0xFFFFD800  }
0xcd: {  	[tilespmem:s12], [sflag:$0x1] =	stream.indirect.gather [hbm4b:s1+s15], $0x50, s29, s15, $0xb8;
	[tilespmem:$0x12200] =	vst v63  }
0xce: {  	_ =	swait.ge [sflag:s21], $0x2800  }
0xcf: {  	[sflag:s21] =	ssyncset.done $0x0  }
0xd0: {  	[sflag:s21] =	ssyncadd.s32 $0xFFFFD800  }
0xd1: {  	[tilespmem:s16], [sflag:$0x2] =	stream.indirect.gather [hbm4b:s1+s15], $0x50, s30, s15, $0xb8;
	[tilespmem:$0x12200] =	vst v63  }
0xd2: {  	_ =	swait.ge [sflag:s17], $0x2800  }
0xd3: {  	[sflag:s17] =	ssyncset.done $0x0  }
0xd4: {  	[sflag:s17] =	ssyncadd.s32 $0xFFFFD800  }
0xd5: {  	[spmem:s3] =	stream.indirect.scatter.add.bf16 [tilespmem:s12], [sflag:$0x3], $0x50, s31, s15, $0xb8;
	[tilespmem:$0x12200] =	vst v63  }
0xd6: {  	_ =	swait.ge [sflag:s18], $0x2800  }
0xd7: {  	[sflag:s18] =	ssyncset.done $0x0  }
0xd8: {  	[sflag:s18] =	ssyncadd.s32 $0xFFFFD800  }
0xd9: {  	[spmem:s3] =	stream.indirect.scatter.add.bf16 [tilespmem:s16], [sflag:$0x4], $0x50, s2, s15, $0xb8;
	[tilespmem:$0x12200] =	vst v63  }
0xda: {  	_ =	swait.ge [sflag:s19], $0x2800  }
0xdb: {  	[sflag:s19] =	ssyncset.done $0x0  }
0xdc: {  	[sflag:s19] =	ssyncadd.s32 $0xFFFFD800  }
0xdd: {  	[tilespmem:s12], [sflag:$0x1] =	stream.indirect.gather [hbm4b:s1+s15], $0x50, s0, s15, $0xb8;
	[tilespmem:$0x12200] =	vst v63  }
0xde: {  	_ =	swait.ge [sflag:s21], $0x2800  }
0xdf: {  	[sflag:s21] =	ssyncset.done $0x0  }
0xe0: {  	[sflag:s21] =	ssyncadd.s32 $0xFFFFD800  }
0xe1: {  	[tilespmem:s16], [sflag:$0x2] =	stream.indirect.gather [hbm4b:s1+s15], $0x50, s6, s15, $0xb8;
	[tilespmem:$0x12200] =	vst v63  }
0xe2: {  	_ =	swait.ge [sflag:s17], $0x2800  }
0xe3: {  	[sflag:s17] =	ssyncset.done $0x0  }
0xe4: {  	[sflag:s17] =	ssyncadd.s32 $0xFFFFD800  }
0xe5: {  	[spmem:s3] =	stream.indirect.scatter.add.bf16 [tilespmem:s12], [sflag:$0x3], $0x50, s7, s15, $0xb8;
	[tilespmem:$0x12200] =	vst v63  }
0xe6: {  	_ =	swait.ge [sflag:s18], $0x2800  }
0xe7: {  	[sflag:s18] =	ssyncset.done $0x0  }
0xe8: {  	p0 =	sne.s32 s10, $0x460;
	[sflag:s18] =	ssyncadd.s32 $0xFFFFD800  }
0xe9: {  	[spmem:s3] =	stream.indirect.scatter.add.bf16 [tilespmem:s16], [sflag:$0x4], $0x50, s8, s15, $0xb8;
	[tilespmem:$0x12200] =	vst v63  }
.Ltmp1:
0xea: {  	_ =	swait.ge [sflag:s19], $0x2800;
	(pc) =	sbr.rel @p0 .LBB2_4-.Ltmp1, $4  }
0xeb: {  	[sflag:s19] =	ssyncset.done $0x0  }
0xec: {  	[sflag:s19] =	ssyncadd.s32 $0xFFFFD800  }
0xed: {  	_ =	swait.ge [sflag:s21], $0x2800  }
0xee: {  	s10 =	sadd.s32 $0xA0, s10;
	[sflag:s21] =	ssyncset.done $0x0  }
0xef: {  	[sflag:s21] =	ssyncadd.s32 $0xFFFFD800  }
0xf0: {  	s5 =	stileid.u32;
	[bflag:$0x0] =	sbarrier.arrive $0xFFFF  }
0xf1: {  	s5 =	sshll.u32 s5, $0x6;
	s10 =	rddreg [dreg:$0x8]  }
0xf2: {  	s5 =	sor.u32 $0x1C05, s5;
	s11 =	rddreg [dreg:$0xd];
	s10 =	sshrl.u32 s10, $0x3  }
0xf3: {  	[hbm:s11], [sflag:s5] =	dma.local [spmem:s10], $0x1900  }
0xf4: {  	_ =	swait.ge [sflag:s13], $0x1900  }
0xf5: {  	s9 =	sadd.s32 $0x1, s9;
	s11 =	rddreg [dreg:$0xe]  }
0xf6: {  	p0 =	sne.s32 s9, s11  }
.Ltmp2:
0xf7: {  	_ = 	snop;
	(pc) =	sbr.rel @p0 .LBB2_1-.Ltmp2, $3  }
0xf8: {  	_ =	sdelay $0x1  }
0xf9: {  	[sflag:s13] =	ssyncset.done $0x0  }
0xfa: {  	[sflag:s13] =	ssyncadd.s32 $0xFFFFE700  }
0xfb: {  	_ =	sfence.sel $0x180000  }
0xfc: {  	[bflag:$0x0] =	sbarrier.arrive $0xFFFF  }
0xfd: {  	_ =	strace $0x90000047  }
0xfe: {  	s0 =	stileid.u32;
	[bflag:$0x2] =	sbarrier.arrive $0xFFFF  }
0xff: {  	p0 =	sne.s32 s0, $0x0;
	s0 =	rddreg [dreg:$0x3]  }
0x100: {  	s0 =	sadd.s32 @!p0 $0x100000, s0  }
0x101: {  	[sflag:s0] =	ssyncadd.tile.s32 @!p0 $0x1;
	_ =	shalt  }
.Lfunc_end2:
_tile_overlayer_lowered:
.L_overlay_start_2:
0x102: {  	(tag) =	ssettag $0x2  }
0x103: {  	s0 =	rddreg [dreg:$0x0];
	s2 =	stileid.u32  }
0x104: {  	s1 =	rddreg [dreg:$0x1];
	p0 =	sne.s32 s2, $0x0  }
0x105: {  	s3 =	rddreg [dreg:$0x2];
	[bflag:$0x3] =	sbarrier.arrive $0xFFFF;
	s2 =	simm.s32 @!p0 $0x1C05  }
0x106: {  	[timem:s3], [sflag:s2] =	dma.local @!p0 [hbm:s0], s1  }
0x107: {  	s0 =	simm.s32 @!p0 $0x5  }
0x108: {  	_ =	swait.ge @!p0 [sflag:s0], s1  }
0x109: {  	s1 =	ssub.s32 @!p0 $0x0, s1;
	[sflag:s0] =	ssyncset.done @!p0 $0x0  }
0x10a: {  	[sflag:s0] =	ssyncadd.s32 @!p0 s1  }
0x10b: {  	[bflag:$0x3] =	sbarrier.arrive $0xFFFF  }
0x10c: {  	_ =	shalt  }

</sc_bundles>
